<compile_context>
chip_gen: v7x
topology: tpu7x:2x2x1
jax: 0.10.2.dev20260603
libtpu: 0.0.44.dev20260713+nightly
codegen_flags: <defaults>
</compile_context>

<pallas_src>
import functools

import jax
import jax.numpy as jnp
from jax import lax
from jax.experimental import pallas as pl
from jax.experimental.pallas import tpu as pltpu
from jax.experimental.pallas import tpu_sc as plsc

_B, _C, _H, _W = 32, 768, 32, 32
_HW = _H * _W
_P = 400
_K1 = max(int(0.3 * _HW), 1)
_LANES = 16
_NSLICES = _HW // _LANES

_DN_RHS_T = (((1,), (1,)), ((), ()))
_DN_STD = (((1,), (0,)), ((), ()))


_NS = 4
_NSTEPS = _B // _NS


def _stage1_body(x_ref, proxy_ref, phi1_ref, phi3_ref, p1_ref, gap3_ref):
    phi1 = phi1_ref[...]
    phi3 = phi3_ref[...]
    for i in range(_NS):
        xb = x_ref[i]
        pb = proxy_ref[i]
        p1_ref[i] = jnp.dot(xb, phi1, preferred_element_type=jnp.float32)
        p3 = jnp.dot(pb, phi3, preferred_element_type=jnp.float32)
        mn = jnp.min(p3)
        m3 = (p3 > mn).astype(jnp.float32)
        gap3_ref[i] = jnp.sum(pb * m3, axis=0, keepdims=True) * (1.0 / _HW)


def _stage1(xt, proxyt, phi1_col, phi3_col):
    return pl.pallas_call(
        _stage1_body,
        grid=(_NSTEPS,),
        in_specs=[
            pl.BlockSpec((_NS, _HW, _C), lambda b: (b, 0, 0)),
            pl.BlockSpec((_NS, _HW, _P), lambda b: (b, 0, 0)),
            pl.BlockSpec((_C, 1), lambda b: (0, 0)),
            pl.BlockSpec((_P, 1), lambda b: (0, 0)),
        ],
        out_specs=[
            pl.BlockSpec((_NS, _HW, 1), lambda b: (b, 0, 0)),
            pl.BlockSpec((_NS, 1, _P), lambda b: (b, 0, 0)),
        ],
        out_shape=[
            jax.ShapeDtypeStruct((_B, _HW, 1), jnp.float32),
            jax.ShapeDtypeStruct((_B, 1, _P), jnp.float32),
        ],
        compiler_params=pltpu.CompilerParams(
            dimension_semantics=("arbitrary",),
            vmem_limit_bytes=120 * 1024 * 1024),
    )(xt, proxyt, phi1_col, phi3_col)


def _sc_body(p_hbm, mask_hbm, row_v, u_v, m_v):
    wid = lax.axis_index("s") * 2 + lax.axis_index("c")
    pltpu.sync_copy(p_hbm.at[wid], row_v)

    for j in range(_NSLICES):
        f = row_v[pl.ds(j * _LANES, _LANES)]
        u = lax.bitcast_convert_type(f, jnp.uint32)
        u = jnp.where(u >= jnp.uint32(0x80000000), ~u, u | jnp.uint32(0x80000000))
        u_v[pl.ds(j * _LANES, _LANES)] = u

    def _bit_step(s, t):
        bit = jnp.uint32(1) << (jnp.uint32(31) - s.astype(jnp.uint32))
        cand = t | bit
        acc = jnp.zeros((_LANES,), jnp.int32)
        for j in range(_NSLICES):
            u = u_v[pl.ds(j * _LANES, _LANES)]
            acc = acc + jnp.where(u >= cand, jnp.int32(1), jnp.int32(0))
        total = jnp.sum(acc)
        return jnp.where(total >= jnp.int32(_K1), cand, t)

    t = lax.fori_loop(0, 32, _bit_step, jnp.uint32(0))

    for j in range(_NSLICES):
        u = u_v[pl.ds(j * _LANES, _LANES)]
        m_v[pl.ds(j * _LANES, _LANES)] = jnp.where(u > t, 1.0, 0.0).astype(
            jnp.float32)
    pltpu.sync_copy(m_v, mask_hbm.at[wid])


@functools.cache
def _sc_topk_mask():
    return functools.partial(
        pl.kernel,
        out_type=jax.ShapeDtypeStruct((_B, _HW), jnp.float32),
        mesh=plsc.VectorSubcoreMesh(core_axis_name="c", subcore_axis_name="s"),
        compiler_params=pltpu.CompilerParams(needs_layout_passes=False),
        scratch_types=[
            pltpu.VMEM((_HW,), jnp.float32),
            pltpu.VMEM((_HW,), jnp.uint32),
            pltpu.VMEM((_HW,), jnp.float32),
        ],
    )(_sc_body)


def _stage3_body(x_ref, m1_ref, gap3_ref, w1_ref, b1_ref, w3_ref,
                 b3_ref, blk_ref, blkb_ref, c2_ref, out_ref):
    gaps = []
    for i in range(_NS):
        g = lax.dot_general(m1_ref[0, i:i + 1], x_ref[i], _DN_STD,
                            preferred_element_type=jnp.float32)
        gaps.append(g * (1.0 / _HW))
    gap1 = jnp.concatenate(gaps, axis=0)
    gap3 = gap3_ref[...].reshape(_NS, _P)
    cl1 = lax.dot_general(gap1, w1_ref[...], _DN_RHS_T,
                          preferred_element_type=jnp.float32) + b1_ref[...]
    cl3 = lax.dot_general(gap3, w3_ref[...], _DN_RHS_T,
                          preferred_element_type=jnp.float32) + b3_ref[...]
    c2 = jnp.broadcast_to(c2_ref[...], (_NS, _C))
    cat = jnp.concatenate([cl1, c2, cl3], axis=1)
    apre = lax.dot_general(cat, blk_ref[...], _DN_RHS_T,
                           preferred_element_type=jnp.float32) + blkb_ref[...]
    a = 1.0 + jnp.tanh(apre)
    for i in range(_NS):
        out_ref[i] = x_ref[i] * a[i:i + 1]


def _stage3(xt, mask3d, gap3, w1, b1r, w3, b3r, blk, blkbr, c2r):
    const = lambda b: (0, 0)
    return pl.pallas_call(
        _stage3_body,
        grid=(_NSTEPS,),
        in_specs=[
            pl.BlockSpec((_NS, _HW, _C), lambda b: (b, 0, 0)),
            pl.BlockSpec((1, _NS, _HW), lambda b: (b, 0, 0)),
            pl.BlockSpec((_NS, 1, _P), lambda b: (b, 0, 0)),
            pl.BlockSpec((_C, _C), const),
            pl.BlockSpec((1, _C), const),
            pl.BlockSpec((_P, _P), const),
            pl.BlockSpec((1, _P), const),
            pl.BlockSpec((_C, 2 * _C + _P), const),
            pl.BlockSpec((1, _C), const),
            pl.BlockSpec((1, _C), const),
        ],
        out_specs=pl.BlockSpec((_NS, _HW, _C), lambda b: (b, 0, 0)),
        out_shape=jax.ShapeDtypeStruct((_B, _HW, _C), jnp.float32),
        compiler_params=pltpu.CompilerParams(
            dimension_semantics=("arbitrary",),
            vmem_limit_bytes=120 * 1024 * 1024),
    )(xt, mask3d, gap3, w1, b1r, w3, b3r, blk, blkbr, c2r)


def kernel(x, proxy_IA_head, cl1_phi_w, cl1_phi_b, cl1_mlp_w, cl1_mlp_b,
           cl2_phi_w, cl2_phi_b, cl2_mlp_w, cl2_mlp_b,
           cl3_phi_w, cl3_phi_b, cl3_mlp_w, cl3_mlp_b,
           blk_mlp_w, blk_mlp_b):
    xt = x.reshape(_B, _C, _HW).transpose(0, 2, 1)
    proxyt = proxy_IA_head.reshape(_B, _P, _HW).transpose(0, 2, 1)

    p1, gap3 = _stage1(xt, proxyt,
                       cl1_phi_w.reshape(_C, 1), cl3_phi_w.reshape(_P, 1))

    mask1 = _sc_topk_mask()(p1.reshape(_B, _HW))

    out = _stage3(
        xt, mask1.reshape(_NSTEPS, _NS, _HW), gap3,
        cl1_mlp_w, cl1_mlp_b.reshape(1, _C),
        cl3_mlp_w, cl3_mlp_b.reshape(1, _P),
        blk_mlp_w, blk_mlp_b.reshape(1, _C), cl2_mlp_b.reshape(1, _C),
    )
    return out.transpose(0, 2, 1).reshape(_B, _C, _H, _W)

# --- scband reference (transcript-rebuilt; emitter-appended) ---
"""Pipeline reference for scband-conditioning-block-60430189855274 (READ-ONLY COPY).

The authoritative reference and input builder live on the scoring server;
editing this copy changes nothing except your own understanding.
"""

import jax, jax.numpy as jnp
import numpy as np


def _cl(z, phi_w, phi_b, mlp_w, mlp_b, beta_pct):
    # conditioning_layer: 1x1 conv (C->1), top-k spatial mask, masked GAP, linear
    B, C, H, W = z.shape
    x = jnp.tensordot(z, phi_w, axes=([1], [0])) + phi_b[0]  # [B, H, W]
    x = x.reshape(B, 1, H * W)
    z_r = z.reshape(B, C, H * W)
    k = max(int(beta_pct * H * W), 1)
    beta_val, _ = jax.lax.top_k(x, k)  # sorted descending, [B, 1, k]
    mask = (x > beta_val[..., -1:]).astype(z.dtype)  # [B, 1, HW]
    gap = jnp.mean(z_r * mask, axis=-1)  # avg_pool1d over full length -> [B, C]
    return gap @ mlp_w.T + mlp_b


def setup_inputs(seed: int = 0) -> dict:
    key = jax.random.key(seed)
    ks = jax.random.split(key, 20)
    B, C, H, W = 32, 768, 32, 32
    P = 400
    inp = {}
    inp['x'] = jax.random.normal(ks[0], (B, C, H, W), dtype=jnp.float32)
    inp['proxy_IA_head'] = jax.random.normal(ks[1], (B, P, H, W), dtype=jnp.float32)
    # CL_1 params (in_dim=768, beta=0.3)
    inp['cl1_phi_w'] = jax.random.normal(ks[2], (C,), dtype=jnp.float32) * (2.0 / C) ** 0.5
    inp['cl1_phi_b'] = jnp.zeros((1,), dtype=jnp.float32)
    inp['cl1_mlp_w'] = jax.random.normal(ks[3], (C, C), dtype=jnp.float32) * 0.02
    inp['cl1_mlp_b'] = jnp.zeros((C,), dtype=jnp.float32)
    # CL_2 params (in_dim=768, beta=0.3)
    inp['cl2_phi_w'] = jax.random.normal(ks[4], (C,), dtype=jnp.float32) * (2.0 / C) ** 0.5
    inp['cl2_phi_b'] = jnp.zeros((1,), dtype=jnp.float32)
    inp['cl2_mlp_w'] = jax.random.normal(ks[5], (C, C), dtype=jnp.float32) * 0.02
    inp['cl2_mlp_b'] = jnp.zeros((C,), dtype=jnp.float32)
    # CL_3 params (proxy_dim=400, beta=1.0)
    inp['cl3_phi_w'] = jax.random.normal(ks[6], (P,), dtype=jnp.float32) * (2.0 / P) ** 0.5
    inp['cl3_phi_b'] = jnp.zeros((1,), dtype=jnp.float32)
    inp['cl3_mlp_w'] = jax.random.normal(ks[7], (P, P), dtype=jnp.float32) * 0.02
    inp['cl3_mlp_b'] = jnp.zeros((P,), dtype=jnp.float32)
    # block mlp: (2*in_dim + proxy_dim) -> in_dim
    inp['blk_mlp_w'] = jax.random.normal(ks[8], (C, 2 * C + P), dtype=jnp.float32) * 0.02
    inp['blk_mlp_b'] = jnp.zeros((C,), dtype=jnp.float32)
    return inp


def reference(x, proxy_IA_head,
              cl1_phi_w, cl1_phi_b, cl1_mlp_w, cl1_mlp_b,
              cl2_phi_w, cl2_phi_b, cl2_mlp_w, cl2_mlp_b,
              cl3_phi_w, cl3_phi_b, cl3_mlp_w, cl3_mlp_b,
              blk_mlp_w, blk_mlp_b):
    # global average pool over spatial dims
    px1 = jnp.mean(x, axis=(2, 3), keepdims=True)  # [B, C, 1, 1]
    x_delta = jnp.sum(px1, axis=0, keepdims=True) - px1  # [B, C, 1, 1] (kept 4D for conv)
    cl_out_1 = _cl(x, cl1_phi_w, cl1_phi_b, cl1_mlp_w, cl1_mlp_b, 0.3)
    cl_out_2 = _cl(x_delta, cl2_phi_w, cl2_phi_b, cl2_mlp_w, cl2_mlp_b, 0.3)
    cl_out_3 = _cl(proxy_IA_head, cl3_phi_w, cl3_phi_b, cl3_mlp_w, cl3_mlp_b, 1.0)
    a = jnp.concatenate([cl_out_1, cl_out_2, cl_out_3], axis=1) @ blk_mlp_w.T + blk_mlp_b
    a = 1.0 + jnp.tanh(a)
    return a[:, :, None, None] * x

if __name__ == "__main__":
    import jax
    _d = setup_inputs()
    print(jax.jit(kernel)(*tuple(_d.values())))

</pallas_src>

<mosaic_0001>
#map = affine_map<(d0, d1) -> (0, 0)>
module attributes {stable_mosaic.version = 14 : i64} {
  func.func @_sc_body(%arg0: i32, %arg1: i32, %arg2: memref<32x1024xf32, #tpu.memory_space<hbm>>, %arg3: memref<32x1024xf32, #tpu.memory_space<hbm>>, %arg4: memref<1024xf32, #tpu.memory_space<vmem>>, %arg5: memref<1024xi32, #tpu.memory_space<vmem>>, %arg6: memref<1024xf32, #tpu.memory_space<vmem>>) attributes {dimension_semantics = [#tpu.dimension_semantics<core_parallel>, #tpu.dimension_semantics<subcore_parallel>], iteration_bounds = array<i64: 2, 16>, scalar_prefetch = 0 : i64, scratch_operands = 3 : i64, tpu.core_type = #tpu.core_type<sc_vector_subcore>, window_params = [{transform_indices = #map}, {transform_indices = #map}]} {
    %mul3A = arith.constant 2 : i32
    %mul3A_0 = arith.muli %arg1, %mul3A : i32
    %add3A = arith.addi %mul3A_0, %arg0 : i32
    "tpu.region"() ({
      %run_scoped3A = tpu.sem_alloc : memref<!tpu.dma_semaphore, #tpu.memory_space<semaphore_mem>>
      %dma_start3A = arith.constant 0 : i32
      %dma_start3A_1597 = tpu.memref_slice %arg2[%add3A, %dma_start3A] : memref<32x1024xf32, #tpu.memory_space<hbm>> -> memref<1x1024xf32, #tpu.memory_space<hbm>>
      %dma_start3A_1598 = tpu.memref_squeeze %dma_start3A_1597 : memref<1x1024xf32, #tpu.memory_space<hbm>> -> memref<1024xf32, #tpu.memory_space<hbm>>
      %dma_start3A_1599 = arith.constant 0 : i32
      %dma_start3A_1600 = tpu.memref_slice %arg2[%add3A, %dma_start3A_1599] : memref<32x1024xf32, #tpu.memory_space<hbm>> -> memref<1x1024xf32, #tpu.memory_space<hbm>>
      %dma_start3A_1601 = tpu.memref_squeeze %dma_start3A_1600 : memref<1x1024xf32, #tpu.memory_space<hbm>> -> memref<1024xf32, #tpu.memory_space<hbm>>
      tpu.enqueue_dma source(%dma_start3A_1601 : memref<1024xf32, #tpu.memory_space<hbm>>) target(%arg4 : memref<1024xf32, #tpu.memory_space<vmem>>) target_semaphore(%run_scoped3A : memref<!tpu.dma_semaphore, #tpu.memory_space<semaphore_mem>>)
      %dma_wait3A = arith.constant 0 : i32
      %dma_wait3A_1602 = tpu.memref_slice %arg2[%add3A, %dma_wait3A] : memref<32x1024xf32, #tpu.memory_space<hbm>> -> memref<1x1024xf32, #tpu.memory_space<hbm>>
      %dma_wait3A_1603 = tpu.memref_squeeze %dma_wait3A_1602 : memref<1x1024xf32, #tpu.memory_space<hbm>> -> memref<1024xf32, #tpu.memory_space<hbm>>
      %dma_wait3A_1604 = arith.constant 0 : i32
      %dma_wait3A_1605 = tpu.memref_slice %arg2[%add3A, %dma_wait3A_1604] : memref<32x1024xf32, #tpu.memory_space<hbm>> -> memref<1x1024xf32, #tpu.memory_space<hbm>>
      %dma_wait3A_1606 = tpu.memref_squeeze %dma_wait3A_1605 : memref<1x1024xf32, #tpu.memory_space<hbm>> -> memref<1024xf32, #tpu.memory_space<hbm>>
      tpu.wait_dma2 semaphore(%run_scoped3A : memref<!tpu.dma_semaphore, #tpu.memory_space<semaphore_mem>>) src(%dma_wait3A_1606 : memref<1024xf32, #tpu.memory_space<hbm>>) dst(%arg4 : memref<1024xf32, #tpu.memory_space<vmem>>)
      tpu.yield
    }) : () -> ()
    %get3A = arith.constant 0 : index
    %get3A_1 = tpu.vector_load %arg4[%get3A] {strides = array<i32>} : memref<1024xf32, #tpu.memory_space<vmem>>, vector<16xf32>,
    %bitcast_convert_type3A = tpu.bitcast %get3A_1 : vector<16xf32> -> vector<16xi32>
    %ge3A = arith.constant -2147483648 : i32
    %ge3A_2 = vector.broadcast %ge3A : i32 to vector<16xi32>
    %ge3A_3 = arith.cmpi uge, %bitcast_convert_type3A, %ge3A_2 : vector<16xi32>
    %not3A = arith.constant dense<-1> : vector<16xi32>
    %not3A_4 = arith.xori %bitcast_convert_type3A, %not3A : vector<16xi32>
    %or3A = arith.constant -2147483648 : i32
    %or3A_5 = vector.broadcast %or3A : i32 to vector<16xi32>
    %or3A_6 = arith.ori %bitcast_convert_type3A, %or3A_5 : vector<16xi32>
    %select_n3A = arith.select %ge3A_3, %not3A_4, %or3A_6 : vector<16xi1>, vector<16xi32>
    %swap3A = arith.constant 0 : index
    %swap3A_7 = tpu.vector_load %arg5[%swap3A] {strides = array<i32>} : memref<1024xi32, #tpu.memory_space<vmem>>, vector<16xi32>,
    tpu.vector_store %arg5[%swap3A], %select_n3A {strides = array<i32>} : memref<1024xi32, #tpu.memory_space<vmem>>, vector<16xi32>,
    %get3A_8 = arith.constant 16 : index
    %get3A_9 = tpu.vector_load %arg4[%get3A_8] {strides = array<i32>} : memref<1024xf32, #tpu.memory_space<vmem>>, vector<16xf32>,
    %bitcast_convert_type3A_10 = tpu.bitcast %get3A_9 : vector<16xf32> -> vector<16xi32>
    %ge3A_11 = arith.constant -2147483648 : i32
    %ge3A_12 = vector.broadcast %ge3A_11 : i32 to vector<16xi32>
    %ge3A_13 = arith.cmpi uge, %bitcast_convert_type3A_10, %ge3A_12 : vector<16xi32>
    %not3A_14 = arith.constant dense<-1> : vector<16xi32>
    %not3A_15 = arith.xori %bitcast_convert_type3A_10, %not3A_14 : vector<16xi32>
    %or3A_16 = arith.constant -2147483648 : i32
    %or3A_17 = vector.broadcast %or3A_16 : i32 to vector<16xi32>
    %or3A_18 = arith.ori %bitcast_convert_type3A_10, %or3A_17 : vector<16xi32>
    %select_n3A_19 = arith.select %ge3A_13, %not3A_15, %or3A_18 : vector<16xi1>, vector<16xi32>
    %swap3A_20 = arith.constant 16 : index
    %swap3A_21 = tpu.vector_load %arg5[%swap3A_20] {strides = array<i32>} : memref<1024xi32, #tpu.memory_space<vmem>>, vector<16xi32>,
    tpu.vector_store %arg5[%swap3A_20], %select_n3A_19 {strides = array<i32>} : memref<1024xi32, #tpu.memory_space<vmem>>, vector<16xi32>,
    %get3A_22 = arith.constant 32 : index
    %get3A_23 = tpu.vector_load %arg4[%get3A_22] {strides = array<i32>} : memref<1024xf32, #tpu.memory_space<vmem>>, vector<16xf32>,
    %bitcast_convert_type3A_24 = tpu.bitcast %get3A_23 : vector<16xf32> -> vector<16xi32>
    %ge3A_25 = arith.constant -2147483648 : i32
    %ge3A_26 = vector.broadcast %ge3A_25 : i32 to vector<16xi32>
    %ge3A_27 = arith.cmpi uge, %bitcast_convert_type3A_24, %ge3A_26 : vector<16xi32>
    %not3A_28 = arith.constant dense<-1> : vector<16xi32>
    %not3A_29 = arith.xori %bitcast_convert_type3A_24, %not3A_28 : vector<16xi32>
    %or3A_30 = arith.constant -2147483648 : i32
    %or3A_31 = vector.broadcast %or3A_30 : i32 to vector<16xi32>
    %or3A_32 = arith.ori %bitcast_convert_type3A_24, %or3A_31 : vector<16xi32>
    %select_n3A_33 = arith.select %ge3A_27, %not3A_29, %or3A_32 : vector<16xi1>, vector<16xi32>
    %swap3A_34 = arith.constant 32 : index
    %swap3A_35 = tpu.vector_load %arg5[%swap3A_34] {strides = array<i32>} : memref<1024xi32, #tpu.memory_space<vmem>>, vector<16xi32>,
    tpu.vector_store %arg5[%swap3A_34], %select_n3A_33 {strides = array<i32>} : memref<1024xi32, #tpu.memory_space<vmem>>, vector<16xi32>,
    %get3A_36 = arith.constant 48 : index
    %get3A_37 = tpu.vector_load %arg4[%get3A_36] {strides = array<i32>} : memref<1024xf32, #tpu.memory_space<vmem>>, vector<16xf32>,
    %bitcast_convert_type3A_38 = tpu.bitcast %get3A_37 : vector<16xf32> -> vector<16xi32>
    %ge3A_39 = arith.constant -2147483648 : i32
    %ge3A_40 = vector.broadcast %ge3A_39 : i32 to vector<16xi32>
    %ge3A_41 = arith.cmpi uge, %bitcast_convert_type3A_38, %ge3A_40 : vector<16xi32>
    %not3A_42 = arith.constant dense<-1> : vector<16xi32>
    %not3A_43 = arith.xori %bitcast_convert_type3A_38, %not3A_42 : vector<16xi32>
    %or3A_44 = arith.constant -2147483648 : i32
    %or3A_45 = vector.broadcast %or3A_44 : i32 to vector<16xi32>
    %or3A_46 = arith.ori %bitcast_convert_type3A_38, %or3A_45 : vector<16xi32>
    %select_n3A_47 = arith.select %ge3A_41, %not3A_43, %or3A_46 : vector<16xi1>, vector<16xi32>
    %swap3A_48 = arith.constant 48 : index
    %swap3A_49 = tpu.vector_load %arg5[%swap3A_48] {strides = array<i32>} : memref<1024xi32, #tpu.memory_space<vmem>>, vector<16xi32>,
    tpu.vector_store %arg5[%swap3A_48], %select_n3A_47 {strides = array<i32>} : memref<1024xi32, #tpu.memory_space<vmem>>, vector<16xi32>,
    %get3A_50 = arith.constant 64 : index
    %get3A_51 = tpu.vector_load %arg4[%get3A_50] {strides = array<i32>} : memref<1024xf32, #tpu.memory_space<vmem>>, vector<16xf32>,
    %bitcast_convert_type3A_52 = tpu.bitcast %get3A_51 : vector<16xf32> -> vector<16xi32>
    %ge3A_53 = arith.constant -2147483648 : i32
    %ge3A_54 = vector.broadcast %ge3A_53 : i32 to vector<16xi32>
    %ge3A_55 = arith.cmpi uge, %bitcast_convert_type3A_52, %ge3A_54 : vector<16xi32>
    %not3A_56 = arith.constant dense<-1> : vector<16xi32>
    %not3A_57 = arith.xori %bitcast_convert_type3A_52, %not3A_56 : vector<16xi32>
    %or3A_58 = arith.constant -2147483648 : i32
    %or3A_59 = vector.broadcast %or3A_58 : i32 to vector<16xi32>
    %or3A_60 = arith.ori %bitcast_convert_type3A_52, %or3A_59 : vector<16xi32>
    %select_n3A_61 = arith.select %ge3A_55, %not3A_57, %or3A_60 : vector<16xi1>, vector<16xi32>
    %swap3A_62 = arith.constant 64 : index
    %swap3A_63 = tpu.vector_load %arg5[%swap3A_62] {strides = array<i32>} : memref<1024xi32, #tpu.memory_space<vmem>>, vector<16xi32>,
    tpu.vector_store %arg5[%swap3A_62], %select_n3A_61 {strides = array<i32>} : memref<1024xi32, #tpu.memory_space<vmem>>, vector<16xi32>,
    %get3A_64 = arith.constant 80 : index
    %get3A_65 = tpu.vector_load %arg4[%get3A_64] {strides = array<i32>} : memref<1024xf32, #tpu.memory_space<vmem>>, vector<16xf32>,
    %bitcast_convert_type3A_66 = tpu.bitcast %get3A_65 : vector<16xf32> -> vector<16xi32>
    %ge3A_67 = arith.constant -2147483648 : i32
    %ge3A_68 = vector.broadcast %ge3A_67 : i32 to vector<16xi32>
    %ge3A_69 = arith.cmpi uge, %bitcast_convert_type3A_66, %ge3A_68 : vector<16xi32>
    %not3A_70 = arith.constant dense<-1> : vector<16xi32>
    %not3A_71 = arith.xori %bitcast_convert_type3A_66, %not3A_70 : vector<16xi32>
    %or3A_72 = arith.constant -2147483648 : i32
    %or3A_73 = vector.broadcast %or3A_72 : i32 to vector<16xi32>
    %or3A_74 = arith.ori %bitcast_convert_type3A_66, %or3A_73 : vector<16xi32>
    %select_n3A_75 = arith.select %ge3A_69, %not3A_71, %or3A_74 : vector<16xi1>, vector<16xi32>
    %swap3A_76 = arith.constant 80 : index
    %swap3A_77 = tpu.vector_load %arg5[%swap3A_76] {strides = array<i32>} : memref<1024xi32, #tpu.memory_space<vmem>>, vector<16xi32>,
    tpu.vector_store %arg5[%swap3A_76], %select_n3A_75 {strides = array<i32>} : memref<1024xi32, #tpu.memory_space<vmem>>, vector<16xi32>,
    %get3A_78 = arith.constant 96 : index
    %get3A_79 = tpu.vector_load %arg4[%get3A_78] {strides = array<i32>} : memref<1024xf32, #tpu.memory_space<vmem>>, vector<16xf32>,
    %bitcast_convert_type3A_80 = tpu.bitcast %get3A_79 : vector<16xf32> -> vector<16xi32>
    %ge3A_81 = arith.constant -2147483648 : i32
    %ge3A_82 = vector.broadcast %ge3A_81 : i32 to vector<16xi32>
    %ge3A_83 = arith.cmpi uge, %bitcast_convert_type3A_80, %ge3A_82 : vector<16xi32>
    %not3A_84 = arith.constant dense<-1> : vector<16xi32>
    %not3A_85 = arith.xori %bitcast_convert_type3A_80, %not3A_84 : vector<16xi32>
    %or3A_86 = arith.constant -2147483648 : i32
    %or3A_87 = vector.broadcast %or3A_86 : i32 to vector<16xi32>
    %or3A_88 = arith.ori %bitcast_convert_type3A_80, %or3A_87 : vector<16xi32>
    %select_n3A_89 = arith.select %ge3A_83, %not3A_85, %or3A_88 : vector<16xi1>, vector<16xi32>
    %swap3A_90 = arith.constant 96 : index
    %swap3A_91 = tpu.vector_load %arg5[%swap3A_90] {strides = array<i32>} : memref<1024xi32, #tpu.memory_space<vmem>>, vector<16xi32>,
    tpu.vector_store %arg5[%swap3A_90], %select_n3A_89 {strides = array<i32>} : memref<1024xi32, #tpu.memory_space<vmem>>, vector<16xi32>,
    %get3A_92 = arith.constant 112 : index
    %get3A_93 = tpu.vector_load %arg4[%get3A_92] {strides = array<i32>} : memref<1024xf32, #tpu.memory_space<vmem>>, vector<16xf32>,
    %bitcast_convert_type3A_94 = tpu.bitcast %get3A_93 : vector<16xf32> -> vector<16xi32>
    %ge3A_95 = arith.constant -2147483648 : i32
    %ge3A_96 = vector.broadcast %ge3A_95 : i32 to vector<16xi32>
    %ge3A_97 = arith.cmpi uge, %bitcast_convert_type3A_94, %ge3A_96 : vector<16xi32>
    %not3A_98 = arith.constant dense<-1> : vector<16xi32>
    %not3A_99 = arith.xori %bitcast_convert_type3A_94, %not3A_98 : vector<16xi32>
    %or3A_100 = arith.constant -2147483648 : i32
    %or3A_101 = vector.broadcast %or3A_100 : i32 to vector<16xi32>
    %or3A_102 = arith.ori %bitcast_convert_type3A_94, %or3A_101 : vector<16xi32>
    %select_n3A_103 = arith.select %ge3A_97, %not3A_99, %or3A_102 : vector<16xi1>, vector<16xi32>
    %swap3A_104 = arith.constant 112 : index
    %swap3A_105 = tpu.vector_load %arg5[%swap3A_104] {strides = array<i32>} : memref<1024xi32, #tpu.memory_space<vmem>>, vector<16xi32>,
    tpu.vector_store %arg5[%swap3A_104], %select_n3A_103 {strides = array<i32>} : memref<1024xi32, #tpu.memory_space<vmem>>, vector<16xi32>,
    %get3A_106 = arith.constant 128 : index
    %get3A_107 = tpu.vector_load %arg4[%get3A_106] {strides = array<i32>} : memref<1024xf32, #tpu.memory_space<vmem>>, vector<16xf32>,
    %bitcast_convert_type3A_108 = tpu.bitcast %get3A_107 : vector<16xf32> -> vector<16xi32>
    %ge3A_109 = arith.constant -2147483648 : i32
    %ge3A_110 = vector.broadcast %ge3A_109 : i32 to vector<16xi32>
    %ge3A_111 = arith.cmpi uge, %bitcast_convert_type3A_108, %ge3A_110 : vector<16xi32>
    %not3A_112 = arith.constant dense<-1> : vector<16xi32>
    %not3A_113 = arith.xori %bitcast_convert_type3A_108, %not3A_112 : vector<16xi32>
    %or3A_114 = arith.constant -2147483648 : i32
    %or3A_115 = vector.broadcast %or3A_114 : i32 to vector<16xi32>
    %or3A_116 = arith.ori %bitcast_convert_type3A_108, %or3A_115 : vector<16xi32>
    %select_n3A_117 = arith.select %ge3A_111, %not3A_113, %or3A_116 : vector<16xi1>, vector<16xi32>
    %swap3A_118 = arith.constant 128 : index
    %swap3A_119 = tpu.vector_load %arg5[%swap3A_118] {strides = array<i32>} : memref<1024xi32, #tpu.memory_space<vmem>>, vector<16xi32>,
    tpu.vector_store %arg5[%swap3A_118], %select_n3A_117 {strides = array<i32>} : memref<1024xi32, #tpu.memory_space<vmem>>, vector<16xi32>,
    %get3A_120 = arith.constant 144 : index
    %get3A_121 = tpu.vector_load %arg4[%get3A_120] {strides = array<i32>} : memref<1024xf32, #tpu.memory_space<vmem>>, vector<16xf32>,
    %bitcast_convert_type3A_122 = tpu.bitcast %get3A_121 : vector<16xf32> -> vector<16xi32>
    %ge3A_123 = arith.constant -2147483648 : i32
    %ge3A_124 = vector.broadcast %ge3A_123 : i32 to vector<16xi32>
    %ge3A_125 = arith.cmpi uge, %bitcast_convert_type3A_122, %ge3A_124 : vector<16xi32>
    %not3A_126 = arith.constant dense<-1> : vector<16xi32>
    %not3A_127 = arith.xori %bitcast_convert_type3A_122, %not3A_126 : vector<16xi32>
    %or3A_128 = arith.constant -2147483648 : i32
    %or3A_129 = vector.broadcast %or3A_128 : i32 to vector<16xi32>
    %or3A_130 = arith.ori %bitcast_convert_type3A_122, %or3A_129 : vector<16xi32>
    %select_n3A_131 = arith.select %ge3A_125, %not3A_127, %or3A_130 : vector<16xi1>, vector<16xi32>
    %swap3A_132 = arith.constant 144 : index
    %swap3A_133 = tpu.vector_load %arg5[%swap3A_132] {strides = array<i32>} : memref<1024xi32, #tpu.memory_space<vmem>>, vector<16xi32>,
    tpu.vector_store %arg5[%swap3A_132], %select_n3A_131 {strides = array<i32>} : memref<1024xi32, #tpu.memory_space<vmem>>, vector<16xi32>,
    %get3A_134 = arith.constant 160 : index
    %get3A_135 = tpu.vector_load %arg4[%get3A_134] {strides = array<i32>} : memref<1024xf32, #tpu.memory_space<vmem>>, vector<16xf32>,
    %bitcast_convert_type3A_136 = tpu.bitcast %get3A_135 : vector<16xf32> -> vector<16xi32>
    %ge3A_137 = arith.constant -2147483648 : i32
    %ge3A_138 = vector.broadcast %ge3A_137 : i32 to vector<16xi32>
    %ge3A_139 = arith.cmpi uge, %bitcast_convert_type3A_136, %ge3A_138 : vector<16xi32>
    %not3A_140 = arith.constant dense<-1> : vector<16xi32>
    %not3A_141 = arith.xori %bitcast_convert_type3A_136, %not3A_140 : vector<16xi32>
    %or3A_142 = arith.constant -2147483648 : i32
    %or3A_143 = vector.broadcast %or3A_142 : i32 to vector<16xi32>
    %or3A_144 = arith.ori %bitcast_convert_type3A_136, %or3A_143 : vector<16xi32>
    %select_n3A_145 = arith.select %ge3A_139, %not3A_141, %or3A_144 : vector<16xi1>, vector<16xi32>
    %swap3A_146 = arith.constant 160 : index
    %swap3A_147 = tpu.vector_load %arg5[%swap3A_146] {strides = array<i32>} : memref<1024xi32, #tpu.memory_space<vmem>>, vector<16xi32>,
    tpu.vector_store %arg5[%swap3A_146], %select_n3A_145 {strides = array<i32>} : memref<1024xi32, #tpu.memory_space<vmem>>, vector<16xi32>,
    %get3A_148 = arith.constant 176 : index
    %get3A_149 = tpu.vector_load %arg4[%get3A_148] {strides = array<i32>} : memref<1024xf32, #tpu.memory_space<vmem>>, vector<16xf32>,
    %bitcast_convert_type3A_150 = tpu.bitcast %get3A_149 : vector<16xf32> -> vector<16xi32>
    %ge3A_151 = arith.constant -2147483648 : i32
    %ge3A_152 = vector.broadcast %ge3A_151 : i32 to vector<16xi32>
    %ge3A_153 = arith.cmpi uge, %bitcast_convert_type3A_150, %ge3A_152 : vector<16xi32>
    %not3A_154 = arith.constant dense<-1> : vector<16xi32>
    %not3A_155 = arith.xori %bitcast_convert_type3A_150, %not3A_154 : vector<16xi32>
    %or3A_156 = arith.constant -2147483648 : i32
    %or3A_157 = vector.broadcast %or3A_156 : i32 to vector<16xi32>
    %or3A_158 = arith.ori %bitcast_convert_type3A_150, %or3A_157 : vector<16xi32>
    %select_n3A_159 = arith.select %ge3A_153, %not3A_155, %or3A_158 : vector<16xi1>, vector<16xi32>
    %swap3A_160 = arith.constant 176 : index
    %swap3A_161 = tpu.vector_load %arg5[%swap3A_160] {strides = array<i32>} : memref<1024xi32, #tpu.memory_space<vmem>>, vector<16xi32>,
    tpu.vector_store %arg5[%swap3A_160], %select_n3A_159 {strides = array<i32>} : memref<1024xi32, #tpu.memory_space<vmem>>, vector<16xi32>,
    %get3A_162 = arith.constant 192 : index
    %get3A_163 = tpu.vector_load %arg4[%get3A_162] {strides = array<i32>} : memref<1024xf32, #tpu.memory_space<vmem>>, vector<16xf32>,
    %bitcast_convert_type3A_164 = tpu.bitcast %get3A_163 : vector<16xf32> -> vector<16xi32>
    %ge3A_165 = arith.constant -2147483648 : i32
    %ge3A_166 = vector.broadcast %ge3A_165 : i32 to vector<16xi32>
    %ge3A_167 = arith.cmpi uge, %bitcast_convert_type3A_164, %ge3A_166 : vector<16xi32>
    %not3A_168 = arith.constant dense<-1> : vector<16xi32>
    %not3A_169 = arith.xori %bitcast_convert_type3A_164, %not3A_168 : vector<16xi32>
    %or3A_170 = arith.constant -2147483648 : i32
    %or3A_171 = vector.broadcast %or3A_170 : i32 to vector<16xi32>
    %or3A_172 = arith.ori %bitcast_convert_type3A_164, %or3A_171 : vector<16xi32>
    %select_n3A_173 = arith.select %ge3A_167, %not3A_169, %or3A_172 : vector<16xi1>, vector<16xi32>
    %swap3A_174 = arith.constant 192 : index
    %swap3A_175 = tpu.vector_load %arg5[%swap3A_174] {strides = array<i32>} : memref<1024xi32, #tpu.memory_space<vmem>>, vector<16xi32>,
    tpu.vector_store %arg5[%swap3A_174], %select_n3A_173 {strides = array<i32>} : memref<1024xi32, #tpu.memory_space<vmem>>, vector<16xi32>,
    %get3A_176 = arith.constant 208 : index
    %get3A_177 = tpu.vector_load %arg4[%get3A_176] {strides = array<i32>} : memref<1024xf32, #tpu.memory_space<vmem>>, vector<16xf32>,
    %bitcast_convert_type3A_178 = tpu.bitcast %get3A_177 : vector<16xf32> -> vector<16xi32>
    %ge3A_179 = arith.constant -2147483648 : i32
    %ge3A_180 = vector.broadcast %ge3A_179 : i32 to vector<16xi32>
    %ge3A_181 = arith.cmpi uge, %bitcast_convert_type3A_178, %ge3A_180 : vector<16xi32>
    %not3A_182 = arith.constant dense<-1> : vector<16xi32>
    %not3A_183 = arith.xori %bitcast_convert_type3A_178, %not3A_182 : vector<16xi32>
    %or3A_184 = arith.constant -2147483648 : i32
    %or3A_185 = vector.broadcast %or3A_184 : i32 to vector<16xi32>
    %or3A_186 = arith.ori %bitcast_convert_type3A_178, %or3A_185 : vector<16xi32>
    %select_n3A_187 = arith.select %ge3A_181, %not3A_183, %or3A_186 : vector<16xi1>, vector<16xi32>
    %swap3A_188 = arith.constant 208 : index
    %swap3A_189 = tpu.vector_load %arg5[%swap3A_188] {strides = array<i32>} : memref<1024xi32, #tpu.memory_space<vmem>>, vector<16xi32>,
    tpu.vector_store %arg5[%swap3A_188], %select_n3A_187 {strides = array<i32>} : memref<1024xi32, #tpu.memory_space<vmem>>, vector<16xi32>,
    %get3A_190 = arith.constant 224 : index
    %get3A_191 = tpu.vector_load %arg4[%get3A_190] {strides = array<i32>} : memref<1024xf32, #tpu.memory_space<vmem>>, vector<16xf32>,
    %bitcast_convert_type3A_192 = tpu.bitcast %get3A_191 : vector<16xf32> -> vector<16xi32>
    %ge3A_193 = arith.constant -2147483648 : i32
    %ge3A_194 = vector.broadcast %ge3A_193 : i32 to vector<16xi32>
    %ge3A_195 = arith.cmpi uge, %bitcast_convert_type3A_192, %ge3A_194 : vector<16xi32>
    %not3A_196 = arith.constant dense<-1> : vector<16xi32>
    %not3A_197 = arith.xori %bitcast_convert_type3A_192, %not3A_196 : vector<16xi32>
    %or3A_198 = arith.constant -2147483648 : i32
    %or3A_199 = vector.broadcast %or3A_198 : i32 to vector<16xi32>
    %or3A_200 = arith.ori %bitcast_convert_type3A_192, %or3A_199 : vector<16xi32>
    %select_n3A_201 = arith.select %ge3A_195, %not3A_197, %or3A_200 : vector<16xi1>, vector<16xi32>
    %swap3A_202 = arith.constant 224 : index
    %swap3A_203 = tpu.vector_load %arg5[%swap3A_202] {strides = array<i32>} : memref<1024xi32, #tpu.memory_space<vmem>>, vector<16xi32>,
    tpu.vector_store %arg5[%swap3A_202], %select_n3A_201 {strides = array<i32>} : memref<1024xi32, #tpu.memory_space<vmem>>, vector<16xi32>,
    %get3A_204 = arith.constant 240 : index
    %get3A_205 = tpu.vector_load %arg4[%get3A_204] {strides = array<i32>} : memref<1024xf32, #tpu.memory_space<vmem>>, vector<16xf32>,
    %bitcast_convert_type3A_206 = tpu.bitcast %get3A_205 : vector<16xf32> -> vector<16xi32>
    %ge3A_207 = arith.constant -2147483648 : i32
    %ge3A_208 = vector.broadcast %ge3A_207 : i32 to vector<16xi32>
    %ge3A_209 = arith.cmpi uge, %bitcast_convert_type3A_206, %ge3A_208 : vector<16xi32>
    %not3A_210 = arith.constant dense<-1> : vector<16xi32>
    %not3A_211 = arith.xori %bitcast_convert_type3A_206, %not3A_210 : vector<16xi32>
    %or3A_212 = arith.constant -2147483648 : i32
    %or3A_213 = vector.broadcast %or3A_212 : i32 to vector<16xi32>
    %or3A_214 = arith.ori %bitcast_convert_type3A_206, %or3A_213 : vector<16xi32>
    %select_n3A_215 = arith.select %ge3A_209, %not3A_211, %or3A_214 : vector<16xi1>, vector<16xi32>
    %swap3A_216 = arith.constant 240 : index
    %swap3A_217 = tpu.vector_load %arg5[%swap3A_216] {strides = array<i32>} : memref<1024xi32, #tpu.memory_space<vmem>>, vector<16xi32>,
    tpu.vector_store %arg5[%swap3A_216], %select_n3A_215 {strides = array<i32>} : memref<1024xi32, #tpu.memory_space<vmem>>, vector<16xi32>,
    %get3A_218 = arith.constant 256 : index
    %get3A_219 = tpu.vector_load %arg4[%get3A_218] {strides = array<i32>} : memref<1024xf32, #tpu.memory_space<vmem>>, vector<16xf32>,
    %bitcast_convert_type3A_220 = tpu.bitcast %get3A_219 : vector<16xf32> -> vector<16xi32>
    %ge3A_221 = arith.constant -2147483648 : i32
    %ge3A_222 = vector.broadcast %ge3A_221 : i32 to vector<16xi32>
    %ge3A_223 = arith.cmpi uge, %bitcast_convert_type3A_220, %ge3A_222 : vector<16xi32>
    %not3A_224 = arith.constant dense<-1> : vector<16xi32>
    %not3A_225 = arith.xori %bitcast_convert_type3A_220, %not3A_224 : vector<16xi32>
    %or3A_226 = arith.constant -2147483648 : i32
    %or3A_227 = vector.broadcast %or3A_226 : i32 to vector<16xi32>
    %or3A_228 = arith.ori %bitcast_convert_type3A_220, %or3A_227 : vector<16xi32>
    %select_n3A_229 = arith.select %ge3A_223, %not3A_225, %or3A_228 : vector<16xi1>, vector<16xi32>
    %swap3A_230 = arith.constant 256 : index
    %swap3A_231 = tpu.vector_load %arg5[%swap3A_230] {strides = array<i32>} : memref<1024xi32, #tpu.memory_space<vmem>>, vector<16xi32>,
    tpu.vector_store %arg5[%swap3A_230], %select_n3A_229 {strides = array<i32>} : memref<1024xi32, #tpu.memory_space<vmem>>, vector<16xi32>,
    %get3A_232 = arith.constant 272 : index
    %get3A_233 = tpu.vector_load %arg4[%get3A_232] {strides = array<i32>} : memref<1024xf32, #tpu.memory_space<vmem>>, vector<16xf32>,
    %bitcast_convert_type3A_234 = tpu.bitcast %get3A_233 : vector<16xf32> -> vector<16xi32>
    %ge3A_235 = arith.constant -2147483648 : i32
    %ge3A_236 = vector.broadcast %ge3A_235 : i32 to vector<16xi32>
    %ge3A_237 = arith.cmpi uge, %bitcast_convert_type3A_234, %ge3A_236 : vector<16xi32>
    %not3A_238 = arith.constant dense<-1> : vector<16xi32>
    %not3A_239 = arith.xori %bitcast_convert_type3A_234, %not3A_238 : vector<16xi32>
    %or3A_240 = arith.constant -2147483648 : i32
    %or3A_241 = vector.broadcast %or3A_240 : i32 to vector<16xi32>
    %or3A_242 = arith.ori %bitcast_convert_type3A_234, %or3A_241 : vector<16xi32>
    %select_n3A_243 = arith.select %ge3A_237, %not3A_239, %or3A_242 : vector<16xi1>, vector<16xi32>
    %swap3A_244 = arith.constant 272 : index
    %swap3A_245 = tpu.vector_load %arg5[%swap3A_244] {strides = array<i32>} : memref<1024xi32, #tpu.memory_space<vmem>>, vector<16xi32>,
    tpu.vector_store %arg5[%swap3A_244], %select_n3A_243 {strides = array<i32>} : memref<1024xi32, #tpu.memory_space<vmem>>, vector<16xi32>,
    %get3A_246 = arith.constant 288 : index
    %get3A_247 = tpu.vector_load %arg4[%get3A_246] {strides = array<i32>} : memref<1024xf32, #tpu.memory_space<vmem>>, vector<16xf32>,
    %bitcast_convert_type3A_248 = tpu.bitcast %get3A_247 : vector<16xf32> -> vector<16xi32>
    %ge3A_249 = arith.constant -2147483648 : i32
    %ge3A_250 = vector.broadcast %ge3A_249 : i32 to vector<16xi32>
    %ge3A_251 = arith.cmpi uge, %bitcast_convert_type3A_248, %ge3A_250 : vector<16xi32>
    %not3A_252 = arith.constant dense<-1> : vector<16xi32>
    %not3A_253 = arith.xori %bitcast_convert_type3A_248, %not3A_252 : vector<16xi32>
    %or3A_254 = arith.constant -2147483648 : i32
    %or3A_255 = vector.broadcast %or3A_254 : i32 to vector<16xi32>
    %or3A_256 = arith.ori %bitcast_convert_type3A_248, %or3A_255 : vector<16xi32>
    %select_n3A_257 = arith.select %ge3A_251, %not3A_253, %or3A_256 : vector<16xi1>, vector<16xi32>
    %swap3A_258 = arith.constant 288 : index
    %swap3A_259 = tpu.vector_load %arg5[%swap3A_258] {strides = array<i32>} : memref<1024xi32, #tpu.memory_space<vmem>>, vector<16xi32>,
    tpu.vector_store %arg5[%swap3A_258], %select_n3A_257 {strides = array<i32>} : memref<1024xi32, #tpu.memory_space<vmem>>, vector<16xi32>,
    %get3A_260 = arith.constant 304 : index
    %get3A_261 = tpu.vector_load %arg4[%get3A_260] {strides = array<i32>} : memref<1024xf32, #tpu.memory_space<vmem>>, vector<16xf32>,
    %bitcast_convert_type3A_262 = tpu.bitcast %get3A_261 : vector<16xf32> -> vector<16xi32>
    %ge3A_263 = arith.constant -2147483648 : i32
    %ge3A_264 = vector.broadcast %ge3A_263 : i32 to vector<16xi32>
    %ge3A_265 = arith.cmpi uge, %bitcast_convert_type3A_262, %ge3A_264 : vector<16xi32>
    %not3A_266 = arith.constant dense<-1> : vector<16xi32>
    %not3A_267 = arith.xori %bitcast_convert_type3A_262, %not3A_266 : vector<16xi32>
    %or3A_268 = arith.constant -2147483648 : i32
    %or3A_269 = vector.broadcast %or3A_268 : i32 to vector<16xi32>
    %or3A_270 = arith.ori %bitcast_convert_type3A_262, %or3A_269 : vector<16xi32>
    %select_n3A_271 = arith.select %ge3A_265, %not3A_267, %or3A_270 : vector<16xi1>, vector<16xi32>
    %swap3A_272 = arith.constant 304 : index
    %swap3A_273 = tpu.vector_load %arg5[%swap3A_272] {strides = array<i32>} : memref<1024xi32, #tpu.memory_space<vmem>>, vector<16xi32>,
    tpu.vector_store %arg5[%swap3A_272], %select_n3A_271 {strides = array<i32>} : memref<1024xi32, #tpu.memory_space<vmem>>, vector<16xi32>,
    %get3A_274 = arith.constant 320 : index
    %get3A_275 = tpu.vector_load %arg4[%get3A_274] {strides = array<i32>} : memref<1024xf32, #tpu.memory_space<vmem>>, vector<16xf32>,
    %bitcast_convert_type3A_276 = tpu.bitcast %get3A_275 : vector<16xf32> -> vector<16xi32>
    %ge3A_277 = arith.constant -2147483648 : i32
    %ge3A_278 = vector.broadcast %ge3A_277 : i32 to vector<16xi32>
    %ge3A_279 = arith.cmpi uge, %bitcast_convert_type3A_276, %ge3A_278 : vector<16xi32>
    %not3A_280 = arith.constant dense<-1> : vector<16xi32>
    %not3A_281 = arith.xori %bitcast_convert_type3A_276, %not3A_280 : vector<16xi32>
    %or3A_282 = arith.constant -2147483648 : i32
    %or3A_283 = vector.broadcast %or3A_282 : i32 to vector<16xi32>
    %or3A_284 = arith.ori %bitcast_convert_type3A_276, %or3A_283 : vector<16xi32>
    %select_n3A_285 = arith.select %ge3A_279, %not3A_281, %or3A_284 : vector<16xi1>, vector<16xi32>
    %swap3A_286 = arith.constant 320 : index
    %swap3A_287 = tpu.vector_load %arg5[%swap3A_286] {strides = array<i32>} : memref<1024xi32, #tpu.memory_space<vmem>>, vector<16xi32>,
    tpu.vector_store %arg5[%swap3A_286], %select_n3A_285 {strides = array<i32>} : memref<1024xi32, #tpu.memory_space<vmem>>, vector<16xi32>,
    %get3A_288 = arith.constant 336 : index
    %get3A_289 = tpu.vector_load %arg4[%get3A_288] {strides = array<i32>} : memref<1024xf32, #tpu.memory_space<vmem>>, vector<16xf32>,
    %bitcast_convert_type3A_290 = tpu.bitcast %get3A_289 : vector<16xf32> -> vector<16xi32>
    %ge3A_291 = arith.constant -2147483648 : i32
    %ge3A_292 = vector.broadcast %ge3A_291 : i32 to vector<16xi32>
    %ge3A_293 = arith.cmpi uge, %bitcast_convert_type3A_290, %ge3A_292 : vector<16xi32>
    %not3A_294 = arith.constant dense<-1> : vector<16xi32>
    %not3A_295 = arith.xori %bitcast_convert_type3A_290, %not3A_294 : vector<16xi32>
    %or3A_296 = arith.constant -2147483648 : i32
    %or3A_297 = vector.broadcast %or3A_296 : i32 to vector<16xi32>
    %or3A_298 = arith.ori %bitcast_convert_type3A_290, %or3A_297 : vector<16xi32>
    %select_n3A_299 = arith.select %ge3A_293, %not3A_295, %or3A_298 : vector<16xi1>, vector<16xi32>
    %swap3A_300 = arith.constant 336 : index
    %swap3A_301 = tpu.vector_load %arg5[%swap3A_300] {strides = array<i32>} : memref<1024xi32, #tpu.memory_space<vmem>>, vector<16xi32>,
    tpu.vector_store %arg5[%swap3A_300], %select_n3A_299 {strides = array<i32>} : memref<1024xi32, #tpu.memory_space<vmem>>, vector<16xi32>,
    %get3A_302 = arith.constant 352 : index
    %get3A_303 = tpu.vector_load %arg4[%get3A_302] {strides = array<i32>} : memref<1024xf32, #tpu.memory_space<vmem>>, vector<16xf32>,
    %bitcast_convert_type3A_304 = tpu.bitcast %get3A_303 : vector<16xf32> -> vector<16xi32>
    %ge3A_305 = arith.constant -2147483648 : i32
    %ge3A_306 = vector.broadcast %ge3A_305 : i32 to vector<16xi32>
    %ge3A_307 = arith.cmpi uge, %bitcast_convert_type3A_304, %ge3A_306 : vector<16xi32>
    %not3A_308 = arith.constant dense<-1> : vector<16xi32>
    %not3A_309 = arith.xori %bitcast_convert_type3A_304, %not3A_308 : vector<16xi32>
    %or3A_310 = arith.constant -2147483648 : i32
    %or3A_311 = vector.broadcast %or3A_310 : i32 to vector<16xi32>
    %or3A_312 = arith.ori %bitcast_convert_type3A_304, %or3A_311 : vector<16xi32>
    %select_n3A_313 = arith.select %ge3A_307, %not3A_309, %or3A_312 : vector<16xi1>, vector<16xi32>
    %swap3A_314 = arith.constant 352 : index
    %swap3A_315 = tpu.vector_load %arg5[%swap3A_314] {strides = array<i32>} : memref<1024xi32, #tpu.memory_space<vmem>>, vector<16xi32>,
    tpu.vector_store %arg5[%swap3A_314], %select_n3A_313 {strides = array<i32>} : memref<1024xi32, #tpu.memory_space<vmem>>, vector<16xi32>,
    %get3A_316 = arith.constant 368 : index
    %get3A_317 = tpu.vector_load %arg4[%get3A_316] {strides = array<i32>} : memref<1024xf32, #tpu.memory_space<vmem>>, vector<16xf32>,
    %bitcast_convert_type3A_318 = tpu.bitcast %get3A_317 : vector<16xf32> -> vector<16xi32>
    %ge3A_319 = arith.constant -2147483648 : i32
    %ge3A_320 = vector.broadcast %ge3A_319 : i32 to vector<16xi32>
    %ge3A_321 = arith.cmpi uge, %bitcast_convert_type3A_318, %ge3A_320 : vector<16xi32>
    %not3A_322 = arith.constant dense<-1> : vector<16xi32>
    %not3A_323 = arith.xori %bitcast_convert_type3A_318, %not3A_322 : vector<16xi32>
    %or3A_324 = arith.constant -2147483648 : i32
    %or3A_325 = vector.broadcast %or3A_324 : i32 to vector<16xi32>
    %or3A_326 = arith.ori %bitcast_convert_type3A_318, %or3A_325 : vector<16xi32>
    %select_n3A_327 = arith.select %ge3A_321, %not3A_323, %or3A_326 : vector<16xi1>, vector<16xi32>
    %swap3A_328 = arith.constant 368 : index
    %swap3A_329 = tpu.vector_load %arg5[%swap3A_328] {strides = array<i32>} : memref<1024xi32, #tpu.memory_space<vmem>>, vector<16xi32>,
    tpu.vector_store %arg5[%swap3A_328], %select_n3A_327 {strides = array<i32>} : memref<1024xi32, #tpu.memory_space<vmem>>, vector<16xi32>,
    %get3A_330 = arith.constant 384 : index
    %get3A_331 = tpu.vector_load %arg4[%get3A_330] {strides = array<i32>} : memref<1024xf32, #tpu.memory_space<vmem>>, vector<16xf32>,
    %bitcast_convert_type3A_332 = tpu.bitcast %get3A_331 : vector<16xf32> -> vector<16xi32>
    %ge3A_333 = arith.constant -2147483648 : i32
    %ge3A_334 = vector.broadcast %ge3A_333 : i32 to vector<16xi32>
    %ge3A_335 = arith.cmpi uge, %bitcast_convert_type3A_332, %ge3A_334 : vector<16xi32>
    %not3A_336 = arith.constant dense<-1> : vector<16xi32>
    %not3A_337 = arith.xori %bitcast_convert_type3A_332, %not3A_336 : vector<16xi32>
    %or3A_338 = arith.constant -2147483648 : i32
    %or3A_339 = vector.broadcast %or3A_338 : i32 to vector<16xi32>
    %or3A_340 = arith.ori %bitcast_convert_type3A_332, %or3A_339 : vector<16xi32>
    %select_n3A_341 = arith.select %ge3A_335, %not3A_337, %or3A_340 : vector<16xi1>, vector<16xi32>
    %swap3A_342 = arith.constant 384 : index
    %swap3A_343 = tpu.vector_load %arg5[%swap3A_342] {strides = array<i32>} : memref<1024xi32, #tpu.memory_space<vmem>>, vector<16xi32>,
    tpu.vector_store %arg5[%swap3A_342], %select_n3A_341 {strides = array<i32>} : memref<1024xi32, #tpu.memory_space<vmem>>, vector<16xi32>,
    %get3A_344 = arith.constant 400 : index
    %get3A_345 = tpu.vector_load %arg4[%get3A_344] {strides = array<i32>} : memref<1024xf32, #tpu.memory_space<vmem>>, vector<16xf32>,
    %bitcast_convert_type3A_346 = tpu.bitcast %get3A_345 : vector<16xf32> -> vector<16xi32>
    %ge3A_347 = arith.constant -2147483648 : i32
    %ge3A_348 = vector.broadcast %ge3A_347 : i32 to vector<16xi32>
    %ge3A_349 = arith.cmpi uge, %bitcast_convert_type3A_346, %ge3A_348 : vector<16xi32>
    %not3A_350 = arith.constant dense<-1> : vector<16xi32>
    %not3A_351 = arith.xori %bitcast_convert_type3A_346, %not3A_350 : vector<16xi32>
    %or3A_352 = arith.constant -2147483648 : i32
    %or3A_353 = vector.broadcast %or3A_352 : i32 to vector<16xi32>
    %or3A_354 = arith.ori %bitcast_convert_type3A_346, %or3A_353 : vector<16xi32>
    %select_n3A_355 = arith.select %ge3A_349, %not3A_351, %or3A_354 : vector<16xi1>, vector<16xi32>
    %swap3A_356 = arith.constant 400 : index
    %swap3A_357 = tpu.vector_load %arg5[%swap3A_356] {strides = array<i32>} : memref<1024xi32, #tpu.memory_space<vmem>>, vector<16xi32>,
    tpu.vector_store %arg5[%swap3A_356], %select_n3A_355 {strides = array<i32>} : memref<1024xi32, #tpu.memory_space<vmem>>, vector<16xi32>,
    %get3A_358 = arith.constant 416 : index
    %get3A_359 = tpu.vector_load %arg4[%get3A_358] {strides = array<i32>} : memref<1024xf32, #tpu.memory_space<vmem>>, vector<16xf32>,
    %bitcast_convert_type3A_360 = tpu.bitcast %get3A_359 : vector<16xf32> -> vector<16xi32>
    %ge3A_361 = arith.constant -2147483648 : i32
    %ge3A_362 = vector.broadcast %ge3A_361 : i32 to vector<16xi32>
    %ge3A_363 = arith.cmpi uge, %bitcast_convert_type3A_360, %ge3A_362 : vector<16xi32>
    %not3A_364 = arith.constant dense<-1> : vector<16xi32>
    %not3A_365 = arith.xori %bitcast_convert_type3A_360, %not3A_364 : vector<16xi32>
    %or3A_366 = arith.constant -2147483648 : i32
    %or3A_367 = vector.broadcast %or3A_366 : i32 to vector<16xi32>
    %or3A_368 = arith.ori %bitcast_convert_type3A_360, %or3A_367 : vector<16xi32>
    %select_n3A_369 = arith.select %ge3A_363, %not3A_365, %or3A_368 : vector<16xi1>, vector<16xi32>
    %swap3A_370 = arith.constant 416 : index
    %swap3A_371 = tpu.vector_load %arg5[%swap3A_370] {strides = array<i32>} : memref<1024xi32, #tpu.memory_space<vmem>>, vector<16xi32>,
    tpu.vector_store %arg5[%swap3A_370], %select_n3A_369 {strides = array<i32>} : memref<1024xi32, #tpu.memory_space<vmem>>, vector<16xi32>,
    %get3A_372 = arith.constant 432 : index
    %get3A_373 = tpu.vector_load %arg4[%get3A_372] {strides = array<i32>} : memref<1024xf32, #tpu.memory_space<vmem>>, vector<16xf32>,
    %bitcast_convert_type3A_374 = tpu.bitcast %get3A_373 : vector<16xf32> -> vector<16xi32>
    %ge3A_375 = arith.constant -2147483648 : i32
    %ge3A_376 = vector.broadcast %ge3A_375 : i32 to vector<16xi32>
    %ge3A_377 = arith.cmpi uge, %bitcast_convert_type3A_374, %ge3A_376 : vector<16xi32>
    %not3A_378 = arith.constant dense<-1> : vector<16xi32>
    %not3A_379 = arith.xori %bitcast_convert_type3A_374, %not3A_378 : vector<16xi32>
    %or3A_380 = arith.constant -2147483648 : i32
    %or3A_381 = vector.broadcast %or3A_380 : i32 to vector<16xi32>
    %or3A_382 = arith.ori %bitcast_convert_type3A_374, %or3A_381 : vector<16xi32>
    %select_n3A_383 = arith.select %ge3A_377, %not3A_379, %or3A_382 : vector<16xi1>, vector<16xi32>
    %swap3A_384 = arith.constant 432 : index
    %swap3A_385 = tpu.vector_load %arg5[%swap3A_384] {strides = array<i32>} : memref<1024xi32, #tpu.memory_space<vmem>>, vector<16xi32>,
    tpu.vector_store %arg5[%swap3A_384], %select_n3A_383 {strides = array<i32>} : memref<1024xi32, #tpu.memory_space<vmem>>, vector<16xi32>,
    %get3A_386 = arith.constant 448 : index
    %get3A_387 = tpu.vector_load %arg4[%get3A_386] {strides = array<i32>} : memref<1024xf32, #tpu.memory_space<vmem>>, vector<16xf32>,
    %bitcast_convert_type3A_388 = tpu.bitcast %get3A_387 : vector<16xf32> -> vector<16xi32>
    %ge3A_389 = arith.constant -2147483648 : i32
    %ge3A_390 = vector.broadcast %ge3A_389 : i32 to vector<16xi32>
    %ge3A_391 = arith.cmpi uge, %bitcast_convert_type3A_388, %ge3A_390 : vector<16xi32>
    %not3A_392 = arith.constant dense<-1> : vector<16xi32>
    %not3A_393 = arith.xori %bitcast_convert_type3A_388, %not3A_392 : vector<16xi32>
    %or3A_394 = arith.constant -2147483648 : i32
    %or3A_395 = vector.broadcast %or3A_394 : i32 to vector<16xi32>
    %or3A_396 = arith.ori %bitcast_convert_type3A_388, %or3A_395 : vector<16xi32>
    %select_n3A_397 = arith.select %ge3A_391, %not3A_393, %or3A_396 : vector<16xi1>, vector<16xi32>
    %swap3A_398 = arith.constant 448 : index
    %swap3A_399 = tpu.vector_load %arg5[%swap3A_398] {strides = array<i32>} : memref<1024xi32, #tpu.memory_space<vmem>>, vector<16xi32>,
    tpu.vector_store %arg5[%swap3A_398], %select_n3A_397 {strides = array<i32>} : memref<1024xi32, #tpu.memory_space<vmem>>, vector<16xi32>,
    %get3A_400 = arith.constant 464 : index
    %get3A_401 = tpu.vector_load %arg4[%get3A_400] {strides = array<i32>} : memref<1024xf32, #tpu.memory_space<vmem>>, vector<16xf32>,
    %bitcast_convert_type3A_402 = tpu.bitcast %get3A_401 : vector<16xf32> -> vector<16xi32>
    %ge3A_403 = arith.constant -2147483648 : i32
    %ge3A_404 = vector.broadcast %ge3A_403 : i32 to vector<16xi32>
    %ge3A_405 = arith.cmpi uge, %bitcast_convert_type3A_402, %ge3A_404 : vector<16xi32>
    %not3A_406 = arith.constant dense<-1> : vector<16xi32>
    %not3A_407 = arith.xori %bitcast_convert_type3A_402, %not3A_406 : vector<16xi32>
    %or3A_408 = arith.constant -2147483648 : i32
    %or3A_409 = vector.broadcast %or3A_408 : i32 to vector<16xi32>
    %or3A_410 = arith.ori %bitcast_convert_type3A_402, %or3A_409 : vector<16xi32>
    %select_n3A_411 = arith.select %ge3A_405, %not3A_407, %or3A_410 : vector<16xi1>, vector<16xi32>
    %swap3A_412 = arith.constant 464 : index
    %swap3A_413 = tpu.vector_load %arg5[%swap3A_412] {strides = array<i32>} : memref<1024xi32, #tpu.memory_space<vmem>>, vector<16xi32>,
    tpu.vector_store %arg5[%swap3A_412], %select_n3A_411 {strides = array<i32>} : memref<1024xi32, #tpu.memory_space<vmem>>, vector<16xi32>,
    %get3A_414 = arith.constant 480 : index
    %get3A_415 = tpu.vector_load %arg4[%get3A_414] {strides = array<i32>} : memref<1024xf32, #tpu.memory_space<vmem>>, vector<16xf32>,
    %bitcast_convert_type3A_416 = tpu.bitcast %get3A_415 : vector<16xf32> -> vector<16xi32>
    %ge3A_417 = arith.constant -2147483648 : i32
    %ge3A_418 = vector.broadcast %ge3A_417 : i32 to vector<16xi32>
    %ge3A_419 = arith.cmpi uge, %bitcast_convert_type3A_416, %ge3A_418 : vector<16xi32>
    %not3A_420 = arith.constant dense<-1> : vector<16xi32>
    %not3A_421 = arith.xori %bitcast_convert_type3A_416, %not3A_420 : vector<16xi32>
    %or3A_422 = arith.constant -2147483648 : i32
    %or3A_423 = vector.broadcast %or3A_422 : i32 to vector<16xi32>
    %or3A_424 = arith.ori %bitcast_convert_type3A_416, %or3A_423 : vector<16xi32>
    %select_n3A_425 = arith.select %ge3A_419, %not3A_421, %or3A_424 : vector<16xi1>, vector<16xi32>
    %swap3A_426 = arith.constant 480 : index
    %swap3A_427 = tpu.vector_load %arg5[%swap3A_426] {strides = array<i32>} : memref<1024xi32, #tpu.memory_space<vmem>>, vector<16xi32>,
    tpu.vector_store %arg5[%swap3A_426], %select_n3A_425 {strides = array<i32>} : memref<1024xi32, #tpu.memory_space<vmem>>, vector<16xi32>,
    %get3A_428 = arith.constant 496 : index
    %get3A_429 = tpu.vector_load %arg4[%get3A_428] {strides = array<i32>} : memref<1024xf32, #tpu.memory_space<vmem>>, vector<16xf32>,
    %bitcast_convert_type3A_430 = tpu.bitcast %get3A_429 : vector<16xf32> -> vector<16xi32>
    %ge3A_431 = arith.constant -2147483648 : i32
    %ge3A_432 = vector.broadcast %ge3A_431 : i32 to vector<16xi32>
    %ge3A_433 = arith.cmpi uge, %bitcast_convert_type3A_430, %ge3A_432 : vector<16xi32>
    %not3A_434 = arith.constant dense<-1> : vector<16xi32>
    %not3A_435 = arith.xori %bitcast_convert_type3A_430, %not3A_434 : vector<16xi32>
    %or3A_436 = arith.constant -2147483648 : i32
    %or3A_437 = vector.broadcast %or3A_436 : i32 to vector<16xi32>
    %or3A_438 = arith.ori %bitcast_convert_type3A_430, %or3A_437 : vector<16xi32>
    %select_n3A_439 = arith.select %ge3A_433, %not3A_435, %or3A_438 : vector<16xi1>, vector<16xi32>
    %swap3A_440 = arith.constant 496 : index
    %swap3A_441 = tpu.vector_load %arg5[%swap3A_440] {strides = array<i32>} : memref<1024xi32, #tpu.memory_space<vmem>>, vector<16xi32>,
    tpu.vector_store %arg5[%swap3A_440], %select_n3A_439 {strides = array<i32>} : memref<1024xi32, #tpu.memory_space<vmem>>, vector<16xi32>,
    %get3A_442 = arith.constant 512 : index
    %get3A_443 = tpu.vector_load %arg4[%get3A_442] {strides = array<i32>} : memref<1024xf32, #tpu.memory_space<vmem>>, vector<16xf32>,
    %bitcast_convert_type3A_444 = tpu.bitcast %get3A_443 : vector<16xf32> -> vector<16xi32>
    %ge3A_445 = arith.constant -2147483648 : i32
    %ge3A_446 = vector.broadcast %ge3A_445 : i32 to vector<16xi32>
    %ge3A_447 = arith.cmpi uge, %bitcast_convert_type3A_444, %ge3A_446 : vector<16xi32>
    %not3A_448 = arith.constant dense<-1> : vector<16xi32>
    %not3A_449 = arith.xori %bitcast_convert_type3A_444, %not3A_448 : vector<16xi32>
    %or3A_450 = arith.constant -2147483648 : i32
    %or3A_451 = vector.broadcast %or3A_450 : i32 to vector<16xi32>
    %or3A_452 = arith.ori %bitcast_convert_type3A_444, %or3A_451 : vector<16xi32>
    %select_n3A_453 = arith.select %ge3A_447, %not3A_449, %or3A_452 : vector<16xi1>, vector<16xi32>
    %swap3A_454 = arith.constant 512 : index
    %swap3A_455 = tpu.vector_load %arg5[%swap3A_454] {strides = array<i32>} : memref<1024xi32, #tpu.memory_space<vmem>>, vector<16xi32>,
    tpu.vector_store %arg5[%swap3A_454], %select_n3A_453 {strides = array<i32>} : memref<1024xi32, #tpu.memory_space<vmem>>, vector<16xi32>,
    %get3A_456 = arith.constant 528 : index
    %get3A_457 = tpu.vector_load %arg4[%get3A_456] {strides = array<i32>} : memref<1024xf32, #tpu.memory_space<vmem>>, vector<16xf32>,
    %bitcast_convert_type3A_458 = tpu.bitcast %get3A_457 : vector<16xf32> -> vector<16xi32>
    %ge3A_459 = arith.constant -2147483648 : i32
    %ge3A_460 = vector.broadcast %ge3A_459 : i32 to vector<16xi32>
    %ge3A_461 = arith.cmpi uge, %bitcast_convert_type3A_458, %ge3A_460 : vector<16xi32>
    %not3A_462 = arith.constant dense<-1> : vector<16xi32>
    %not3A_463 = arith.xori %bitcast_convert_type3A_458, %not3A_462 : vector<16xi32>
    %or3A_464 = arith.constant -2147483648 : i32
    %or3A_465 = vector.broadcast %or3A_464 : i32 to vector<16xi32>
    %or3A_466 = arith.ori %bitcast_convert_type3A_458, %or3A_465 : vector<16xi32>
    %select_n3A_467 = arith.select %ge3A_461, %not3A_463, %or3A_466 : vector<16xi1>, vector<16xi32>
    %swap3A_468 = arith.constant 528 : index
    %swap3A_469 = tpu.vector_load %arg5[%swap3A_468] {strides = array<i32>} : memref<1024xi32, #tpu.memory_space<vmem>>, vector<16xi32>,
    tpu.vector_store %arg5[%swap3A_468], %select_n3A_467 {strides = array<i32>} : memref<1024xi32, #tpu.memory_space<vmem>>, vector<16xi32>,
    %get3A_470 = arith.constant 544 : index
    %get3A_471 = tpu.vector_load %arg4[%get3A_470] {strides = array<i32>} : memref<1024xf32, #tpu.memory_space<vmem>>, vector<16xf32>,
    %bitcast_convert_type3A_472 = tpu.bitcast %get3A_471 : vector<16xf32> -> vector<16xi32>
    %ge3A_473 = arith.constant -2147483648 : i32
    %ge3A_474 = vector.broadcast %ge3A_473 : i32 to vector<16xi32>
    %ge3A_475 = arith.cmpi uge, %bitcast_convert_type3A_472, %ge3A_474 : vector<16xi32>
    %not3A_476 = arith.constant dense<-1> : vector<16xi32>
    %not3A_477 = arith.xori %bitcast_convert_type3A_472, %not3A_476 : vector<16xi32>
    %or3A_478 = arith.constant -2147483648 : i32
    %or3A_479 = vector.broadcast %or3A_478 : i32 to vector<16xi32>
    %or3A_480 = arith.ori %bitcast_convert_type3A_472, %or3A_479 : vector<16xi32>
    %select_n3A_481 = arith.select %ge3A_475, %not3A_477, %or3A_480 : vector<16xi1>, vector<16xi32>
    %swap3A_482 = arith.constant 544 : index
    %swap3A_483 = tpu.vector_load %arg5[%swap3A_482] {strides = array<i32>} : memref<1024xi32, #tpu.memory_space<vmem>>, vector<16xi32>,
    tpu.vector_store %arg5[%swap3A_482], %select_n3A_481 {strides = array<i32>} : memref<1024xi32, #tpu.memory_space<vmem>>, vector<16xi32>,
    %get3A_484 = arith.constant 560 : index
    %get3A_485 = tpu.vector_load %arg4[%get3A_484] {strides = array<i32>} : memref<1024xf32, #tpu.memory_space<vmem>>, vector<16xf32>,
    %bitcast_convert_type3A_486 = tpu.bitcast %get3A_485 : vector<16xf32> -> vector<16xi32>
    %ge3A_487 = arith.constant -2147483648 : i32
    %ge3A_488 = vector.broadcast %ge3A_487 : i32 to vector<16xi32>
    %ge3A_489 = arith.cmpi uge, %bitcast_convert_type3A_486, %ge3A_488 : vector<16xi32>
    %not3A_490 = arith.constant dense<-1> : vector<16xi32>
    %not3A_491 = arith.xori %bitcast_convert_type3A_486, %not3A_490 : vector<16xi32>
    %or3A_492 = arith.constant -2147483648 : i32
    %or3A_493 = vector.broadcast %or3A_492 : i32 to vector<16xi32>
    %or3A_494 = arith.ori %bitcast_convert_type3A_486, %or3A_493 : vector<16xi32>
    %select_n3A_495 = arith.select %ge3A_489, %not3A_491, %or3A_494 : vector<16xi1>, vector<16xi32>
    %swap3A_496 = arith.constant 560 : index
    %swap3A_497 = tpu.vector_load %arg5[%swap3A_496] {strides = array<i32>} : memref<1024xi32, #tpu.memory_space<vmem>>, vector<16xi32>,
    tpu.vector_store %arg5[%swap3A_496], %select_n3A_495 {strides = array<i32>} : memref<1024xi32, #tpu.memory_space<vmem>>, vector<16xi32>,
    %get3A_498 = arith.constant 576 : index
    %get3A_499 = tpu.vector_load %arg4[%get3A_498] {strides = array<i32>} : memref<1024xf32, #tpu.memory_space<vmem>>, vector<16xf32>,
    %bitcast_convert_type3A_500 = tpu.bitcast %get3A_499 : vector<16xf32> -> vector<16xi32>
    %ge3A_501 = arith.constant -2147483648 : i32
    %ge3A_502 = vector.broadcast %ge3A_501 : i32 to vector<16xi32>
    %ge3A_503 = arith.cmpi uge, %bitcast_convert_type3A_500, %ge3A_502 : vector<16xi32>
    %not3A_504 = arith.constant dense<-1> : vector<16xi32>
    %not3A_505 = arith.xori %bitcast_convert_type3A_500, %not3A_504 : vector<16xi32>
    %or3A_506 = arith.constant -2147483648 : i32
    %or3A_507 = vector.broadcast %or3A_506 : i32 to vector<16xi32>
    %or3A_508 = arith.ori %bitcast_convert_type3A_500, %or3A_507 : vector<16xi32>
    %select_n3A_509 = arith.select %ge3A_503, %not3A_505, %or3A_508 : vector<16xi1>, vector<16xi32>
    %swap3A_510 = arith.constant 576 : index
    %swap3A_511 = tpu.vector_load %arg5[%swap3A_510] {strides = array<i32>} : memref<1024xi32, #tpu.memory_space<vmem>>, vector<16xi32>,
    tpu.vector_store %arg5[%swap3A_510], %select_n3A_509 {strides = array<i32>} : memref<1024xi32, #tpu.memory_space<vmem>>, vector<16xi32>,
    %get3A_512 = arith.constant 592 : index
    %get3A_513 = tpu.vector_load %arg4[%get3A_512] {strides = array<i32>} : memref<1024xf32, #tpu.memory_space<vmem>>, vector<16xf32>,
    %bitcast_convert_type3A_514 = tpu.bitcast %get3A_513 : vector<16xf32> -> vector<16xi32>
    %ge3A_515 = arith.constant -2147483648 : i32
    %ge3A_516 = vector.broadcast %ge3A_515 : i32 to vector<16xi32>
    %ge3A_517 = arith.cmpi uge, %bitcast_convert_type3A_514, %ge3A_516 : vector<16xi32>
    %not3A_518 = arith.constant dense<-1> : vector<16xi32>
    %not3A_519 = arith.xori %bitcast_convert_type3A_514, %not3A_518 : vector<16xi32>
    %or3A_520 = arith.constant -2147483648 : i32
    %or3A_521 = vector.broadcast %or3A_520 : i32 to vector<16xi32>
    %or3A_522 = arith.ori %bitcast_convert_type3A_514, %or3A_521 : vector<16xi32>
    %select_n3A_523 = arith.select %ge3A_517, %not3A_519, %or3A_522 : vector<16xi1>, vector<16xi32>
    %swap3A_524 = arith.constant 592 : index
    %swap3A_525 = tpu.vector_load %arg5[%swap3A_524] {strides = array<i32>} : memref<1024xi32, #tpu.memory_space<vmem>>, vector<16xi32>,
    tpu.vector_store %arg5[%swap3A_524], %select_n3A_523 {strides = array<i32>} : memref<1024xi32, #tpu.memory_space<vmem>>, vector<16xi32>,
    %get3A_526 = arith.constant 608 : index
    %get3A_527 = tpu.vector_load %arg4[%get3A_526] {strides = array<i32>} : memref<1024xf32, #tpu.memory_space<vmem>>, vector<16xf32>,
    %bitcast_convert_type3A_528 = tpu.bitcast %get3A_527 : vector<16xf32> -> vector<16xi32>
    %ge3A_529 = arith.constant -2147483648 : i32
    %ge3A_530 = vector.broadcast %ge3A_529 : i32 to vector<16xi32>
    %ge3A_531 = arith.cmpi uge, %bitcast_convert_type3A_528, %ge3A_530 : vector<16xi32>
    %not3A_532 = arith.constant dense<-1> : vector<16xi32>
    %not3A_533 = arith.xori %bitcast_convert_type3A_528, %not3A_532 : vector<16xi32>
    %or3A_534 = arith.constant -2147483648 : i32
    %or3A_535 = vector.broadcast %or3A_534 : i32 to vector<16xi32>
    %or3A_536 = arith.ori %bitcast_convert_type3A_528, %or3A_535 : vector<16xi32>
    %select_n3A_537 = arith.select %ge3A_531, %not3A_533, %or3A_536 : vector<16xi1>, vector<16xi32>
    %swap3A_538 = arith.constant 608 : index
    %swap3A_539 = tpu.vector_load %arg5[%swap3A_538] {strides = array<i32>} : memref<1024xi32, #tpu.memory_space<vmem>>, vector<16xi32>,
    tpu.vector_store %arg5[%swap3A_538], %select_n3A_537 {strides = array<i32>} : memref<1024xi32, #tpu.memory_space<vmem>>, vector<16xi32>,
    %get3A_540 = arith.constant 624 : index
    %get3A_541 = tpu.vector_load %arg4[%get3A_540] {strides = array<i32>} : memref<1024xf32, #tpu.memory_space<vmem>>, vector<16xf32>,
    %bitcast_convert_type3A_542 = tpu.bitcast %get3A_541 : vector<16xf32> -> vector<16xi32>
    %ge3A_543 = arith.constant -2147483648 : i32
    %ge3A_544 = vector.broadcast %ge3A_543 : i32 to vector<16xi32>
    %ge3A_545 = arith.cmpi uge, %bitcast_convert_type3A_542, %ge3A_544 : vector<16xi32>
    %not3A_546 = arith.constant dense<-1> : vector<16xi32>
    %not3A_547 = arith.xori %bitcast_convert_type3A_542, %not3A_546 : vector<16xi32>
    %or3A_548 = arith.constant -2147483648 : i32
    %or3A_549 = vector.broadcast %or3A_548 : i32 to vector<16xi32>
    %or3A_550 = arith.ori %bitcast_convert_type3A_542, %or3A_549 : vector<16xi32>
    %select_n3A_551 = arith.select %ge3A_545, %not3A_547, %or3A_550 : vector<16xi1>, vector<16xi32>
    %swap3A_552 = arith.constant 624 : index
    %swap3A_553 = tpu.vector_load %arg5[%swap3A_552] {strides = array<i32>} : memref<1024xi32, #tpu.memory_space<vmem>>, vector<16xi32>,
    tpu.vector_store %arg5[%swap3A_552], %select_n3A_551 {strides = array<i32>} : memref<1024xi32, #tpu.memory_space<vmem>>, vector<16xi32>,
    %get3A_554 = arith.constant 640 : index
    %get3A_555 = tpu.vector_load %arg4[%get3A_554] {strides = array<i32>} : memref<1024xf32, #tpu.memory_space<vmem>>, vector<16xf32>,
    %bitcast_convert_type3A_556 = tpu.bitcast %get3A_555 : vector<16xf32> -> vector<16xi32>
    %ge3A_557 = arith.constant -2147483648 : i32
    %ge3A_558 = vector.broadcast %ge3A_557 : i32 to vector<16xi32>
    %ge3A_559 = arith.cmpi uge, %bitcast_convert_type3A_556, %ge3A_558 : vector<16xi32>
    %not3A_560 = arith.constant dense<-1> : vector<16xi32>
    %not3A_561 = arith.xori %bitcast_convert_type3A_556, %not3A_560 : vector<16xi32>
    %or3A_562 = arith.constant -2147483648 : i32
    %or3A_563 = vector.broadcast %or3A_562 : i32 to vector<16xi32>
    %or3A_564 = arith.ori %bitcast_convert_type3A_556, %or3A_563 : vector<16xi32>
    %select_n3A_565 = arith.select %ge3A_559, %not3A_561, %or3A_564 : vector<16xi1>, vector<16xi32>
    %swap3A_566 = arith.constant 640 : index
    %swap3A_567 = tpu.vector_load %arg5[%swap3A_566] {strides = array<i32>} : memref<1024xi32, #tpu.memory_space<vmem>>, vector<16xi32>,
    tpu.vector_store %arg5[%swap3A_566], %select_n3A_565 {strides = array<i32>} : memref<1024xi32, #tpu.memory_space<vmem>>, vector<16xi32>,
    %get3A_568 = arith.constant 656 : index
    %get3A_569 = tpu.vector_load %arg4[%get3A_568] {strides = array<i32>} : memref<1024xf32, #tpu.memory_space<vmem>>, vector<16xf32>,
    %bitcast_convert_type3A_570 = tpu.bitcast %get3A_569 : vector<16xf32> -> vector<16xi32>
    %ge3A_571 = arith.constant -2147483648 : i32
    %ge3A_572 = vector.broadcast %ge3A_571 : i32 to vector<16xi32>
    %ge3A_573 = arith.cmpi uge, %bitcast_convert_type3A_570, %ge3A_572 : vector<16xi32>
    %not3A_574 = arith.constant dense<-1> : vector<16xi32>
    %not3A_575 = arith.xori %bitcast_convert_type3A_570, %not3A_574 : vector<16xi32>
    %or3A_576 = arith.constant -2147483648 : i32
    %or3A_577 = vector.broadcast %or3A_576 : i32 to vector<16xi32>
    %or3A_578 = arith.ori %bitcast_convert_type3A_570, %or3A_577 : vector<16xi32>
    %select_n3A_579 = arith.select %ge3A_573, %not3A_575, %or3A_578 : vector<16xi1>, vector<16xi32>
    %swap3A_580 = arith.constant 656 : index
    %swap3A_581 = tpu.vector_load %arg5[%swap3A_580] {strides = array<i32>} : memref<1024xi32, #tpu.memory_space<vmem>>, vector<16xi32>,
    tpu.vector_store %arg5[%swap3A_580], %select_n3A_579 {strides = array<i32>} : memref<1024xi32, #tpu.memory_space<vmem>>, vector<16xi32>,
    %get3A_582 = arith.constant 672 : index
    %get3A_583 = tpu.vector_load %arg4[%get3A_582] {strides = array<i32>} : memref<1024xf32, #tpu.memory_space<vmem>>, vector<16xf32>,
    %bitcast_convert_type3A_584 = tpu.bitcast %get3A_583 : vector<16xf32> -> vector<16xi32>
    %ge3A_585 = arith.constant -2147483648 : i32
    %ge3A_586 = vector.broadcast %ge3A_585 : i32 to vector<16xi32>
    %ge3A_587 = arith.cmpi uge, %bitcast_convert_type3A_584, %ge3A_586 : vector<16xi32>
    %not3A_588 = arith.constant dense<-1> : vector<16xi32>
    %not3A_589 = arith.xori %bitcast_convert_type3A_584, %not3A_588 : vector<16xi32>
    %or3A_590 = arith.constant -2147483648 : i32
    %or3A_591 = vector.broadcast %or3A_590 : i32 to vector<16xi32>
    %or3A_592 = arith.ori %bitcast_convert_type3A_584, %or3A_591 : vector<16xi32>
    %select_n3A_593 = arith.select %ge3A_587, %not3A_589, %or3A_592 : vector<16xi1>, vector<16xi32>
    %swap3A_594 = arith.constant 672 : index
    %swap3A_595 = tpu.vector_load %arg5[%swap3A_594] {strides = array<i32>} : memref<1024xi32, #tpu.memory_space<vmem>>, vector<16xi32>,
    tpu.vector_store %arg5[%swap3A_594], %select_n3A_593 {strides = array<i32>} : memref<1024xi32, #tpu.memory_space<vmem>>, vector<16xi32>,
    %get3A_596 = arith.constant 688 : index
    %get3A_597 = tpu.vector_load %arg4[%get3A_596] {strides = array<i32>} : memref<1024xf32, #tpu.memory_space<vmem>>, vector<16xf32>,
    %bitcast_convert_type3A_598 = tpu.bitcast %get3A_597 : vector<16xf32> -> vector<16xi32>
    %ge3A_599 = arith.constant -2147483648 : i32
    %ge3A_600 = vector.broadcast %ge3A_599 : i32 to vector<16xi32>
    %ge3A_601 = arith.cmpi uge, %bitcast_convert_type3A_598, %ge3A_600 : vector<16xi32>
    %not3A_602 = arith.constant dense<-1> : vector<16xi32>
    %not3A_603 = arith.xori %bitcast_convert_type3A_598, %not3A_602 : vector<16xi32>
    %or3A_604 = arith.constant -2147483648 : i32
    %or3A_605 = vector.broadcast %or3A_604 : i32 to vector<16xi32>
    %or3A_606 = arith.ori %bitcast_convert_type3A_598, %or3A_605 : vector<16xi32>
    %select_n3A_607 = arith.select %ge3A_601, %not3A_603, %or3A_606 : vector<16xi1>, vector<16xi32>
    %swap3A_608 = arith.constant 688 : index
    %swap3A_609 = tpu.vector_load %arg5[%swap3A_608] {strides = array<i32>} : memref<1024xi32, #tpu.memory_space<vmem>>, vector<16xi32>,
    tpu.vector_store %arg5[%swap3A_608], %select_n3A_607 {strides = array<i32>} : memref<1024xi32, #tpu.memory_space<vmem>>, vector<16xi32>,
    %get3A_610 = arith.constant 704 : index
    %get3A_611 = tpu.vector_load %arg4[%get3A_610] {strides = array<i32>} : memref<1024xf32, #tpu.memory_space<vmem>>, vector<16xf32>,
    %bitcast_convert_type3A_612 = tpu.bitcast %get3A_611 : vector<16xf32> -> vector<16xi32>
    %ge3A_613 = arith.constant -2147483648 : i32
    %ge3A_614 = vector.broadcast %ge3A_613 : i32 to vector<16xi32>
    %ge3A_615 = arith.cmpi uge, %bitcast_convert_type3A_612, %ge3A_614 : vector<16xi32>
    %not3A_616 = arith.constant dense<-1> : vector<16xi32>
    %not3A_617 = arith.xori %bitcast_convert_type3A_612, %not3A_616 : vector<16xi32>
    %or3A_618 = arith.constant -2147483648 : i32
    %or3A_619 = vector.broadcast %or3A_618 : i32 to vector<16xi32>
    %or3A_620 = arith.ori %bitcast_convert_type3A_612, %or3A_619 : vector<16xi32>
    %select_n3A_621 = arith.select %ge3A_615, %not3A_617, %or3A_620 : vector<16xi1>, vector<16xi32>
    %swap3A_622 = arith.constant 704 : index
    %swap3A_623 = tpu.vector_load %arg5[%swap3A_622] {strides = array<i32>} : memref<1024xi32, #tpu.memory_space<vmem>>, vector<16xi32>,
    tpu.vector_store %arg5[%swap3A_622], %select_n3A_621 {strides = array<i32>} : memref<1024xi32, #tpu.memory_space<vmem>>, vector<16xi32>,
    %get3A_624 = arith.constant 720 : index
    %get3A_625 = tpu.vector_load %arg4[%get3A_624] {strides = array<i32>} : memref<1024xf32, #tpu.memory_space<vmem>>, vector<16xf32>,
    %bitcast_convert_type3A_626 = tpu.bitcast %get3A_625 : vector<16xf32> -> vector<16xi32>
    %ge3A_627 = arith.constant -2147483648 : i32
    %ge3A_628 = vector.broadcast %ge3A_627 : i32 to vector<16xi32>
    %ge3A_629 = arith.cmpi uge, %bitcast_convert_type3A_626, %ge3A_628 : vector<16xi32>
    %not3A_630 = arith.constant dense<-1> : vector<16xi32>
    %not3A_631 = arith.xori %bitcast_convert_type3A_626, %not3A_630 : vector<16xi32>
    %or3A_632 = arith.constant -2147483648 : i32
    %or3A_633 = vector.broadcast %or3A_632 : i32 to vector<16xi32>
    %or3A_634 = arith.ori %bitcast_convert_type3A_626, %or3A_633 : vector<16xi32>
    %select_n3A_635 = arith.select %ge3A_629, %not3A_631, %or3A_634 : vector<16xi1>, vector<16xi32>
    %swap3A_636 = arith.constant 720 : index
    %swap3A_637 = tpu.vector_load %arg5[%swap3A_636] {strides = array<i32>} : memref<1024xi32, #tpu.memory_space<vmem>>, vector<16xi32>,
    tpu.vector_store %arg5[%swap3A_636], %select_n3A_635 {strides = array<i32>} : memref<1024xi32, #tpu.memory_space<vmem>>, vector<16xi32>,
    %get3A_638 = arith.constant 736 : index
    %get3A_639 = tpu.vector_load %arg4[%get3A_638] {strides = array<i32>} : memref<1024xf32, #tpu.memory_space<vmem>>, vector<16xf32>,
    %bitcast_convert_type3A_640 = tpu.bitcast %get3A_639 : vector<16xf32> -> vector<16xi32>
    %ge3A_641 = arith.constant -2147483648 : i32
    %ge3A_642 = vector.broadcast %ge3A_641 : i32 to vector<16xi32>
    %ge3A_643 = arith.cmpi uge, %bitcast_convert_type3A_640, %ge3A_642 : vector<16xi32>
    %not3A_644 = arith.constant dense<-1> : vector<16xi32>
    %not3A_645 = arith.xori %bitcast_convert_type3A_640, %not3A_644 : vector<16xi32>
    %or3A_646 = arith.constant -2147483648 : i32
    %or3A_647 = vector.broadcast %or3A_646 : i32 to vector<16xi32>
    %or3A_648 = arith.ori %bitcast_convert_type3A_640, %or3A_647 : vector<16xi32>
    %select_n3A_649 = arith.select %ge3A_643, %not3A_645, %or3A_648 : vector<16xi1>, vector<16xi32>
    %swap3A_650 = arith.constant 736 : index
    %swap3A_651 = tpu.vector_load %arg5[%swap3A_650] {strides = array<i32>} : memref<1024xi32, #tpu.memory_space<vmem>>, vector<16xi32>,
    tpu.vector_store %arg5[%swap3A_650], %select_n3A_649 {strides = array<i32>} : memref<1024xi32, #tpu.memory_space<vmem>>, vector<16xi32>,
    %get3A_652 = arith.constant 752 : index
    %get3A_653 = tpu.vector_load %arg4[%get3A_652] {strides = array<i32>} : memref<1024xf32, #tpu.memory_space<vmem>>, vector<16xf32>,
    %bitcast_convert_type3A_654 = tpu.bitcast %get3A_653 : vector<16xf32> -> vector<16xi32>
    %ge3A_655 = arith.constant -2147483648 : i32
    %ge3A_656 = vector.broadcast %ge3A_655 : i32 to vector<16xi32>
    %ge3A_657 = arith.cmpi uge, %bitcast_convert_type3A_654, %ge3A_656 : vector<16xi32>
    %not3A_658 = arith.constant dense<-1> : vector<16xi32>
    %not3A_659 = arith.xori %bitcast_convert_type3A_654, %not3A_658 : vector<16xi32>
    %or3A_660 = arith.constant -2147483648 : i32
    %or3A_661 = vector.broadcast %or3A_660 : i32 to vector<16xi32>
    %or3A_662 = arith.ori %bitcast_convert_type3A_654, %or3A_661 : vector<16xi32>
    %select_n3A_663 = arith.select %ge3A_657, %not3A_659, %or3A_662 : vector<16xi1>, vector<16xi32>
    %swap3A_664 = arith.constant 752 : index
    %swap3A_665 = tpu.vector_load %arg5[%swap3A_664] {strides = array<i32>} : memref<1024xi32, #tpu.memory_space<vmem>>, vector<16xi32>,
    tpu.vector_store %arg5[%swap3A_664], %select_n3A_663 {strides = array<i32>} : memref<1024xi32, #tpu.memory_space<vmem>>, vector<16xi32>,
    %get3A_666 = arith.constant 768 : index
    %get3A_667 = tpu.vector_load %arg4[%get3A_666] {strides = array<i32>} : memref<1024xf32, #tpu.memory_space<vmem>>, vector<16xf32>,
    %bitcast_convert_type3A_668 = tpu.bitcast %get3A_667 : vector<16xf32> -> vector<16xi32>
    %ge3A_669 = arith.constant -2147483648 : i32
    %ge3A_670 = vector.broadcast %ge3A_669 : i32 to vector<16xi32>
    %ge3A_671 = arith.cmpi uge, %bitcast_convert_type3A_668, %ge3A_670 : vector<16xi32>
    %not3A_672 = arith.constant dense<-1> : vector<16xi32>
    %not3A_673 = arith.xori %bitcast_convert_type3A_668, %not3A_672 : vector<16xi32>
    %or3A_674 = arith.constant -2147483648 : i32
    %or3A_675 = vector.broadcast %or3A_674 : i32 to vector<16xi32>
    %or3A_676 = arith.ori %bitcast_convert_type3A_668, %or3A_675 : vector<16xi32>
    %select_n3A_677 = arith.select %ge3A_671, %not3A_673, %or3A_676 : vector<16xi1>, vector<16xi32>
    %swap3A_678 = arith.constant 768 : index
    %swap3A_679 = tpu.vector_load %arg5[%swap3A_678] {strides = array<i32>} : memref<1024xi32, #tpu.memory_space<vmem>>, vector<16xi32>,
    tpu.vector_store %arg5[%swap3A_678], %select_n3A_677 {strides = array<i32>} : memref<1024xi32, #tpu.memory_space<vmem>>, vector<16xi32>,
    %get3A_680 = arith.constant 784 : index
    %get3A_681 = tpu.vector_load %arg4[%get3A_680] {strides = array<i32>} : memref<1024xf32, #tpu.memory_space<vmem>>, vector<16xf32>,
    %bitcast_convert_type3A_682 = tpu.bitcast %get3A_681 : vector<16xf32> -> vector<16xi32>
    %ge3A_683 = arith.constant -2147483648 : i32
    %ge3A_684 = vector.broadcast %ge3A_683 : i32 to vector<16xi32>
    %ge3A_685 = arith.cmpi uge, %bitcast_convert_type3A_682, %ge3A_684 : vector<16xi32>
    %not3A_686 = arith.constant dense<-1> : vector<16xi32>
    %not3A_687 = arith.xori %bitcast_convert_type3A_682, %not3A_686 : vector<16xi32>
    %or3A_688 = arith.constant -2147483648 : i32
    %or3A_689 = vector.broadcast %or3A_688 : i32 to vector<16xi32>
    %or3A_690 = arith.ori %bitcast_convert_type3A_682, %or3A_689 : vector<16xi32>
    %select_n3A_691 = arith.select %ge3A_685, %not3A_687, %or3A_690 : vector<16xi1>, vector<16xi32>
    %swap3A_692 = arith.constant 784 : index
    %swap3A_693 = tpu.vector_load %arg5[%swap3A_692] {strides = array<i32>} : memref<1024xi32, #tpu.memory_space<vmem>>, vector<16xi32>,
    tpu.vector_store %arg5[%swap3A_692], %select_n3A_691 {strides = array<i32>} : memref<1024xi32, #tpu.memory_space<vmem>>, vector<16xi32>,
    %get3A_694 = arith.constant 800 : index
    %get3A_695 = tpu.vector_load %arg4[%get3A_694] {strides = array<i32>} : memref<1024xf32, #tpu.memory_space<vmem>>, vector<16xf32>,
    %bitcast_convert_type3A_696 = tpu.bitcast %get3A_695 : vector<16xf32> -> vector<16xi32>
    %ge3A_697 = arith.constant -2147483648 : i32
    %ge3A_698 = vector.broadcast %ge3A_697 : i32 to vector<16xi32>
    %ge3A_699 = arith.cmpi uge, %bitcast_convert_type3A_696, %ge3A_698 : vector<16xi32>
    %not3A_700 = arith.constant dense<-1> : vector<16xi32>
    %not3A_701 = arith.xori %bitcast_convert_type3A_696, %not3A_700 : vector<16xi32>
    %or3A_702 = arith.constant -2147483648 : i32
    %or3A_703 = vector.broadcast %or3A_702 : i32 to vector<16xi32>
    %or3A_704 = arith.ori %bitcast_convert_type3A_696, %or3A_703 : vector<16xi32>
    %select_n3A_705 = arith.select %ge3A_699, %not3A_701, %or3A_704 : vector<16xi1>, vector<16xi32>
    %swap3A_706 = arith.constant 800 : index
    %swap3A_707 = tpu.vector_load %arg5[%swap3A_706] {strides = array<i32>} : memref<1024xi32, #tpu.memory_space<vmem>>, vector<16xi32>,
    tpu.vector_store %arg5[%swap3A_706], %select_n3A_705 {strides = array<i32>} : memref<1024xi32, #tpu.memory_space<vmem>>, vector<16xi32>,
    %get3A_708 = arith.constant 816 : index
    %get3A_709 = tpu.vector_load %arg4[%get3A_708] {strides = array<i32>} : memref<1024xf32, #tpu.memory_space<vmem>>, vector<16xf32>,
    %bitcast_convert_type3A_710 = tpu.bitcast %get3A_709 : vector<16xf32> -> vector<16xi32>
    %ge3A_711 = arith.constant -2147483648 : i32
    %ge3A_712 = vector.broadcast %ge3A_711 : i32 to vector<16xi32>
    %ge3A_713 = arith.cmpi uge, %bitcast_convert_type3A_710, %ge3A_712 : vector<16xi32>
    %not3A_714 = arith.constant dense<-1> : vector<16xi32>
    %not3A_715 = arith.xori %bitcast_convert_type3A_710, %not3A_714 : vector<16xi32>
    %or3A_716 = arith.constant -2147483648 : i32
    %or3A_717 = vector.broadcast %or3A_716 : i32 to vector<16xi32>
    %or3A_718 = arith.ori %bitcast_convert_type3A_710, %or3A_717 : vector<16xi32>
    %select_n3A_719 = arith.select %ge3A_713, %not3A_715, %or3A_718 : vector<16xi1>, vector<16xi32>
    %swap3A_720 = arith.constant 816 : index
    %swap3A_721 = tpu.vector_load %arg5[%swap3A_720] {strides = array<i32>} : memref<1024xi32, #tpu.memory_space<vmem>>, vector<16xi32>,
    tpu.vector_store %arg5[%swap3A_720], %select_n3A_719 {strides = array<i32>} : memref<1024xi32, #tpu.memory_space<vmem>>, vector<16xi32>,
    %get3A_722 = arith.constant 832 : index
    %get3A_723 = tpu.vector_load %arg4[%get3A_722] {strides = array<i32>} : memref<1024xf32, #tpu.memory_space<vmem>>, vector<16xf32>,
    %bitcast_convert_type3A_724 = tpu.bitcast %get3A_723 : vector<16xf32> -> vector<16xi32>
    %ge3A_725 = arith.constant -2147483648 : i32
    %ge3A_726 = vector.broadcast %ge3A_725 : i32 to vector<16xi32>
    %ge3A_727 = arith.cmpi uge, %bitcast_convert_type3A_724, %ge3A_726 : vector<16xi32>
    %not3A_728 = arith.constant dense<-1> : vector<16xi32>
    %not3A_729 = arith.xori %bitcast_convert_type3A_724, %not3A_728 : vector<16xi32>
    %or3A_730 = arith.constant -2147483648 : i32
    %or3A_731 = vector.broadcast %or3A_730 : i32 to vector<16xi32>
    %or3A_732 = arith.ori %bitcast_convert_type3A_724, %or3A_731 : vector<16xi32>
    %select_n3A_733 = arith.select %ge3A_727, %not3A_729, %or3A_732 : vector<16xi1>, vector<16xi32>
    %swap3A_734 = arith.constant 832 : index
    %swap3A_735 = tpu.vector_load %arg5[%swap3A_734] {strides = array<i32>} : memref<1024xi32, #tpu.memory_space<vmem>>, vector<16xi32>,
    tpu.vector_store %arg5[%swap3A_734], %select_n3A_733 {strides = array<i32>} : memref<1024xi32, #tpu.memory_space<vmem>>, vector<16xi32>,
    %get3A_736 = arith.constant 848 : index
    %get3A_737 = tpu.vector_load %arg4[%get3A_736] {strides = array<i32>} : memref<1024xf32, #tpu.memory_space<vmem>>, vector<16xf32>,
    %bitcast_convert_type3A_738 = tpu.bitcast %get3A_737 : vector<16xf32> -> vector<16xi32>
    %ge3A_739 = arith.constant -2147483648 : i32
    %ge3A_740 = vector.broadcast %ge3A_739 : i32 to vector<16xi32>
    %ge3A_741 = arith.cmpi uge, %bitcast_convert_type3A_738, %ge3A_740 : vector<16xi32>
    %not3A_742 = arith.constant dense<-1> : vector<16xi32>
    %not3A_743 = arith.xori %bitcast_convert_type3A_738, %not3A_742 : vector<16xi32>
    %or3A_744 = arith.constant -2147483648 : i32
    %or3A_745 = vector.broadcast %or3A_744 : i32 to vector<16xi32>
    %or3A_746 = arith.ori %bitcast_convert_type3A_738, %or3A_745 : vector<16xi32>
    %select_n3A_747 = arith.select %ge3A_741, %not3A_743, %or3A_746 : vector<16xi1>, vector<16xi32>
    %swap3A_748 = arith.constant 848 : index
    %swap3A_749 = tpu.vector_load %arg5[%swap3A_748] {strides = array<i32>} : memref<1024xi32, #tpu.memory_space<vmem>>, vector<16xi32>,
    tpu.vector_store %arg5[%swap3A_748], %select_n3A_747 {strides = array<i32>} : memref<1024xi32, #tpu.memory_space<vmem>>, vector<16xi32>,
    %get3A_750 = arith.constant 864 : index
    %get3A_751 = tpu.vector_load %arg4[%get3A_750] {strides = array<i32>} : memref<1024xf32, #tpu.memory_space<vmem>>, vector<16xf32>,
    %bitcast_convert_type3A_752 = tpu.bitcast %get3A_751 : vector<16xf32> -> vector<16xi32>
    %ge3A_753 = arith.constant -2147483648 : i32
    %ge3A_754 = vector.broadcast %ge3A_753 : i32 to vector<16xi32>
    %ge3A_755 = arith.cmpi uge, %bitcast_convert_type3A_752, %ge3A_754 : vector<16xi32>
    %not3A_756 = arith.constant dense<-1> : vector<16xi32>
    %not3A_757 = arith.xori %bitcast_convert_type3A_752, %not3A_756 : vector<16xi32>
    %or3A_758 = arith.constant -2147483648 : i32
    %or3A_759 = vector.broadcast %or3A_758 : i32 to vector<16xi32>
    %or3A_760 = arith.ori %bitcast_convert_type3A_752, %or3A_759 : vector<16xi32>
    %select_n3A_761 = arith.select %ge3A_755, %not3A_757, %or3A_760 : vector<16xi1>, vector<16xi32>
    %swap3A_762 = arith.constant 864 : index
    %swap3A_763 = tpu.vector_load %arg5[%swap3A_762] {strides = array<i32>} : memref<1024xi32, #tpu.memory_space<vmem>>, vector<16xi32>,
    tpu.vector_store %arg5[%swap3A_762], %select_n3A_761 {strides = array<i32>} : memref<1024xi32, #tpu.memory_space<vmem>>, vector<16xi32>,
    %get3A_764 = arith.constant 880 : index
    %get3A_765 = tpu.vector_load %arg4[%get3A_764] {strides = array<i32>} : memref<1024xf32, #tpu.memory_space<vmem>>, vector<16xf32>,
    %bitcast_convert_type3A_766 = tpu.bitcast %get3A_765 : vector<16xf32> -> vector<16xi32>
    %ge3A_767 = arith.constant -2147483648 : i32
    %ge3A_768 = vector.broadcast %ge3A_767 : i32 to vector<16xi32>
    %ge3A_769 = arith.cmpi uge, %bitcast_convert_type3A_766, %ge3A_768 : vector<16xi32>
    %not3A_770 = arith.constant dense<-1> : vector<16xi32>
    %not3A_771 = arith.xori %bitcast_convert_type3A_766, %not3A_770 : vector<16xi32>
    %or3A_772 = arith.constant -2147483648 : i32
    %or3A_773 = vector.broadcast %or3A_772 : i32 to vector<16xi32>
    %or3A_774 = arith.ori %bitcast_convert_type3A_766, %or3A_773 : vector<16xi32>
    %select_n3A_775 = arith.select %ge3A_769, %not3A_771, %or3A_774 : vector<16xi1>, vector<16xi32>
    %swap3A_776 = arith.constant 880 : index
    %swap3A_777 = tpu.vector_load %arg5[%swap3A_776] {strides = array<i32>} : memref<1024xi32, #tpu.memory_space<vmem>>, vector<16xi32>,
    tpu.vector_store %arg5[%swap3A_776], %select_n3A_775 {strides = array<i32>} : memref<1024xi32, #tpu.memory_space<vmem>>, vector<16xi32>,
    %get3A_778 = arith.constant 896 : index
    %get3A_779 = tpu.vector_load %arg4[%get3A_778] {strides = array<i32>} : memref<1024xf32, #tpu.memory_space<vmem>>, vector<16xf32>,
    %bitcast_convert_type3A_780 = tpu.bitcast %get3A_779 : vector<16xf32> -> vector<16xi32>
    %ge3A_781 = arith.constant -2147483648 : i32
    %ge3A_782 = vector.broadcast %ge3A_781 : i32 to vector<16xi32>
    %ge3A_783 = arith.cmpi uge, %bitcast_convert_type3A_780, %ge3A_782 : vector<16xi32>
    %not3A_784 = arith.constant dense<-1> : vector<16xi32>
    %not3A_785 = arith.xori %bitcast_convert_type3A_780, %not3A_784 : vector<16xi32>
    %or3A_786 = arith.constant -2147483648 : i32
    %or3A_787 = vector.broadcast %or3A_786 : i32 to vector<16xi32>
    %or3A_788 = arith.ori %bitcast_convert_type3A_780, %or3A_787 : vector<16xi32>
    %select_n3A_789 = arith.select %ge3A_783, %not3A_785, %or3A_788 : vector<16xi1>, vector<16xi32>
    %swap3A_790 = arith.constant 896 : index
    %swap3A_791 = tpu.vector_load %arg5[%swap3A_790] {strides = array<i32>} : memref<1024xi32, #tpu.memory_space<vmem>>, vector<16xi32>,
    tpu.vector_store %arg5[%swap3A_790], %select_n3A_789 {strides = array<i32>} : memref<1024xi32, #tpu.memory_space<vmem>>, vector<16xi32>,
    %get3A_792 = arith.constant 912 : index
    %get3A_793 = tpu.vector_load %arg4[%get3A_792] {strides = array<i32>} : memref<1024xf32, #tpu.memory_space<vmem>>, vector<16xf32>,
    %bitcast_convert_type3A_794 = tpu.bitcast %get3A_793 : vector<16xf32> -> vector<16xi32>
    %ge3A_795 = arith.constant -2147483648 : i32
    %ge3A_796 = vector.broadcast %ge3A_795 : i32 to vector<16xi32>
    %ge3A_797 = arith.cmpi uge, %bitcast_convert_type3A_794, %ge3A_796 : vector<16xi32>
    %not3A_798 = arith.constant dense<-1> : vector<16xi32>
    %not3A_799 = arith.xori %bitcast_convert_type3A_794, %not3A_798 : vector<16xi32>
    %or3A_800 = arith.constant -2147483648 : i32
    %or3A_801 = vector.broadcast %or3A_800 : i32 to vector<16xi32>
    %or3A_802 = arith.ori %bitcast_convert_type3A_794, %or3A_801 : vector<16xi32>
    %select_n3A_803 = arith.select %ge3A_797, %not3A_799, %or3A_802 : vector<16xi1>, vector<16xi32>
    %swap3A_804 = arith.constant 912 : index
    %swap3A_805 = tpu.vector_load %arg5[%swap3A_804] {strides = array<i32>} : memref<1024xi32, #tpu.memory_space<vmem>>, vector<16xi32>,
    tpu.vector_store %arg5[%swap3A_804], %select_n3A_803 {strides = array<i32>} : memref<1024xi32, #tpu.memory_space<vmem>>, vector<16xi32>,
    %get3A_806 = arith.constant 928 : index
    %get3A_807 = tpu.vector_load %arg4[%get3A_806] {strides = array<i32>} : memref<1024xf32, #tpu.memory_space<vmem>>, vector<16xf32>,
    %bitcast_convert_type3A_808 = tpu.bitcast %get3A_807 : vector<16xf32> -> vector<16xi32>
    %ge3A_809 = arith.constant -2147483648 : i32
    %ge3A_810 = vector.broadcast %ge3A_809 : i32 to vector<16xi32>
    %ge3A_811 = arith.cmpi uge, %bitcast_convert_type3A_808, %ge3A_810 : vector<16xi32>
    %not3A_812 = arith.constant dense<-1> : vector<16xi32>
    %not3A_813 = arith.xori %bitcast_convert_type3A_808, %not3A_812 : vector<16xi32>
    %or3A_814 = arith.constant -2147483648 : i32
    %or3A_815 = vector.broadcast %or3A_814 : i32 to vector<16xi32>
    %or3A_816 = arith.ori %bitcast_convert_type3A_808, %or3A_815 : vector<16xi32>
    %select_n3A_817 = arith.select %ge3A_811, %not3A_813, %or3A_816 : vector<16xi1>, vector<16xi32>
    %swap3A_818 = arith.constant 928 : index
    %swap3A_819 = tpu.vector_load %arg5[%swap3A_818] {strides = array<i32>} : memref<1024xi32, #tpu.memory_space<vmem>>, vector<16xi32>,
    tpu.vector_store %arg5[%swap3A_818], %select_n3A_817 {strides = array<i32>} : memref<1024xi32, #tpu.memory_space<vmem>>, vector<16xi32>,
    %get3A_820 = arith.constant 944 : index
    %get3A_821 = tpu.vector_load %arg4[%get3A_820] {strides = array<i32>} : memref<1024xf32, #tpu.memory_space<vmem>>, vector<16xf32>,
    %bitcast_convert_type3A_822 = tpu.bitcast %get3A_821 : vector<16xf32> -> vector<16xi32>
    %ge3A_823 = arith.constant -2147483648 : i32
    %ge3A_824 = vector.broadcast %ge3A_823 : i32 to vector<16xi32>
    %ge3A_825 = arith.cmpi uge, %bitcast_convert_type3A_822, %ge3A_824 : vector<16xi32>
    %not3A_826 = arith.constant dense<-1> : vector<16xi32>
    %not3A_827 = arith.xori %bitcast_convert_type3A_822, %not3A_826 : vector<16xi32>
    %or3A_828 = arith.constant -2147483648 : i32
    %or3A_829 = vector.broadcast %or3A_828 : i32 to vector<16xi32>
    %or3A_830 = arith.ori %bitcast_convert_type3A_822, %or3A_829 : vector<16xi32>
    %select_n3A_831 = arith.select %ge3A_825, %not3A_827, %or3A_830 : vector<16xi1>, vector<16xi32>
    %swap3A_832 = arith.constant 944 : index
    %swap3A_833 = tpu.vector_load %arg5[%swap3A_832] {strides = array<i32>} : memref<1024xi32, #tpu.memory_space<vmem>>, vector<16xi32>,
    tpu.vector_store %arg5[%swap3A_832], %select_n3A_831 {strides = array<i32>} : memref<1024xi32, #tpu.memory_space<vmem>>, vector<16xi32>,
    %get3A_834 = arith.constant 960 : index
    %get3A_835 = tpu.vector_load %arg4[%get3A_834] {strides = array<i32>} : memref<1024xf32, #tpu.memory_space<vmem>>, vector<16xf32>,
    %bitcast_convert_type3A_836 = tpu.bitcast %get3A_835 : vector<16xf32> -> vector<16xi32>
    %ge3A_837 = arith.constant -2147483648 : i32
    %ge3A_838 = vector.broadcast %ge3A_837 : i32 to vector<16xi32>
    %ge3A_839 = arith.cmpi uge, %bitcast_convert_type3A_836, %ge3A_838 : vector<16xi32>
    %not3A_840 = arith.constant dense<-1> : vector<16xi32>
    %not3A_841 = arith.xori %bitcast_convert_type3A_836, %not3A_840 : vector<16xi32>
    %or3A_842 = arith.constant -2147483648 : i32
    %or3A_843 = vector.broadcast %or3A_842 : i32 to vector<16xi32>
    %or3A_844 = arith.ori %bitcast_convert_type3A_836, %or3A_843 : vector<16xi32>
    %select_n3A_845 = arith.select %ge3A_839, %not3A_841, %or3A_844 : vector<16xi1>, vector<16xi32>
    %swap3A_846 = arith.constant 960 : index
    %swap3A_847 = tpu.vector_load %arg5[%swap3A_846] {strides = array<i32>} : memref<1024xi32, #tpu.memory_space<vmem>>, vector<16xi32>,
    tpu.vector_store %arg5[%swap3A_846], %select_n3A_845 {strides = array<i32>} : memref<1024xi32, #tpu.memory_space<vmem>>, vector<16xi32>,
    %get3A_848 = arith.constant 976 : index
    %get3A_849 = tpu.vector_load %arg4[%get3A_848] {strides = array<i32>} : memref<1024xf32, #tpu.memory_space<vmem>>, vector<16xf32>,
    %bitcast_convert_type3A_850 = tpu.bitcast %get3A_849 : vector<16xf32> -> vector<16xi32>
    %ge3A_851 = arith.constant -2147483648 : i32
    %ge3A_852 = vector.broadcast %ge3A_851 : i32 to vector<16xi32>
    %ge3A_853 = arith.cmpi uge, %bitcast_convert_type3A_850, %ge3A_852 : vector<16xi32>
    %not3A_854 = arith.constant dense<-1> : vector<16xi32>
    %not3A_855 = arith.xori %bitcast_convert_type3A_850, %not3A_854 : vector<16xi32>
    %or3A_856 = arith.constant -2147483648 : i32
    %or3A_857 = vector.broadcast %or3A_856 : i32 to vector<16xi32>
    %or3A_858 = arith.ori %bitcast_convert_type3A_850, %or3A_857 : vector<16xi32>
    %select_n3A_859 = arith.select %ge3A_853, %not3A_855, %or3A_858 : vector<16xi1>, vector<16xi32>
    %swap3A_860 = arith.constant 976 : index
    %swap3A_861 = tpu.vector_load %arg5[%swap3A_860] {strides = array<i32>} : memref<1024xi32, #tpu.memory_space<vmem>>, vector<16xi32>,
    tpu.vector_store %arg5[%swap3A_860], %select_n3A_859 {strides = array<i32>} : memref<1024xi32, #tpu.memory_space<vmem>>, vector<16xi32>,
    %get3A_862 = arith.constant 992 : index
    %get3A_863 = tpu.vector_load %arg4[%get3A_862] {strides = array<i32>} : memref<1024xf32, #tpu.memory_space<vmem>>, vector<16xf32>,
    %bitcast_convert_type3A_864 = tpu.bitcast %get3A_863 : vector<16xf32> -> vector<16xi32>
    %ge3A_865 = arith.constant -2147483648 : i32
    %ge3A_866 = vector.broadcast %ge3A_865 : i32 to vector<16xi32>
    %ge3A_867 = arith.cmpi uge, %bitcast_convert_type3A_864, %ge3A_866 : vector<16xi32>
    %not3A_868 = arith.constant dense<-1> : vector<16xi32>
    %not3A_869 = arith.xori %bitcast_convert_type3A_864, %not3A_868 : vector<16xi32>
    %or3A_870 = arith.constant -2147483648 : i32
    %or3A_871 = vector.broadcast %or3A_870 : i32 to vector<16xi32>
    %or3A_872 = arith.ori %bitcast_convert_type3A_864, %or3A_871 : vector<16xi32>
    %select_n3A_873 = arith.select %ge3A_867, %not3A_869, %or3A_872 : vector<16xi1>, vector<16xi32>
    %swap3A_874 = arith.constant 992 : index
    %swap3A_875 = tpu.vector_load %arg5[%swap3A_874] {strides = array<i32>} : memref<1024xi32, #tpu.memory_space<vmem>>, vector<16xi32>,
    tpu.vector_store %arg5[%swap3A_874], %select_n3A_873 {strides = array<i32>} : memref<1024xi32, #tpu.memory_space<vmem>>, vector<16xi32>,
    %get3A_876 = arith.constant 1008 : index
    %get3A_877 = tpu.vector_load %arg4[%get3A_876] {strides = array<i32>} : memref<1024xf32, #tpu.memory_space<vmem>>, vector<16xf32>,
    %bitcast_convert_type3A_878 = tpu.bitcast %get3A_877 : vector<16xf32> -> vector<16xi32>
    %ge3A_879 = arith.constant -2147483648 : i32
    %ge3A_880 = vector.broadcast %ge3A_879 : i32 to vector<16xi32>
    %ge3A_881 = arith.cmpi uge, %bitcast_convert_type3A_878, %ge3A_880 : vector<16xi32>
    %not3A_882 = arith.constant dense<-1> : vector<16xi32>
    %not3A_883 = arith.xori %bitcast_convert_type3A_878, %not3A_882 : vector<16xi32>
    %or3A_884 = arith.constant -2147483648 : i32
    %or3A_885 = vector.broadcast %or3A_884 : i32 to vector<16xi32>
    %or3A_886 = arith.ori %bitcast_convert_type3A_878, %or3A_885 : vector<16xi32>
    %select_n3A_887 = arith.select %ge3A_881, %not3A_883, %or3A_886 : vector<16xi1>, vector<16xi32>
    %swap3A_888 = arith.constant 1008 : index
    %swap3A_889 = tpu.vector_load %arg5[%swap3A_888] {strides = array<i32>} : memref<1024xi32, #tpu.memory_space<vmem>>, vector<16xi32>,
    tpu.vector_store %arg5[%swap3A_888], %select_n3A_887 {strides = array<i32>} : memref<1024xi32, #tpu.memory_space<vmem>>, vector<16xi32>,
    %scan3A = arith.constant 0 : i32
    %scan3A_890 = arith.constant 0 : i32
    %scan3A_891 = arith.constant 32 : i32
    %scan3A_892 = arith.addi %scan3A_890, %scan3A_891 : i32
    %scan3A_893 = arith.constant 1 : i32
    %scan3A_894 = scf.for %scan3A_1597 = %scan3A_890 to %scan3A_892 step %scan3A_893 iter_args(%scan3A_1598 = %scan3A) -> (i32)  : i32 {
      %sub3A = arith.constant 31 : i32
      %sub3A_1599 = arith.subi %sub3A, %scan3A_1597 : i32
      %shift_left3A = arith.constant 1 : i32
      %shift_left3A_1600 = arith.shli %shift_left3A, %sub3A_1599 : i32
      %or3A_1601 = arith.ori %scan3A_1598, %shift_left3A_1600 : i32
      %broadcast_in_dim3A_1602 = arith.constant 0 : i32
      %broadcast_in_dim3A_1603 = vector.broadcast %broadcast_in_dim3A_1602 : i32 to vector<16xi32>
      %get3A_1604 = arith.constant 0 : index
      %get3A_1605 = tpu.vector_load %arg5[%get3A_1604] {strides = array<i32>} : memref<1024xi32, #tpu.memory_space<vmem>>, vector<16xi32>,
      %ge3A_1606 = vector.broadcast %or3A_1601 : i32 to vector<16xi32>
      %ge3A_1607 = arith.cmpi uge, %get3A_1605, %ge3A_1606 : vector<16xi32>
      %jit3A_1608 = arith.constant 1 : i32
      %jit3A_1609 = arith.constant 0 : i32
      %broadcast_in_dim3A_1610 = vector.broadcast %jit3A_1608 : i32 to vector<16xi32>
      %broadcast_in_dim3A_1611 = vector.broadcast %jit3A_1609 : i32 to vector<16xi32>
      %select_n3A_1612 = arith.select %ge3A_1607, %broadcast_in_dim3A_1610, %broadcast_in_dim3A_1611 : vector<16xi1>, vector<16xi32>
      %add3A_1613 = arith.addi %broadcast_in_dim3A_1603, %select_n3A_1612 : vector<16xi32>
      %get3A_1614 = arith.constant 16 : index
      %get3A_1615 = tpu.vector_load %arg5[%get3A_1614] {strides = array<i32>} : memref<1024xi32, #tpu.memory_space<vmem>>, vector<16xi32>,
      %ge3A_1616 = vector.broadcast %or3A_1601 : i32 to vector<16xi32>
      %ge3A_1617 = arith.cmpi uge, %get3A_1615, %ge3A_1616 : vector<16xi32>
      %jit3A_1618 = arith.constant 1 : i32
      %jit3A_1619 = arith.constant 0 : i32
      %broadcast_in_dim3A_1620 = vector.broadcast %jit3A_1618 : i32 to vector<16xi32>
      %broadcast_in_dim3A_1621 = vector.broadcast %jit3A_1619 : i32 to vector<16xi32>
      %select_n3A_1622 = arith.select %ge3A_1617, %broadcast_in_dim3A_1620, %broadcast_in_dim3A_1621 : vector<16xi1>, vector<16xi32>
      %add3A_1623 = arith.addi %add3A_1613, %select_n3A_1622 : vector<16xi32>
      %get3A_1624 = arith.constant 32 : index
      %get3A_1625 = tpu.vector_load %arg5[%get3A_1624] {strides = array<i32>} : memref<1024xi32, #tpu.memory_space<vmem>>, vector<16xi32>,
      %ge3A_1626 = vector.broadcast %or3A_1601 : i32 to vector<16xi32>
      %ge3A_1627 = arith.cmpi uge, %get3A_1625, %ge3A_1626 : vector<16xi32>
      %jit3A_1628 = arith.constant 1 : i32
      %jit3A_1629 = arith.constant 0 : i32
      %broadcast_in_dim3A_1630 = vector.broadcast %jit3A_1628 : i32 to vector<16xi32>
      %broadcast_in_dim3A_1631 = vector.broadcast %jit3A_1629 : i32 to vector<16xi32>
      %select_n3A_1632 = arith.select %ge3A_1627, %broadcast_in_dim3A_1630, %broadcast_in_dim3A_1631 : vector<16xi1>, vector<16xi32>
      %add3A_1633 = arith.addi %add3A_1623, %select_n3A_1632 : vector<16xi32>
      %get3A_1634 = arith.constant 48 : index
      %get3A_1635 = tpu.vector_load %arg5[%get3A_1634] {strides = array<i32>} : memref<1024xi32, #tpu.memory_space<vmem>>, vector<16xi32>,
      %ge3A_1636 = vector.broadcast %or3A_1601 : i32 to vector<16xi32>
      %ge3A_1637 = arith.cmpi uge, %get3A_1635, %ge3A_1636 : vector<16xi32>
      %jit3A_1638 = arith.constant 1 : i32
      %jit3A_1639 = arith.constant 0 : i32
      %broadcast_in_dim3A_1640 = vector.broadcast %jit3A_1638 : i32 to vector<16xi32>
      %broadcast_in_dim3A_1641 = vector.broadcast %jit3A_1639 : i32 to vector<16xi32>
      %select_n3A_1642 = arith.select %ge3A_1637, %broadcast_in_dim3A_1640, %broadcast_in_dim3A_1641 : vector<16xi1>, vector<16xi32>
      %add3A_1643 = arith.addi %add3A_1633, %select_n3A_1642 : vector<16xi32>
      %get3A_1644 = arith.constant 64 : index
      %get3A_1645 = tpu.vector_load %arg5[%get3A_1644] {strides = array<i32>} : memref<1024xi32, #tpu.memory_space<vmem>>, vector<16xi32>,
      %ge3A_1646 = vector.broadcast %or3A_1601 : i32 to vector<16xi32>
      %ge3A_1647 = arith.cmpi uge, %get3A_1645, %ge3A_1646 : vector<16xi32>
      %jit3A_1648 = arith.constant 1 : i32
      %jit3A_1649 = arith.constant 0 : i32
      %broadcast_in_dim3A_1650 = vector.broadcast %jit3A_1648 : i32 to vector<16xi32>
      %broadcast_in_dim3A_1651 = vector.broadcast %jit3A_1649 : i32 to vector<16xi32>
      %select_n3A_1652 = arith.select %ge3A_1647, %broadcast_in_dim3A_1650, %broadcast_in_dim3A_1651 : vector<16xi1>, vector<16xi32>
      %add3A_1653 = arith.addi %add3A_1643, %select_n3A_1652 : vector<16xi32>
      %get3A_1654 = arith.constant 80 : index
      %get3A_1655 = tpu.vector_load %arg5[%get3A_1654] {strides = array<i32>} : memref<1024xi32, #tpu.memory_space<vmem>>, vector<16xi32>,
      %ge3A_1656 = vector.broadcast %or3A_1601 : i32 to vector<16xi32>
      %ge3A_1657 = arith.cmpi uge, %get3A_1655, %ge3A_1656 : vector<16xi32>
      %jit3A_1658 = arith.constant 1 : i32
      %jit3A_1659 = arith.constant 0 : i32
      %broadcast_in_dim3A_1660 = vector.broadcast %jit3A_1658 : i32 to vector<16xi32>
      %broadcast_in_dim3A_1661 = vector.broadcast %jit3A_1659 : i32 to vector<16xi32>
      %select_n3A_1662 = arith.select %ge3A_1657, %broadcast_in_dim3A_1660, %broadcast_in_dim3A_1661 : vector<16xi1>, vector<16xi32>
      %add3A_1663 = arith.addi %add3A_1653, %select_n3A_1662 : vector<16xi32>
      %get3A_1664 = arith.constant 96 : index
      %get3A_1665 = tpu.vector_load %arg5[%get3A_1664] {strides = array<i32>} : memref<1024xi32, #tpu.memory_space<vmem>>, vector<16xi32>,
      %ge3A_1666 = vector.broadcast %or3A_1601 : i32 to vector<16xi32>
      %ge3A_1667 = arith.cmpi uge, %get3A_1665, %ge3A_1666 : vector<16xi32>
      %jit3A_1668 = arith.constant 1 : i32
      %jit3A_1669 = arith.constant 0 : i32
      %broadcast_in_dim3A_1670 = vector.broadcast %jit3A_1668 : i32 to vector<16xi32>
      %broadcast_in_dim3A_1671 = vector.broadcast %jit3A_1669 : i32 to vector<16xi32>
      %select_n3A_1672 = arith.select %ge3A_1667, %broadcast_in_dim3A_1670, %broadcast_in_dim3A_1671 : vector<16xi1>, vector<16xi32>
      %add3A_1673 = arith.addi %add3A_1663, %select_n3A_1672 : vector<16xi32>
      %get3A_1674 = arith.constant 112 : index
      %get3A_1675 = tpu.vector_load %arg5[%get3A_1674] {strides = array<i32>} : memref<1024xi32, #tpu.memory_space<vmem>>, vector<16xi32>,
      %ge3A_1676 = vector.broadcast %or3A_1601 : i32 to vector<16xi32>
      %ge3A_1677 = arith.cmpi uge, %get3A_1675, %ge3A_1676 : vector<16xi32>
      %jit3A_1678 = arith.constant 1 : i32
      %jit3A_1679 = arith.constant 0 : i32
      %broadcast_in_dim3A_1680 = vector.broadcast %jit3A_1678 : i32 to vector<16xi32>
      %broadcast_in_dim3A_1681 = vector.broadcast %jit3A_1679 : i32 to vector<16xi32>
      %select_n3A_1682 = arith.select %ge3A_1677, %broadcast_in_dim3A_1680, %broadcast_in_dim3A_1681 : vector<16xi1>, vector<16xi32>
      %add3A_1683 = arith.addi %add3A_1673, %select_n3A_1682 : vector<16xi32>
      %get3A_1684 = arith.constant 128 : index
      %get3A_1685 = tpu.vector_load %arg5[%get3A_1684] {strides = array<i32>} : memref<1024xi32, #tpu.memory_space<vmem>>, vector<16xi32>,
      %ge3A_1686 = vector.broadcast %or3A_1601 : i32 to vector<16xi32>
      %ge3A_1687 = arith.cmpi uge, %get3A_1685, %ge3A_1686 : vector<16xi32>
      %jit3A_1688 = arith.constant 1 : i32
      %jit3A_1689 = arith.constant 0 : i32
      %broadcast_in_dim3A_1690 = vector.broadcast %jit3A_1688 : i32 to vector<16xi32>
      %broadcast_in_dim3A_1691 = vector.broadcast %jit3A_1689 : i32 to vector<16xi32>
      %select_n3A_1692 = arith.select %ge3A_1687, %broadcast_in_dim3A_1690, %broadcast_in_dim3A_1691 : vector<16xi1>, vector<16xi32>
      %add3A_1693 = arith.addi %add3A_1683, %select_n3A_1692 : vector<16xi32>
      %get3A_1694 = arith.constant 144 : index
      %get3A_1695 = tpu.vector_load %arg5[%get3A_1694] {strides = array<i32>} : memref<1024xi32, #tpu.memory_space<vmem>>, vector<16xi32>,
      %ge3A_1696 = vector.broadcast %or3A_1601 : i32 to vector<16xi32>
      %ge3A_1697 = arith.cmpi uge, %get3A_1695, %ge3A_1696 : vector<16xi32>
      %jit3A_1698 = arith.constant 1 : i32
      %jit3A_1699 = arith.constant 0 : i32
      %broadcast_in_dim3A_1700 = vector.broadcast %jit3A_1698 : i32 to vector<16xi32>
      %broadcast_in_dim3A_1701 = vector.broadcast %jit3A_1699 : i32 to vector<16xi32>
      %select_n3A_1702 = arith.select %ge3A_1697, %broadcast_in_dim3A_1700, %broadcast_in_dim3A_1701 : vector<16xi1>, vector<16xi32>
      %add3A_1703 = arith.addi %add3A_1693, %select_n3A_1702 : vector<16xi32>
      %get3A_1704 = arith.constant 160 : index
      %get3A_1705 = tpu.vector_load %arg5[%get3A_1704] {strides = array<i32>} : memref<1024xi32, #tpu.memory_space<vmem>>, vector<16xi32>,
      %ge3A_1706 = vector.broadcast %or3A_1601 : i32 to vector<16xi32>
      %ge3A_1707 = arith.cmpi uge, %get3A_1705, %ge3A_1706 : vector<16xi32>
      %jit3A_1708 = arith.constant 1 : i32
      %jit3A_1709 = arith.constant 0 : i32
      %broadcast_in_dim3A_1710 = vector.broadcast %jit3A_1708 : i32 to vector<16xi32>
      %broadcast_in_dim3A_1711 = vector.broadcast %jit3A_1709 : i32 to vector<16xi32>
      %select_n3A_1712 = arith.select %ge3A_1707, %broadcast_in_dim3A_1710, %broadcast_in_dim3A_1711 : vector<16xi1>, vector<16xi32>
      %add3A_1713 = arith.addi %add3A_1703, %select_n3A_1712 : vector<16xi32>
      %get3A_1714 = arith.constant 176 : index
      %get3A_1715 = tpu.vector_load %arg5[%get3A_1714] {strides = array<i32>} : memref<1024xi32, #tpu.memory_space<vmem>>, vector<16xi32>,
      %ge3A_1716 = vector.broadcast %or3A_1601 : i32 to vector<16xi32>
      %ge3A_1717 = arith.cmpi uge, %get3A_1715, %ge3A_1716 : vector<16xi32>
      %jit3A_1718 = arith.constant 1 : i32
      %jit3A_1719 = arith.constant 0 : i32
      %broadcast_in_dim3A_1720 = vector.broadcast %jit3A_1718 : i32 to vector<16xi32>
      %broadcast_in_dim3A_1721 = vector.broadcast %jit3A_1719 : i32 to vector<16xi32>
      %select_n3A_1722 = arith.select %ge3A_1717, %broadcast_in_dim3A_1720, %broadcast_in_dim3A_1721 : vector<16xi1>, vector<16xi32>
      %add3A_1723 = arith.addi %add3A_1713, %select_n3A_1722 : vector<16xi32>
      %get3A_1724 = arith.constant 192 : index
      %get3A_1725 = tpu.vector_load %arg5[%get3A_1724] {strides = array<i32>} : memref<1024xi32, #tpu.memory_space<vmem>>, vector<16xi32>,
      %ge3A_1726 = vector.broadcast %or3A_1601 : i32 to vector<16xi32>
      %ge3A_1727 = arith.cmpi uge, %get3A_1725, %ge3A_1726 : vector<16xi32>
      %jit3A_1728 = arith.constant 1 : i32
      %jit3A_1729 = arith.constant 0 : i32
      %broadcast_in_dim3A_1730 = vector.broadcast %jit3A_1728 : i32 to vector<16xi32>
      %broadcast_in_dim3A_1731 = vector.broadcast %jit3A_1729 : i32 to vector<16xi32>
      %select_n3A_1732 = arith.select %ge3A_1727, %broadcast_in_dim3A_1730, %broadcast_in_dim3A_1731 : vector<16xi1>, vector<16xi32>
      %add3A_1733 = arith.addi %add3A_1723, %select_n3A_1732 : vector<16xi32>
      %get3A_1734 = arith.constant 208 : index
      %get3A_1735 = tpu.vector_load %arg5[%get3A_1734] {strides = array<i32>} : memref<1024xi32, #tpu.memory_space<vmem>>, vector<16xi32>,
      %ge3A_1736 = vector.broadcast %or3A_1601 : i32 to vector<16xi32>
      %ge3A_1737 = arith.cmpi uge, %get3A_1735, %ge3A_1736 : vector<16xi32>
      %jit3A_1738 = arith.constant 1 : i32
      %jit3A_1739 = arith.constant 0 : i32
      %broadcast_in_dim3A_1740 = vector.broadcast %jit3A_1738 : i32 to vector<16xi32>
      %broadcast_in_dim3A_1741 = vector.broadcast %jit3A_1739 : i32 to vector<16xi32>
      %select_n3A_1742 = arith.select %ge3A_1737, %broadcast_in_dim3A_1740, %broadcast_in_dim3A_1741 : vector<16xi1>, vector<16xi32>
      %add3A_1743 = arith.addi %add3A_1733, %select_n3A_1742 : vector<16xi32>
      %get3A_1744 = arith.constant 224 : index
      %get3A_1745 = tpu.vector_load %arg5[%get3A_1744] {strides = array<i32>} : memref<1024xi32, #tpu.memory_space<vmem>>, vector<16xi32>,
      %ge3A_1746 = vector.broadcast %or3A_1601 : i32 to vector<16xi32>
      %ge3A_1747 = arith.cmpi uge, %get3A_1745, %ge3A_1746 : vector<16xi32>
      %jit3A_1748 = arith.constant 1 : i32
      %jit3A_1749 = arith.constant 0 : i32
      %broadcast_in_dim3A_1750 = vector.broadcast %jit3A_1748 : i32 to vector<16xi32>
      %broadcast_in_dim3A_1751 = vector.broadcast %jit3A_1749 : i32 to vector<16xi32>
      %select_n3A_1752 = arith.select %ge3A_1747, %broadcast_in_dim3A_1750, %broadcast_in_dim3A_1751 : vector<16xi1>, vector<16xi32>
      %add3A_1753 = arith.addi %add3A_1743, %select_n3A_1752 : vector<16xi32>
      %get3A_1754 = arith.constant 240 : index
      %get3A_1755 = tpu.vector_load %arg5[%get3A_1754] {strides = array<i32>} : memref<1024xi32, #tpu.memory_space<vmem>>, vector<16xi32>,
      %ge3A_1756 = vector.broadcast %or3A_1601 : i32 to vector<16xi32>
      %ge3A_1757 = arith.cmpi uge, %get3A_1755, %ge3A_1756 : vector<16xi32>
      %jit3A_1758 = arith.constant 1 : i32
      %jit3A_1759 = arith.constant 0 : i32
      %broadcast_in_dim3A_1760 = vector.broadcast %jit3A_1758 : i32 to vector<16xi32>
      %broadcast_in_dim3A_1761 = vector.broadcast %jit3A_1759 : i32 to vector<16xi32>
      %select_n3A_1762 = arith.select %ge3A_1757, %broadcast_in_dim3A_1760, %broadcast_in_dim3A_1761 : vector<16xi1>, vector<16xi32>
      %add3A_1763 = arith.addi %add3A_1753, %select_n3A_1762 : vector<16xi32>
      %get3A_1764 = arith.constant 256 : index
      %get3A_1765 = tpu.vector_load %arg5[%get3A_1764] {strides = array<i32>} : memref<1024xi32, #tpu.memory_space<vmem>>, vector<16xi32>,
      %ge3A_1766 = vector.broadcast %or3A_1601 : i32 to vector<16xi32>
      %ge3A_1767 = arith.cmpi uge, %get3A_1765, %ge3A_1766 : vector<16xi32>
      %jit3A_1768 = arith.constant 1 : i32
      %jit3A_1769 = arith.constant 0 : i32
      %broadcast_in_dim3A_1770 = vector.broadcast %jit3A_1768 : i32 to vector<16xi32>
      %broadcast_in_dim3A_1771 = vector.broadcast %jit3A_1769 : i32 to vector<16xi32>
      %select_n3A_1772 = arith.select %ge3A_1767, %broadcast_in_dim3A_1770, %broadcast_in_dim3A_1771 : vector<16xi1>, vector<16xi32>
      %add3A_1773 = arith.addi %add3A_1763, %select_n3A_1772 : vector<16xi32>
      %get3A_1774 = arith.constant 272 : index
      %get3A_1775 = tpu.vector_load %arg5[%get3A_1774] {strides = array<i32>} : memref<1024xi32, #tpu.memory_space<vmem>>, vector<16xi32>,
      %ge3A_1776 = vector.broadcast %or3A_1601 : i32 to vector<16xi32>
      %ge3A_1777 = arith.cmpi uge, %get3A_1775, %ge3A_1776 : vector<16xi32>
      %jit3A_1778 = arith.constant 1 : i32
      %jit3A_1779 = arith.constant 0 : i32
      %broadcast_in_dim3A_1780 = vector.broadcast %jit3A_1778 : i32 to vector<16xi32>
      %broadcast_in_dim3A_1781 = vector.broadcast %jit3A_1779 : i32 to vector<16xi32>
      %select_n3A_1782 = arith.select %ge3A_1777, %broadcast_in_dim3A_1780, %broadcast_in_dim3A_1781 : vector<16xi1>, vector<16xi32>
      %add3A_1783 = arith.addi %add3A_1773, %select_n3A_1782 : vector<16xi32>
      %get3A_1784 = arith.constant 288 : index
      %get3A_1785 = tpu.vector_load %arg5[%get3A_1784] {strides = array<i32>} : memref<1024xi32, #tpu.memory_space<vmem>>, vector<16xi32>,
      %ge3A_1786 = vector.broadcast %or3A_1601 : i32 to vector<16xi32>
      %ge3A_1787 = arith.cmpi uge, %get3A_1785, %ge3A_1786 : vector<16xi32>
      %jit3A_1788 = arith.constant 1 : i32
      %jit3A_1789 = arith.constant 0 : i32
      %broadcast_in_dim3A_1790 = vector.broadcast %jit3A_1788 : i32 to vector<16xi32>
      %broadcast_in_dim3A_1791 = vector.broadcast %jit3A_1789 : i32 to vector<16xi32>
      %select_n3A_1792 = arith.select %ge3A_1787, %broadcast_in_dim3A_1790, %broadcast_in_dim3A_1791 : vector<16xi1>, vector<16xi32>
      %add3A_1793 = arith.addi %add3A_1783, %select_n3A_1792 : vector<16xi32>
      %get3A_1794 = arith.constant 304 : index
      %get3A_1795 = tpu.vector_load %arg5[%get3A_1794] {strides = array<i32>} : memref<1024xi32, #tpu.memory_space<vmem>>, vector<16xi32>,
      %ge3A_1796 = vector.broadcast %or3A_1601 : i32 to vector<16xi32>
      %ge3A_1797 = arith.cmpi uge, %get3A_1795, %ge3A_1796 : vector<16xi32>
      %jit3A_1798 = arith.constant 1 : i32
      %jit3A_1799 = arith.constant 0 : i32
      %broadcast_in_dim3A_1800 = vector.broadcast %jit3A_1798 : i32 to vector<16xi32>
      %broadcast_in_dim3A_1801 = vector.broadcast %jit3A_1799 : i32 to vector<16xi32>
      %select_n3A_1802 = arith.select %ge3A_1797, %broadcast_in_dim3A_1800, %broadcast_in_dim3A_1801 : vector<16xi1>, vector<16xi32>
      %add3A_1803 = arith.addi %add3A_1793, %select_n3A_1802 : vector<16xi32>
      %get3A_1804 = arith.constant 320 : index
      %get3A_1805 = tpu.vector_load %arg5[%get3A_1804] {strides = array<i32>} : memref<1024xi32, #tpu.memory_space<vmem>>, vector<16xi32>,
      %ge3A_1806 = vector.broadcast %or3A_1601 : i32 to vector<16xi32>
      %ge3A_1807 = arith.cmpi uge, %get3A_1805, %ge3A_1806 : vector<16xi32>
      %jit3A_1808 = arith.constant 1 : i32
      %jit3A_1809 = arith.constant 0 : i32
      %broadcast_in_dim3A_1810 = vector.broadcast %jit3A_1808 : i32 to vector<16xi32>
      %broadcast_in_dim3A_1811 = vector.broadcast %jit3A_1809 : i32 to vector<16xi32>
      %select_n3A_1812 = arith.select %ge3A_1807, %broadcast_in_dim3A_1810, %broadcast_in_dim3A_1811 : vector<16xi1>, vector<16xi32>
      %add3A_1813 = arith.addi %add3A_1803, %select_n3A_1812 : vector<16xi32>
      %get3A_1814 = arith.constant 336 : index
      %get3A_1815 = tpu.vector_load %arg5[%get3A_1814] {strides = array<i32>} : memref<1024xi32, #tpu.memory_space<vmem>>, vector<16xi32>,
      %ge3A_1816 = vector.broadcast %or3A_1601 : i32 to vector<16xi32>
      %ge3A_1817 = arith.cmpi uge, %get3A_1815, %ge3A_1816 : vector<16xi32>
      %jit3A_1818 = arith.constant 1 : i32
      %jit3A_1819 = arith.constant 0 : i32
      %broadcast_in_dim3A_1820 = vector.broadcast %jit3A_1818 : i32 to vector<16xi32>
      %broadcast_in_dim3A_1821 = vector.broadcast %jit3A_1819 : i32 to vector<16xi32>
      %select_n3A_1822 = arith.select %ge3A_1817, %broadcast_in_dim3A_1820, %broadcast_in_dim3A_1821 : vector<16xi1>, vector<16xi32>
      %add3A_1823 = arith.addi %add3A_1813, %select_n3A_1822 : vector<16xi32>
      %get3A_1824 = arith.constant 352 : index
      %get3A_1825 = tpu.vector_load %arg5[%get3A_1824] {strides = array<i32>} : memref<1024xi32, #tpu.memory_space<vmem>>, vector<16xi32>,
      %ge3A_1826 = vector.broadcast %or3A_1601 : i32 to vector<16xi32>
      %ge3A_1827 = arith.cmpi uge, %get3A_1825, %ge3A_1826 : vector<16xi32>
      %jit3A_1828 = arith.constant 1 : i32
      %jit3A_1829 = arith.constant 0 : i32
      %broadcast_in_dim3A_1830 = vector.broadcast %jit3A_1828 : i32 to vector<16xi32>
      %broadcast_in_dim3A_1831 = vector.broadcast %jit3A_1829 : i32 to vector<16xi32>
      %select_n3A_1832 = arith.select %ge3A_1827, %broadcast_in_dim3A_1830, %broadcast_in_dim3A_1831 : vector<16xi1>, vector<16xi32>
      %add3A_1833 = arith.addi %add3A_1823, %select_n3A_1832 : vector<16xi32>
      %get3A_1834 = arith.constant 368 : index
      %get3A_1835 = tpu.vector_load %arg5[%get3A_1834] {strides = array<i32>} : memref<1024xi32, #tpu.memory_space<vmem>>, vector<16xi32>,
      %ge3A_1836 = vector.broadcast %or3A_1601 : i32 to vector<16xi32>
      %ge3A_1837 = arith.cmpi uge, %get3A_1835, %ge3A_1836 : vector<16xi32>
      %jit3A_1838 = arith.constant 1 : i32
      %jit3A_1839 = arith.constant 0 : i32
      %broadcast_in_dim3A_1840 = vector.broadcast %jit3A_1838 : i32 to vector<16xi32>
      %broadcast_in_dim3A_1841 = vector.broadcast %jit3A_1839 : i32 to vector<16xi32>
      %select_n3A_1842 = arith.select %ge3A_1837, %broadcast_in_dim3A_1840, %broadcast_in_dim3A_1841 : vector<16xi1>, vector<16xi32>
      %add3A_1843 = arith.addi %add3A_1833, %select_n3A_1842 : vector<16xi32>
      %get3A_1844 = arith.constant 384 : index
      %get3A_1845 = tpu.vector_load %arg5[%get3A_1844] {strides = array<i32>} : memref<1024xi32, #tpu.memory_space<vmem>>, vector<16xi32>,
      %ge3A_1846 = vector.broadcast %or3A_1601 : i32 to vector<16xi32>
      %ge3A_1847 = arith.cmpi uge, %get3A_1845, %ge3A_1846 : vector<16xi32>
      %jit3A_1848 = arith.constant 1 : i32
      %jit3A_1849 = arith.constant 0 : i32
      %broadcast_in_dim3A_1850 = vector.broadcast %jit3A_1848 : i32 to vector<16xi32>
      %broadcast_in_dim3A_1851 = vector.broadcast %jit3A_1849 : i32 to vector<16xi32>
      %select_n3A_1852 = arith.select %ge3A_1847, %broadcast_in_dim3A_1850, %broadcast_in_dim3A_1851 : vector<16xi1>, vector<16xi32>
      %add3A_1853 = arith.addi %add3A_1843, %select_n3A_1852 : vector<16xi32>
      %get3A_1854 = arith.constant 400 : index
      %get3A_1855 = tpu.vector_load %arg5[%get3A_1854] {strides = array<i32>} : memref<1024xi32, #tpu.memory_space<vmem>>, vector<16xi32>,
      %ge3A_1856 = vector.broadcast %or3A_1601 : i32 to vector<16xi32>
      %ge3A_1857 = arith.cmpi uge, %get3A_1855, %ge3A_1856 : vector<16xi32>
      %jit3A_1858 = arith.constant 1 : i32
      %jit3A_1859 = arith.constant 0 : i32
      %broadcast_in_dim3A_1860 = vector.broadcast %jit3A_1858 : i32 to vector<16xi32>
      %broadcast_in_dim3A_1861 = vector.broadcast %jit3A_1859 : i32 to vector<16xi32>
      %select_n3A_1862 = arith.select %ge3A_1857, %broadcast_in_dim3A_1860, %broadcast_in_dim3A_1861 : vector<16xi1>, vector<16xi32>
      %add3A_1863 = arith.addi %add3A_1853, %select_n3A_1862 : vector<16xi32>
      %get3A_1864 = arith.constant 416 : index
      %get3A_1865 = tpu.vector_load %arg5[%get3A_1864] {strides = array<i32>} : memref<1024xi32, #tpu.memory_space<vmem>>, vector<16xi32>,
      %ge3A_1866 = vector.broadcast %or3A_1601 : i32 to vector<16xi32>
      %ge3A_1867 = arith.cmpi uge, %get3A_1865, %ge3A_1866 : vector<16xi32>
      %jit3A_1868 = arith.constant 1 : i32
      %jit3A_1869 = arith.constant 0 : i32
      %broadcast_in_dim3A_1870 = vector.broadcast %jit3A_1868 : i32 to vector<16xi32>
      %broadcast_in_dim3A_1871 = vector.broadcast %jit3A_1869 : i32 to vector<16xi32>
      %select_n3A_1872 = arith.select %ge3A_1867, %broadcast_in_dim3A_1870, %broadcast_in_dim3A_1871 : vector<16xi1>, vector<16xi32>
      %add3A_1873 = arith.addi %add3A_1863, %select_n3A_1872 : vector<16xi32>
      %get3A_1874 = arith.constant 432 : index
      %get3A_1875 = tpu.vector_load %arg5[%get3A_1874] {strides = array<i32>} : memref<1024xi32, #tpu.memory_space<vmem>>, vector<16xi32>,
      %ge3A_1876 = vector.broadcast %or3A_1601 : i32 to vector<16xi32>
      %ge3A_1877 = arith.cmpi uge, %get3A_1875, %ge3A_1876 : vector<16xi32>
      %jit3A_1878 = arith.constant 1 : i32
      %jit3A_1879 = arith.constant 0 : i32
      %broadcast_in_dim3A_1880 = vector.broadcast %jit3A_1878 : i32 to vector<16xi32>
      %broadcast_in_dim3A_1881 = vector.broadcast %jit3A_1879 : i32 to vector<16xi32>
      %select_n3A_1882 = arith.select %ge3A_1877, %broadcast_in_dim3A_1880, %broadcast_in_dim3A_1881 : vector<16xi1>, vector<16xi32>
      %add3A_1883 = arith.addi %add3A_1873, %select_n3A_1882 : vector<16xi32>
      %get3A_1884 = arith.constant 448 : index
      %get3A_1885 = tpu.vector_load %arg5[%get3A_1884] {strides = array<i32>} : memref<1024xi32, #tpu.memory_space<vmem>>, vector<16xi32>,
      %ge3A_1886 = vector.broadcast %or3A_1601 : i32 to vector<16xi32>
      %ge3A_1887 = arith.cmpi uge, %get3A_1885, %ge3A_1886 : vector<16xi32>
      %jit3A_1888 = arith.constant 1 : i32
      %jit3A_1889 = arith.constant 0 : i32
      %broadcast_in_dim3A_1890 = vector.broadcast %jit3A_1888 : i32 to vector<16xi32>
      %broadcast_in_dim3A_1891 = vector.broadcast %jit3A_1889 : i32 to vector<16xi32>
      %select_n3A_1892 = arith.select %ge3A_1887, %broadcast_in_dim3A_1890, %broadcast_in_dim3A_1891 : vector<16xi1>, vector<16xi32>
      %add3A_1893 = arith.addi %add3A_1883, %select_n3A_1892 : vector<16xi32>
      %get3A_1894 = arith.constant 464 : index
      %get3A_1895 = tpu.vector_load %arg5[%get3A_1894] {strides = array<i32>} : memref<1024xi32, #tpu.memory_space<vmem>>, vector<16xi32>,
      %ge3A_1896 = vector.broadcast %or3A_1601 : i32 to vector<16xi32>
      %ge3A_1897 = arith.cmpi uge, %get3A_1895, %ge3A_1896 : vector<16xi32>
      %jit3A_1898 = arith.constant 1 : i32
      %jit3A_1899 = arith.constant 0 : i32
      %broadcast_in_dim3A_1900 = vector.broadcast %jit3A_1898 : i32 to vector<16xi32>
      %broadcast_in_dim3A_1901 = vector.broadcast %jit3A_1899 : i32 to vector<16xi32>
      %select_n3A_1902 = arith.select %ge3A_1897, %broadcast_in_dim3A_1900, %broadcast_in_dim3A_1901 : vector<16xi1>, vector<16xi32>
      %add3A_1903 = arith.addi %add3A_1893, %select_n3A_1902 : vector<16xi32>
      %get3A_1904 = arith.constant 480 : index
      %get3A_1905 = tpu.vector_load %arg5[%get3A_1904] {strides = array<i32>} : memref<1024xi32, #tpu.memory_space<vmem>>, vector<16xi32>,
      %ge3A_1906 = vector.broadcast %or3A_1601 : i32 to vector<16xi32>
      %ge3A_1907 = arith.cmpi uge, %get3A_1905, %ge3A_1906 : vector<16xi32>
      %jit3A_1908 = arith.constant 1 : i32
      %jit3A_1909 = arith.constant 0 : i32
      %broadcast_in_dim3A_1910 = vector.broadcast %jit3A_1908 : i32 to vector<16xi32>
      %broadcast_in_dim3A_1911 = vector.broadcast %jit3A_1909 : i32 to vector<16xi32>
      %select_n3A_1912 = arith.select %ge3A_1907, %broadcast_in_dim3A_1910, %broadcast_in_dim3A_1911 : vector<16xi1>, vector<16xi32>
      %add3A_1913 = arith.addi %add3A_1903, %select_n3A_1912 : vector<16xi32>
      %get3A_1914 = arith.constant 496 : index
      %get3A_1915 = tpu.vector_load %arg5[%get3A_1914] {strides = array<i32>} : memref<1024xi32, #tpu.memory_space<vmem>>, vector<16xi32>,
      %ge3A_1916 = vector.broadcast %or3A_1601 : i32 to vector<16xi32>
      %ge3A_1917 = arith.cmpi uge, %get3A_1915, %ge3A_1916 : vector<16xi32>
      %jit3A_1918 = arith.constant 1 : i32
      %jit3A_1919 = arith.constant 0 : i32
      %broadcast_in_dim3A_1920 = vector.broadcast %jit3A_1918 : i32 to vector<16xi32>
      %broadcast_in_dim3A_1921 = vector.broadcast %jit3A_1919 : i32 to vector<16xi32>
      %select_n3A_1922 = arith.select %ge3A_1917, %broadcast_in_dim3A_1920, %broadcast_in_dim3A_1921 : vector<16xi1>, vector<16xi32>
      %add3A_1923 = arith.addi %add3A_1913, %select_n3A_1922 : vector<16xi32>
      %get3A_1924 = arith.constant 512 : index
      %get3A_1925 = tpu.vector_load %arg5[%get3A_1924] {strides = array<i32>} : memref<1024xi32, #tpu.memory_space<vmem>>, vector<16xi32>,
      %ge3A_1926 = vector.broadcast %or3A_1601 : i32 to vector<16xi32>
      %ge3A_1927 = arith.cmpi uge, %get3A_1925, %ge3A_1926 : vector<16xi32>
      %jit3A_1928 = arith.constant 1 : i32
      %jit3A_1929 = arith.constant 0 : i32
      %broadcast_in_dim3A_1930 = vector.broadcast %jit3A_1928 : i32 to vector<16xi32>
      %broadcast_in_dim3A_1931 = vector.broadcast %jit3A_1929 : i32 to vector<16xi32>
      %select_n3A_1932 = arith.select %ge3A_1927, %broadcast_in_dim3A_1930, %broadcast_in_dim3A_1931 : vector<16xi1>, vector<16xi32>
      %add3A_1933 = arith.addi %add3A_1923, %select_n3A_1932 : vector<16xi32>
      %get3A_1934 = arith.constant 528 : index
      %get3A_1935 = tpu.vector_load %arg5[%get3A_1934] {strides = array<i32>} : memref<1024xi32, #tpu.memory_space<vmem>>, vector<16xi32>,
      %ge3A_1936 = vector.broadcast %or3A_1601 : i32 to vector<16xi32>
      %ge3A_1937 = arith.cmpi uge, %get3A_1935, %ge3A_1936 : vector<16xi32>
      %jit3A_1938 = arith.constant 1 : i32
      %jit3A_1939 = arith.constant 0 : i32
      %broadcast_in_dim3A_1940 = vector.broadcast %jit3A_1938 : i32 to vector<16xi32>
      %broadcast_in_dim3A_1941 = vector.broadcast %jit3A_1939 : i32 to vector<16xi32>
      %select_n3A_1942 = arith.select %ge3A_1937, %broadcast_in_dim3A_1940, %broadcast_in_dim3A_1941 : vector<16xi1>, vector<16xi32>
      %add3A_1943 = arith.addi %add3A_1933, %select_n3A_1942 : vector<16xi32>
      %get3A_1944 = arith.constant 544 : index
      %get3A_1945 = tpu.vector_load %arg5[%get3A_1944] {strides = array<i32>} : memref<1024xi32, #tpu.memory_space<vmem>>, vector<16xi32>,
      %ge3A_1946 = vector.broadcast %or3A_1601 : i32 to vector<16xi32>
      %ge3A_1947 = arith.cmpi uge, %get3A_1945, %ge3A_1946 : vector<16xi32>
      %jit3A_1948 = arith.constant 1 : i32
      %jit3A_1949 = arith.constant 0 : i32
      %broadcast_in_dim3A_1950 = vector.broadcast %jit3A_1948 : i32 to vector<16xi32>
      %broadcast_in_dim3A_1951 = vector.broadcast %jit3A_1949 : i32 to vector<16xi32>
      %select_n3A_1952 = arith.select %ge3A_1947, %broadcast_in_dim3A_1950, %broadcast_in_dim3A_1951 : vector<16xi1>, vector<16xi32>
      %add3A_1953 = arith.addi %add3A_1943, %select_n3A_1952 : vector<16xi32>
      %get3A_1954 = arith.constant 560 : index
      %get3A_1955 = tpu.vector_load %arg5[%get3A_1954] {strides = array<i32>} : memref<1024xi32, #tpu.memory_space<vmem>>, vector<16xi32>,
      %ge3A_1956 = vector.broadcast %or3A_1601 : i32 to vector<16xi32>
      %ge3A_1957 = arith.cmpi uge, %get3A_1955, %ge3A_1956 : vector<16xi32>
      %jit3A_1958 = arith.constant 1 : i32
      %jit3A_1959 = arith.constant 0 : i32
      %broadcast_in_dim3A_1960 = vector.broadcast %jit3A_1958 : i32 to vector<16xi32>
      %broadcast_in_dim3A_1961 = vector.broadcast %jit3A_1959 : i32 to vector<16xi32>
      %select_n3A_1962 = arith.select %ge3A_1957, %broadcast_in_dim3A_1960, %broadcast_in_dim3A_1961 : vector<16xi1>, vector<16xi32>
      %add3A_1963 = arith.addi %add3A_1953, %select_n3A_1962 : vector<16xi32>
      %get3A_1964 = arith.constant 576 : index
      %get3A_1965 = tpu.vector_load %arg5[%get3A_1964] {strides = array<i32>} : memref<1024xi32, #tpu.memory_space<vmem>>, vector<16xi32>,
      %ge3A_1966 = vector.broadcast %or3A_1601 : i32 to vector<16xi32>
      %ge3A_1967 = arith.cmpi uge, %get3A_1965, %ge3A_1966 : vector<16xi32>
      %jit3A_1968 = arith.constant 1 : i32
      %jit3A_1969 = arith.constant 0 : i32
      %broadcast_in_dim3A_1970 = vector.broadcast %jit3A_1968 : i32 to vector<16xi32>
      %broadcast_in_dim3A_1971 = vector.broadcast %jit3A_1969 : i32 to vector<16xi32>
      %select_n3A_1972 = arith.select %ge3A_1967, %broadcast_in_dim3A_1970, %broadcast_in_dim3A_1971 : vector<16xi1>, vector<16xi32>
      %add3A_1973 = arith.addi %add3A_1963, %select_n3A_1972 : vector<16xi32>
      %get3A_1974 = arith.constant 592 : index
      %get3A_1975 = tpu.vector_load %arg5[%get3A_1974] {strides = array<i32>} : memref<1024xi32, #tpu.memory_space<vmem>>, vector<16xi32>,
      %ge3A_1976 = vector.broadcast %or3A_1601 : i32 to vector<16xi32>
      %ge3A_1977 = arith.cmpi uge, %get3A_1975, %ge3A_1976 : vector<16xi32>
      %jit3A_1978 = arith.constant 1 : i32
      %jit3A_1979 = arith.constant 0 : i32
      %broadcast_in_dim3A_1980 = vector.broadcast %jit3A_1978 : i32 to vector<16xi32>
      %broadcast_in_dim3A_1981 = vector.broadcast %jit3A_1979 : i32 to vector<16xi32>
      %select_n3A_1982 = arith.select %ge3A_1977, %broadcast_in_dim3A_1980, %broadcast_in_dim3A_1981 : vector<16xi1>, vector<16xi32>
      %add3A_1983 = arith.addi %add3A_1973, %select_n3A_1982 : vector<16xi32>
      %get3A_1984 = arith.constant 608 : index
      %get3A_1985 = tpu.vector_load %arg5[%get3A_1984] {strides = array<i32>} : memref<1024xi32, #tpu.memory_space<vmem>>, vector<16xi32>,
      %ge3A_1986 = vector.broadcast %or3A_1601 : i32 to vector<16xi32>
      %ge3A_1987 = arith.cmpi uge, %get3A_1985, %ge3A_1986 : vector<16xi32>
      %jit3A_1988 = arith.constant 1 : i32
      %jit3A_1989 = arith.constant 0 : i32
      %broadcast_in_dim3A_1990 = vector.broadcast %jit3A_1988 : i32 to vector<16xi32>
      %broadcast_in_dim3A_1991 = vector.broadcast %jit3A_1989 : i32 to vector<16xi32>
      %select_n3A_1992 = arith.select %ge3A_1987, %broadcast_in_dim3A_1990, %broadcast_in_dim3A_1991 : vector<16xi1>, vector<16xi32>
      %add3A_1993 = arith.addi %add3A_1983, %select_n3A_1992 : vector<16xi32>
      %get3A_1994 = arith.constant 624 : index
      %get3A_1995 = tpu.vector_load %arg5[%get3A_1994] {strides = array<i32>} : memref<1024xi32, #tpu.memory_space<vmem>>, vector<16xi32>,
      %ge3A_1996 = vector.broadcast %or3A_1601 : i32 to vector<16xi32>
      %ge3A_1997 = arith.cmpi uge, %get3A_1995, %ge3A_1996 : vector<16xi32>
      %jit3A_1998 = arith.constant 1 : i32
      %jit3A_1999 = arith.constant 0 : i32
      %broadcast_in_dim3A_2000 = vector.broadcast %jit3A_1998 : i32 to vector<16xi32>
      %broadcast_in_dim3A_2001 = vector.broadcast %jit3A_1999 : i32 to vector<16xi32>
      %select_n3A_2002 = arith.select %ge3A_1997, %broadcast_in_dim3A_2000, %broadcast_in_dim3A_2001 : vector<16xi1>, vector<16xi32>
      %add3A_2003 = arith.addi %add3A_1993, %select_n3A_2002 : vector<16xi32>
      %get3A_2004 = arith.constant 640 : index
      %get3A_2005 = tpu.vector_load %arg5[%get3A_2004] {strides = array<i32>} : memref<1024xi32, #tpu.memory_space<vmem>>, vector<16xi32>,
      %ge3A_2006 = vector.broadcast %or3A_1601 : i32 to vector<16xi32>
      %ge3A_2007 = arith.cmpi uge, %get3A_2005, %ge3A_2006 : vector<16xi32>
      %jit3A_2008 = arith.constant 1 : i32
      %jit3A_2009 = arith.constant 0 : i32
      %broadcast_in_dim3A_2010 = vector.broadcast %jit3A_2008 : i32 to vector<16xi32>
      %broadcast_in_dim3A_2011 = vector.broadcast %jit3A_2009 : i32 to vector<16xi32>
      %select_n3A_2012 = arith.select %ge3A_2007, %broadcast_in_dim3A_2010, %broadcast_in_dim3A_2011 : vector<16xi1>, vector<16xi32>
      %add3A_2013 = arith.addi %add3A_2003, %select_n3A_2012 : vector<16xi32>
      %get3A_2014 = arith.constant 656 : index
      %get3A_2015 = tpu.vector_load %arg5[%get3A_2014] {strides = array<i32>} : memref<1024xi32, #tpu.memory_space<vmem>>, vector<16xi32>,
      %ge3A_2016 = vector.broadcast %or3A_1601 : i32 to vector<16xi32>
      %ge3A_2017 = arith.cmpi uge, %get3A_2015, %ge3A_2016 : vector<16xi32>
      %jit3A_2018 = arith.constant 1 : i32
      %jit3A_2019 = arith.constant 0 : i32
      %broadcast_in_dim3A_2020 = vector.broadcast %jit3A_2018 : i32 to vector<16xi32>
      %broadcast_in_dim3A_2021 = vector.broadcast %jit3A_2019 : i32 to vector<16xi32>
      %select_n3A_2022 = arith.select %ge3A_2017, %broadcast_in_dim3A_2020, %broadcast_in_dim3A_2021 : vector<16xi1>, vector<16xi32>
      %add3A_2023 = arith.addi %add3A_2013, %select_n3A_2022 : vector<16xi32>
      %get3A_2024 = arith.constant 672 : index
      %get3A_2025 = tpu.vector_load %arg5[%get3A_2024] {strides = array<i32>} : memref<1024xi32, #tpu.memory_space<vmem>>, vector<16xi32>,
      %ge3A_2026 = vector.broadcast %or3A_1601 : i32 to vector<16xi32>
      %ge3A_2027 = arith.cmpi uge, %get3A_2025, %ge3A_2026 : vector<16xi32>
      %jit3A_2028 = arith.constant 1 : i32
      %jit3A_2029 = arith.constant 0 : i32
      %broadcast_in_dim3A_2030 = vector.broadcast %jit3A_2028 : i32 to vector<16xi32>
      %broadcast_in_dim3A_2031 = vector.broadcast %jit3A_2029 : i32 to vector<16xi32>
      %select_n3A_2032 = arith.select %ge3A_2027, %broadcast_in_dim3A_2030, %broadcast_in_dim3A_2031 : vector<16xi1>, vector<16xi32>
      %add3A_2033 = arith.addi %add3A_2023, %select_n3A_2032 : vector<16xi32>
      %get3A_2034 = arith.constant 688 : index
      %get3A_2035 = tpu.vector_load %arg5[%get3A_2034] {strides = array<i32>} : memref<1024xi32, #tpu.memory_space<vmem>>, vector<16xi32>,
      %ge3A_2036 = vector.broadcast %or3A_1601 : i32 to vector<16xi32>
      %ge3A_2037 = arith.cmpi uge, %get3A_2035, %ge3A_2036 : vector<16xi32>
      %jit3A_2038 = arith.constant 1 : i32
      %jit3A_2039 = arith.constant 0 : i32
      %broadcast_in_dim3A_2040 = vector.broadcast %jit3A_2038 : i32 to vector<16xi32>
      %broadcast_in_dim3A_2041 = vector.broadcast %jit3A_2039 : i32 to vector<16xi32>
      %select_n3A_2042 = arith.select %ge3A_2037, %broadcast_in_dim3A_2040, %broadcast_in_dim3A_2041 : vector<16xi1>, vector<16xi32>
      %add3A_2043 = arith.addi %add3A_2033, %select_n3A_2042 : vector<16xi32>
      %get3A_2044 = arith.constant 704 : index
      %get3A_2045 = tpu.vector_load %arg5[%get3A_2044] {strides = array<i32>} : memref<1024xi32, #tpu.memory_space<vmem>>, vector<16xi32>,
      %ge3A_2046 = vector.broadcast %or3A_1601 : i32 to vector<16xi32>
      %ge3A_2047 = arith.cmpi uge, %get3A_2045, %ge3A_2046 : vector<16xi32>
      %jit3A_2048 = arith.constant 1 : i32
      %jit3A_2049 = arith.constant 0 : i32
      %broadcast_in_dim3A_2050 = vector.broadcast %jit3A_2048 : i32 to vector<16xi32>
      %broadcast_in_dim3A_2051 = vector.broadcast %jit3A_2049 : i32 to vector<16xi32>
      %select_n3A_2052 = arith.select %ge3A_2047, %broadcast_in_dim3A_2050, %broadcast_in_dim3A_2051 : vector<16xi1>, vector<16xi32>
      %add3A_2053 = arith.addi %add3A_2043, %select_n3A_2052 : vector<16xi32>
      %get3A_2054 = arith.constant 720 : index
      %get3A_2055 = tpu.vector_load %arg5[%get3A_2054] {strides = array<i32>} : memref<1024xi32, #tpu.memory_space<vmem>>, vector<16xi32>,
      %ge3A_2056 = vector.broadcast %or3A_1601 : i32 to vector<16xi32>
      %ge3A_2057 = arith.cmpi uge, %get3A_2055, %ge3A_2056 : vector<16xi32>
      %jit3A_2058 = arith.constant 1 : i32
      %jit3A_2059 = arith.constant 0 : i32
      %broadcast_in_dim3A_2060 = vector.broadcast %jit3A_2058 : i32 to vector<16xi32>
      %broadcast_in_dim3A_2061 = vector.broadcast %jit3A_2059 : i32 to vector<16xi32>
      %select_n3A_2062 = arith.select %ge3A_2057, %broadcast_in_dim3A_2060, %broadcast_in_dim3A_2061 : vector<16xi1>, vector<16xi32>
      %add3A_2063 = arith.addi %add3A_2053, %select_n3A_2062 : vector<16xi32>
      %get3A_2064 = arith.constant 736 : index
      %get3A_2065 = tpu.vector_load %arg5[%get3A_2064] {strides = array<i32>} : memref<1024xi32, #tpu.memory_space<vmem>>, vector<16xi32>,
      %ge3A_2066 = vector.broadcast %or3A_1601 : i32 to vector<16xi32>
      %ge3A_2067 = arith.cmpi uge, %get3A_2065, %ge3A_2066 : vector<16xi32>
      %jit3A_2068 = arith.constant 1 : i32
      %jit3A_2069 = arith.constant 0 : i32
      %broadcast_in_dim3A_2070 = vector.broadcast %jit3A_2068 : i32 to vector<16xi32>
      %broadcast_in_dim3A_2071 = vector.broadcast %jit3A_2069 : i32 to vector<16xi32>
      %select_n3A_2072 = arith.select %ge3A_2067, %broadcast_in_dim3A_2070, %broadcast_in_dim3A_2071 : vector<16xi1>, vector<16xi32>
      %add3A_2073 = arith.addi %add3A_2063, %select_n3A_2072 : vector<16xi32>
      %get3A_2074 = arith.constant 752 : index
      %get3A_2075 = tpu.vector_load %arg5[%get3A_2074] {strides = array<i32>} : memref<1024xi32, #tpu.memory_space<vmem>>, vector<16xi32>,
      %ge3A_2076 = vector.broadcast %or3A_1601 : i32 to vector<16xi32>
      %ge3A_2077 = arith.cmpi uge, %get3A_2075, %ge3A_2076 : vector<16xi32>
      %jit3A_2078 = arith.constant 1 : i32
      %jit3A_2079 = arith.constant 0 : i32
      %broadcast_in_dim3A_2080 = vector.broadcast %jit3A_2078 : i32 to vector<16xi32>
      %broadcast_in_dim3A_2081 = vector.broadcast %jit3A_2079 : i32 to vector<16xi32>
      %select_n3A_2082 = arith.select %ge3A_2077, %broadcast_in_dim3A_2080, %broadcast_in_dim3A_2081 : vector<16xi1>, vector<16xi32>
      %add3A_2083 = arith.addi %add3A_2073, %select_n3A_2082 : vector<16xi32>
      %get3A_2084 = arith.constant 768 : index
      %get3A_2085 = tpu.vector_load %arg5[%get3A_2084] {strides = array<i32>} : memref<1024xi32, #tpu.memory_space<vmem>>, vector<16xi32>,
      %ge3A_2086 = vector.broadcast %or3A_1601 : i32 to vector<16xi32>
      %ge3A_2087 = arith.cmpi uge, %get3A_2085, %ge3A_2086 : vector<16xi32>
      %jit3A_2088 = arith.constant 1 : i32
      %jit3A_2089 = arith.constant 0 : i32
      %broadcast_in_dim3A_2090 = vector.broadcast %jit3A_2088 : i32 to vector<16xi32>
      %broadcast_in_dim3A_2091 = vector.broadcast %jit3A_2089 : i32 to vector<16xi32>
      %select_n3A_2092 = arith.select %ge3A_2087, %broadcast_in_dim3A_2090, %broadcast_in_dim3A_2091 : vector<16xi1>, vector<16xi32>
      %add3A_2093 = arith.addi %add3A_2083, %select_n3A_2092 : vector<16xi32>
      %get3A_2094 = arith.constant 784 : index
      %get3A_2095 = tpu.vector_load %arg5[%get3A_2094] {strides = array<i32>} : memref<1024xi32, #tpu.memory_space<vmem>>, vector<16xi32>,
      %ge3A_2096 = vector.broadcast %or3A_1601 : i32 to vector<16xi32>
      %ge3A_2097 = arith.cmpi uge, %get3A_2095, %ge3A_2096 : vector<16xi32>
      %jit3A_2098 = arith.constant 1 : i32
      %jit3A_2099 = arith.constant 0 : i32
      %broadcast_in_dim3A_2100 = vector.broadcast %jit3A_2098 : i32 to vector<16xi32>
      %broadcast_in_dim3A_2101 = vector.broadcast %jit3A_2099 : i32 to vector<16xi32>
      %select_n3A_2102 = arith.select %ge3A_2097, %broadcast_in_dim3A_2100, %broadcast_in_dim3A_2101 : vector<16xi1>, vector<16xi32>
      %add3A_2103 = arith.addi %add3A_2093, %select_n3A_2102 : vector<16xi32>
      %get3A_2104 = arith.constant 800 : index
      %get3A_2105 = tpu.vector_load %arg5[%get3A_2104] {strides = array<i32>} : memref<1024xi32, #tpu.memory_space<vmem>>, vector<16xi32>,
      %ge3A_2106 = vector.broadcast %or3A_1601 : i32 to vector<16xi32>
      %ge3A_2107 = arith.cmpi uge, %get3A_2105, %ge3A_2106 : vector<16xi32>
      %jit3A_2108 = arith.constant 1 : i32
      %jit3A_2109 = arith.constant 0 : i32
      %broadcast_in_dim3A_2110 = vector.broadcast %jit3A_2108 : i32 to vector<16xi32>
      %broadcast_in_dim3A_2111 = vector.broadcast %jit3A_2109 : i32 to vector<16xi32>
      %select_n3A_2112 = arith.select %ge3A_2107, %broadcast_in_dim3A_2110, %broadcast_in_dim3A_2111 : vector<16xi1>, vector<16xi32>
      %add3A_2113 = arith.addi %add3A_2103, %select_n3A_2112 : vector<16xi32>
      %get3A_2114 = arith.constant 816 : index
      %get3A_2115 = tpu.vector_load %arg5[%get3A_2114] {strides = array<i32>} : memref<1024xi32, #tpu.memory_space<vmem>>, vector<16xi32>,
      %ge3A_2116 = vector.broadcast %or3A_1601 : i32 to vector<16xi32>
      %ge3A_2117 = arith.cmpi uge, %get3A_2115, %ge3A_2116 : vector<16xi32>
      %jit3A_2118 = arith.constant 1 : i32
      %jit3A_2119 = arith.constant 0 : i32
      %broadcast_in_dim3A_2120 = vector.broadcast %jit3A_2118 : i32 to vector<16xi32>
      %broadcast_in_dim3A_2121 = vector.broadcast %jit3A_2119 : i32 to vector<16xi32>
      %select_n3A_2122 = arith.select %ge3A_2117, %broadcast_in_dim3A_2120, %broadcast_in_dim3A_2121 : vector<16xi1>, vector<16xi32>
      %add3A_2123 = arith.addi %add3A_2113, %select_n3A_2122 : vector<16xi32>
      %get3A_2124 = arith.constant 832 : index
      %get3A_2125 = tpu.vector_load %arg5[%get3A_2124] {strides = array<i32>} : memref<1024xi32, #tpu.memory_space<vmem>>, vector<16xi32>,
      %ge3A_2126 = vector.broadcast %or3A_1601 : i32 to vector<16xi32>
      %ge3A_2127 = arith.cmpi uge, %get3A_2125, %ge3A_2126 : vector<16xi32>
      %jit3A_2128 = arith.constant 1 : i32
      %jit3A_2129 = arith.constant 0 : i32
      %broadcast_in_dim3A_2130 = vector.broadcast %jit3A_2128 : i32 to vector<16xi32>
      %broadcast_in_dim3A_2131 = vector.broadcast %jit3A_2129 : i32 to vector<16xi32>
      %select_n3A_2132 = arith.select %ge3A_2127, %broadcast_in_dim3A_2130, %broadcast_in_dim3A_2131 : vector<16xi1>, vector<16xi32>
      %add3A_2133 = arith.addi %add3A_2123, %select_n3A_2132 : vector<16xi32>
      %get3A_2134 = arith.constant 848 : index
      %get3A_2135 = tpu.vector_load %arg5[%get3A_2134] {strides = array<i32>} : memref<1024xi32, #tpu.memory_space<vmem>>, vector<16xi32>,
      %ge3A_2136 = vector.broadcast %or3A_1601 : i32 to vector<16xi32>
      %ge3A_2137 = arith.cmpi uge, %get3A_2135, %ge3A_2136 : vector<16xi32>
      %jit3A_2138 = arith.constant 1 : i32
      %jit3A_2139 = arith.constant 0 : i32
      %broadcast_in_dim3A_2140 = vector.broadcast %jit3A_2138 : i32 to vector<16xi32>
      %broadcast_in_dim3A_2141 = vector.broadcast %jit3A_2139 : i32 to vector<16xi32>
      %select_n3A_2142 = arith.select %ge3A_2137, %broadcast_in_dim3A_2140, %broadcast_in_dim3A_2141 : vector<16xi1>, vector<16xi32>
      %add3A_2143 = arith.addi %add3A_2133, %select_n3A_2142 : vector<16xi32>
      %get3A_2144 = arith.constant 864 : index
      %get3A_2145 = tpu.vector_load %arg5[%get3A_2144] {strides = array<i32>} : memref<1024xi32, #tpu.memory_space<vmem>>, vector<16xi32>,
      %ge3A_2146 = vector.broadcast %or3A_1601 : i32 to vector<16xi32>
      %ge3A_2147 = arith.cmpi uge, %get3A_2145, %ge3A_2146 : vector<16xi32>
      %jit3A_2148 = arith.constant 1 : i32
      %jit3A_2149 = arith.constant 0 : i32
      %broadcast_in_dim3A_2150 = vector.broadcast %jit3A_2148 : i32 to vector<16xi32>
      %broadcast_in_dim3A_2151 = vector.broadcast %jit3A_2149 : i32 to vector<16xi32>
      %select_n3A_2152 = arith.select %ge3A_2147, %broadcast_in_dim3A_2150, %broadcast_in_dim3A_2151 : vector<16xi1>, vector<16xi32>
      %add3A_2153 = arith.addi %add3A_2143, %select_n3A_2152 : vector<16xi32>
      %get3A_2154 = arith.constant 880 : index
      %get3A_2155 = tpu.vector_load %arg5[%get3A_2154] {strides = array<i32>} : memref<1024xi32, #tpu.memory_space<vmem>>, vector<16xi32>,
      %ge3A_2156 = vector.broadcast %or3A_1601 : i32 to vector<16xi32>
      %ge3A_2157 = arith.cmpi uge, %get3A_2155, %ge3A_2156 : vector<16xi32>
      %jit3A_2158 = arith.constant 1 : i32
      %jit3A_2159 = arith.constant 0 : i32
      %broadcast_in_dim3A_2160 = vector.broadcast %jit3A_2158 : i32 to vector<16xi32>
      %broadcast_in_dim3A_2161 = vector.broadcast %jit3A_2159 : i32 to vector<16xi32>
      %select_n3A_2162 = arith.select %ge3A_2157, %broadcast_in_dim3A_2160, %broadcast_in_dim3A_2161 : vector<16xi1>, vector<16xi32>
      %add3A_2163 = arith.addi %add3A_2153, %select_n3A_2162 : vector<16xi32>
      %get3A_2164 = arith.constant 896 : index
      %get3A_2165 = tpu.vector_load %arg5[%get3A_2164] {strides = array<i32>} : memref<1024xi32, #tpu.memory_space<vmem>>, vector<16xi32>,
      %ge3A_2166 = vector.broadcast %or3A_1601 : i32 to vector<16xi32>
      %ge3A_2167 = arith.cmpi uge, %get3A_2165, %ge3A_2166 : vector<16xi32>
      %jit3A_2168 = arith.constant 1 : i32
      %jit3A_2169 = arith.constant 0 : i32
      %broadcast_in_dim3A_2170 = vector.broadcast %jit3A_2168 : i32 to vector<16xi32>
      %broadcast_in_dim3A_2171 = vector.broadcast %jit3A_2169 : i32 to vector<16xi32>
      %select_n3A_2172 = arith.select %ge3A_2167, %broadcast_in_dim3A_2170, %broadcast_in_dim3A_2171 : vector<16xi1>, vector<16xi32>
      %add3A_2173 = arith.addi %add3A_2163, %select_n3A_2172 : vector<16xi32>
      %get3A_2174 = arith.constant 912 : index
      %get3A_2175 = tpu.vector_load %arg5[%get3A_2174] {strides = array<i32>} : memref<1024xi32, #tpu.memory_space<vmem>>, vector<16xi32>,
      %ge3A_2176 = vector.broadcast %or3A_1601 : i32 to vector<16xi32>
      %ge3A_2177 = arith.cmpi uge, %get3A_2175, %ge3A_2176 : vector<16xi32>
      %jit3A_2178 = arith.constant 1 : i32
      %jit3A_2179 = arith.constant 0 : i32
      %broadcast_in_dim3A_2180 = vector.broadcast %jit3A_2178 : i32 to vector<16xi32>
      %broadcast_in_dim3A_2181 = vector.broadcast %jit3A_2179 : i32 to vector<16xi32>
      %select_n3A_2182 = arith.select %ge3A_2177, %broadcast_in_dim3A_2180, %broadcast_in_dim3A_2181 : vector<16xi1>, vector<16xi32>
      %add3A_2183 = arith.addi %add3A_2173, %select_n3A_2182 : vector<16xi32>
      %get3A_2184 = arith.constant 928 : index
      %get3A_2185 = tpu.vector_load %arg5[%get3A_2184] {strides = array<i32>} : memref<1024xi32, #tpu.memory_space<vmem>>, vector<16xi32>,
      %ge3A_2186 = vector.broadcast %or3A_1601 : i32 to vector<16xi32>
      %ge3A_2187 = arith.cmpi uge, %get3A_2185, %ge3A_2186 : vector<16xi32>
      %jit3A_2188 = arith.constant 1 : i32
      %jit3A_2189 = arith.constant 0 : i32
      %broadcast_in_dim3A_2190 = vector.broadcast %jit3A_2188 : i32 to vector<16xi32>
      %broadcast_in_dim3A_2191 = vector.broadcast %jit3A_2189 : i32 to vector<16xi32>
      %select_n3A_2192 = arith.select %ge3A_2187, %broadcast_in_dim3A_2190, %broadcast_in_dim3A_2191 : vector<16xi1>, vector<16xi32>
      %add3A_2193 = arith.addi %add3A_2183, %select_n3A_2192 : vector<16xi32>
      %get3A_2194 = arith.constant 944 : index
      %get3A_2195 = tpu.vector_load %arg5[%get3A_2194] {strides = array<i32>} : memref<1024xi32, #tpu.memory_space<vmem>>, vector<16xi32>,
      %ge3A_2196 = vector.broadcast %or3A_1601 : i32 to vector<16xi32>
      %ge3A_2197 = arith.cmpi uge, %get3A_2195, %ge3A_2196 : vector<16xi32>
      %jit3A_2198 = arith.constant 1 : i32
      %jit3A_2199 = arith.constant 0 : i32
      %broadcast_in_dim3A_2200 = vector.broadcast %jit3A_2198 : i32 to vector<16xi32>
      %broadcast_in_dim3A_2201 = vector.broadcast %jit3A_2199 : i32 to vector<16xi32>
      %select_n3A_2202 = arith.select %ge3A_2197, %broadcast_in_dim3A_2200, %broadcast_in_dim3A_2201 : vector<16xi1>, vector<16xi32>
      %add3A_2203 = arith.addi %add3A_2193, %select_n3A_2202 : vector<16xi32>
      %get3A_2204 = arith.constant 960 : index
      %get3A_2205 = tpu.vector_load %arg5[%get3A_2204] {strides = array<i32>} : memref<1024xi32, #tpu.memory_space<vmem>>, vector<16xi32>,
      %ge3A_2206 = vector.broadcast %or3A_1601 : i32 to vector<16xi32>
      %ge3A_2207 = arith.cmpi uge, %get3A_2205, %ge3A_2206 : vector<16xi32>
      %jit3A_2208 = arith.constant 1 : i32
      %jit3A_2209 = arith.constant 0 : i32
      %broadcast_in_dim3A_2210 = vector.broadcast %jit3A_2208 : i32 to vector<16xi32>
      %broadcast_in_dim3A_2211 = vector.broadcast %jit3A_2209 : i32 to vector<16xi32>
      %select_n3A_2212 = arith.select %ge3A_2207, %broadcast_in_dim3A_2210, %broadcast_in_dim3A_2211 : vector<16xi1>, vector<16xi32>
      %add3A_2213 = arith.addi %add3A_2203, %select_n3A_2212 : vector<16xi32>
      %get3A_2214 = arith.constant 976 : index
      %get3A_2215 = tpu.vector_load %arg5[%get3A_2214] {strides = array<i32>} : memref<1024xi32, #tpu.memory_space<vmem>>, vector<16xi32>,
      %ge3A_2216 = vector.broadcast %or3A_1601 : i32 to vector<16xi32>
      %ge3A_2217 = arith.cmpi uge, %get3A_2215, %ge3A_2216 : vector<16xi32>
      %jit3A_2218 = arith.constant 1 : i32
      %jit3A_2219 = arith.constant 0 : i32
      %broadcast_in_dim3A_2220 = vector.broadcast %jit3A_2218 : i32 to vector<16xi32>
      %broadcast_in_dim3A_2221 = vector.broadcast %jit3A_2219 : i32 to vector<16xi32>
      %select_n3A_2222 = arith.select %ge3A_2217, %broadcast_in_dim3A_2220, %broadcast_in_dim3A_2221 : vector<16xi1>, vector<16xi32>
      %add3A_2223 = arith.addi %add3A_2213, %select_n3A_2222 : vector<16xi32>
      %get3A_2224 = arith.constant 992 : index
      %get3A_2225 = tpu.vector_load %arg5[%get3A_2224] {strides = array<i32>} : memref<1024xi32, #tpu.memory_space<vmem>>, vector<16xi32>,
      %ge3A_2226 = vector.broadcast %or3A_1601 : i32 to vector<16xi32>
      %ge3A_2227 = arith.cmpi uge, %get3A_2225, %ge3A_2226 : vector<16xi32>
      %jit3A_2228 = arith.constant 1 : i32
      %jit3A_2229 = arith.constant 0 : i32
      %broadcast_in_dim3A_2230 = vector.broadcast %jit3A_2228 : i32 to vector<16xi32>
      %broadcast_in_dim3A_2231 = vector.broadcast %jit3A_2229 : i32 to vector<16xi32>
      %select_n3A_2232 = arith.select %ge3A_2227, %broadcast_in_dim3A_2230, %broadcast_in_dim3A_2231 : vector<16xi1>, vector<16xi32>
      %add3A_2233 = arith.addi %add3A_2223, %select_n3A_2232 : vector<16xi32>
      %get3A_2234 = arith.constant 1008 : index
      %get3A_2235 = tpu.vector_load %arg5[%get3A_2234] {strides = array<i32>} : memref<1024xi32, #tpu.memory_space<vmem>>, vector<16xi32>,
      %ge3A_2236 = vector.broadcast %or3A_1601 : i32 to vector<16xi32>
      %ge3A_2237 = arith.cmpi uge, %get3A_2235, %ge3A_2236 : vector<16xi32>
      %jit3A_2238 = arith.constant 1 : i32
      %jit3A_2239 = arith.constant 0 : i32
      %broadcast_in_dim3A_2240 = vector.broadcast %jit3A_2238 : i32 to vector<16xi32>
      %broadcast_in_dim3A_2241 = vector.broadcast %jit3A_2239 : i32 to vector<16xi32>
      %select_n3A_2242 = arith.select %ge3A_2237, %broadcast_in_dim3A_2240, %broadcast_in_dim3A_2241 : vector<16xi1>, vector<16xi32>
      %add3A_2243 = arith.addi %add3A_2233, %select_n3A_2242 : vector<16xi32>
      %reduce_sum3A = arith.constant true
      %reduce_sum3A_2244 = vector.broadcast %reduce_sum3A : i1 to vector<16xi1>
      %reduce_sum3A_2245 = tpu.scan <sum>, %add3A_2243 masked %reduce_sum3A_2244 : vector<16xi32>, vector<16xi1> -> vector<16xi32>
      %reduce_sum3A_2246 = vector.extract %reduce_sum3A_2245[15] : i32 from vector<16xi32>
      %ge3A_2247 = arith.constant 307 : i32
      %ge3A_2248 = arith.cmpi sge, %reduce_sum3A_2246, %ge3A_2247 : i32
      %select_n3A_2249 = arith.select %ge3A_2248, %or3A_1601, %scan3A_1598 : i32
      scf.yield %select_n3A_2249 : i32
    }
    %scan3A_895 = arith.constant 32 : i32
    %get3A_896 = arith.constant 0 : index
    %get3A_897 = tpu.vector_load %arg5[%get3A_896] {strides = array<i32>} : memref<1024xi32, #tpu.memory_space<vmem>>, vector<16xi32>,
    %gt3A = vector.broadcast %scan3A_894 : i32 to vector<16xi32>
    %gt3A_898 = arith.cmpi ugt, %get3A_897, %gt3A : vector<16xi32>
    %jit3A = arith.constant 1.000000e+00 : f32
    %jit3A_899 = arith.constant 0.000000e+00 : f32
    %broadcast_in_dim3A = vector.broadcast %jit3A : f32 to vector<16xf32>
    %broadcast_in_dim3A_900 = vector.broadcast %jit3A_899 : f32 to vector<16xf32>
    %select_n3A_901 = arith.select %gt3A_898, %broadcast_in_dim3A, %broadcast_in_dim3A_900 : vector<16xi1>, vector<16xf32>
    %swap3A_902 = arith.constant 0 : index
    %swap3A_903 = tpu.vector_load %arg6[%swap3A_902] {strides = array<i32>} : memref<1024xf32, #tpu.memory_space<vmem>>, vector<16xf32>,
    tpu.vector_store %arg6[%swap3A_902], %select_n3A_901 {strides = array<i32>} : memref<1024xf32, #tpu.memory_space<vmem>>, vector<16xf32>,
    %get3A_904 = arith.constant 16 : index
    %get3A_905 = tpu.vector_load %arg5[%get3A_904] {strides = array<i32>} : memref<1024xi32, #tpu.memory_space<vmem>>, vector<16xi32>,
    %gt3A_906 = vector.broadcast %scan3A_894 : i32 to vector<16xi32>
    %gt3A_907 = arith.cmpi ugt, %get3A_905, %gt3A_906 : vector<16xi32>
    %jit3A_908 = arith.constant 1.000000e+00 : f32
    %jit3A_909 = arith.constant 0.000000e+00 : f32
    %broadcast_in_dim3A_910 = vector.broadcast %jit3A_908 : f32 to vector<16xf32>
    %broadcast_in_dim3A_911 = vector.broadcast %jit3A_909 : f32 to vector<16xf32>
    %select_n3A_912 = arith.select %gt3A_907, %broadcast_in_dim3A_910, %broadcast_in_dim3A_911 : vector<16xi1>, vector<16xf32>
    %swap3A_913 = arith.constant 16 : index
    %swap3A_914 = tpu.vector_load %arg6[%swap3A_913] {strides = array<i32>} : memref<1024xf32, #tpu.memory_space<vmem>>, vector<16xf32>,
    tpu.vector_store %arg6[%swap3A_913], %select_n3A_912 {strides = array<i32>} : memref<1024xf32, #tpu.memory_space<vmem>>, vector<16xf32>,
    %get3A_915 = arith.constant 32 : index
    %get3A_916 = tpu.vector_load %arg5[%get3A_915] {strides = array<i32>} : memref<1024xi32, #tpu.memory_space<vmem>>, vector<16xi32>,
    %gt3A_917 = vector.broadcast %scan3A_894 : i32 to vector<16xi32>
    %gt3A_918 = arith.cmpi ugt, %get3A_916, %gt3A_917 : vector<16xi32>
    %jit3A_919 = arith.constant 1.000000e+00 : f32
    %jit3A_920 = arith.constant 0.000000e+00 : f32
    %broadcast_in_dim3A_921 = vector.broadcast %jit3A_919 : f32 to vector<16xf32>
    %broadcast_in_dim3A_922 = vector.broadcast %jit3A_920 : f32 to vector<16xf32>
    %select_n3A_923 = arith.select %gt3A_918, %broadcast_in_dim3A_921, %broadcast_in_dim3A_922 : vector<16xi1>, vector<16xf32>
    %swap3A_924 = arith.constant 32 : index
    %swap3A_925 = tpu.vector_load %arg6[%swap3A_924] {strides = array<i32>} : memref<1024xf32, #tpu.memory_space<vmem>>, vector<16xf32>,
    tpu.vector_store %arg6[%swap3A_924], %select_n3A_923 {strides = array<i32>} : memref<1024xf32, #tpu.memory_space<vmem>>, vector<16xf32>,
    %get3A_926 = arith.constant 48 : index
    %get3A_927 = tpu.vector_load %arg5[%get3A_926] {strides = array<i32>} : memref<1024xi32, #tpu.memory_space<vmem>>, vector<16xi32>,
    %gt3A_928 = vector.broadcast %scan3A_894 : i32 to vector<16xi32>
    %gt3A_929 = arith.cmpi ugt, %get3A_927, %gt3A_928 : vector<16xi32>
    %jit3A_930 = arith.constant 1.000000e+00 : f32
    %jit3A_931 = arith.constant 0.000000e+00 : f32
    %broadcast_in_dim3A_932 = vector.broadcast %jit3A_930 : f32 to vector<16xf32>
    %broadcast_in_dim3A_933 = vector.broadcast %jit3A_931 : f32 to vector<16xf32>
    %select_n3A_934 = arith.select %gt3A_929, %broadcast_in_dim3A_932, %broadcast_in_dim3A_933 : vector<16xi1>, vector<16xf32>
    %swap3A_935 = arith.constant 48 : index
    %swap3A_936 = tpu.vector_load %arg6[%swap3A_935] {strides = array<i32>} : memref<1024xf32, #tpu.memory_space<vmem>>, vector<16xf32>,
    tpu.vector_store %arg6[%swap3A_935], %select_n3A_934 {strides = array<i32>} : memref<1024xf32, #tpu.memory_space<vmem>>, vector<16xf32>,
    %get3A_937 = arith.constant 64 : index
    %get3A_938 = tpu.vector_load %arg5[%get3A_937] {strides = array<i32>} : memref<1024xi32, #tpu.memory_space<vmem>>, vector<16xi32>,
    %gt3A_939 = vector.broadcast %scan3A_894 : i32 to vector<16xi32>
    %gt3A_940 = arith.cmpi ugt, %get3A_938, %gt3A_939 : vector<16xi32>
    %jit3A_941 = arith.constant 1.000000e+00 : f32
    %jit3A_942 = arith.constant 0.000000e+00 : f32
    %broadcast_in_dim3A_943 = vector.broadcast %jit3A_941 : f32 to vector<16xf32>
    %broadcast_in_dim3A_944 = vector.broadcast %jit3A_942 : f32 to vector<16xf32>
    %select_n3A_945 = arith.select %gt3A_940, %broadcast_in_dim3A_943, %broadcast_in_dim3A_944 : vector<16xi1>, vector<16xf32>
    %swap3A_946 = arith.constant 64 : index
    %swap3A_947 = tpu.vector_load %arg6[%swap3A_946] {strides = array<i32>} : memref<1024xf32, #tpu.memory_space<vmem>>, vector<16xf32>,
    tpu.vector_store %arg6[%swap3A_946], %select_n3A_945 {strides = array<i32>} : memref<1024xf32, #tpu.memory_space<vmem>>, vector<16xf32>,
    %get3A_948 = arith.constant 80 : index
    %get3A_949 = tpu.vector_load %arg5[%get3A_948] {strides = array<i32>} : memref<1024xi32, #tpu.memory_space<vmem>>, vector<16xi32>,
    %gt3A_950 = vector.broadcast %scan3A_894 : i32 to vector<16xi32>
    %gt3A_951 = arith.cmpi ugt, %get3A_949, %gt3A_950 : vector<16xi32>
    %jit3A_952 = arith.constant 1.000000e+00 : f32
    %jit3A_953 = arith.constant 0.000000e+00 : f32
    %broadcast_in_dim3A_954 = vector.broadcast %jit3A_952 : f32 to vector<16xf32>
    %broadcast_in_dim3A_955 = vector.broadcast %jit3A_953 : f32 to vector<16xf32>
    %select_n3A_956 = arith.select %gt3A_951, %broadcast_in_dim3A_954, %broadcast_in_dim3A_955 : vector<16xi1>, vector<16xf32>
    %swap3A_957 = arith.constant 80 : index
    %swap3A_958 = tpu.vector_load %arg6[%swap3A_957] {strides = array<i32>} : memref<1024xf32, #tpu.memory_space<vmem>>, vector<16xf32>,
    tpu.vector_store %arg6[%swap3A_957], %select_n3A_956 {strides = array<i32>} : memref<1024xf32, #tpu.memory_space<vmem>>, vector<16xf32>,
    %get3A_959 = arith.constant 96 : index
    %get3A_960 = tpu.vector_load %arg5[%get3A_959] {strides = array<i32>} : memref<1024xi32, #tpu.memory_space<vmem>>, vector<16xi32>,
    %gt3A_961 = vector.broadcast %scan3A_894 : i32 to vector<16xi32>
    %gt3A_962 = arith.cmpi ugt, %get3A_960, %gt3A_961 : vector<16xi32>
    %jit3A_963 = arith.constant 1.000000e+00 : f32
    %jit3A_964 = arith.constant 0.000000e+00 : f32
    %broadcast_in_dim3A_965 = vector.broadcast %jit3A_963 : f32 to vector<16xf32>
    %broadcast_in_dim3A_966 = vector.broadcast %jit3A_964 : f32 to vector<16xf32>
    %select_n3A_967 = arith.select %gt3A_962, %broadcast_in_dim3A_965, %broadcast_in_dim3A_966 : vector<16xi1>, vector<16xf32>
    %swap3A_968 = arith.constant 96 : index
    %swap3A_969 = tpu.vector_load %arg6[%swap3A_968] {strides = array<i32>} : memref<1024xf32, #tpu.memory_space<vmem>>, vector<16xf32>,
    tpu.vector_store %arg6[%swap3A_968], %select_n3A_967 {strides = array<i32>} : memref<1024xf32, #tpu.memory_space<vmem>>, vector<16xf32>,
    %get3A_970 = arith.constant 112 : index
    %get3A_971 = tpu.vector_load %arg5[%get3A_970] {strides = array<i32>} : memref<1024xi32, #tpu.memory_space<vmem>>, vector<16xi32>,
    %gt3A_972 = vector.broadcast %scan3A_894 : i32 to vector<16xi32>
    %gt3A_973 = arith.cmpi ugt, %get3A_971, %gt3A_972 : vector<16xi32>
    %jit3A_974 = arith.constant 1.000000e+00 : f32
    %jit3A_975 = arith.constant 0.000000e+00 : f32
    %broadcast_in_dim3A_976 = vector.broadcast %jit3A_974 : f32 to vector<16xf32>
    %broadcast_in_dim3A_977 = vector.broadcast %jit3A_975 : f32 to vector<16xf32>
    %select_n3A_978 = arith.select %gt3A_973, %broadcast_in_dim3A_976, %broadcast_in_dim3A_977 : vector<16xi1>, vector<16xf32>
    %swap3A_979 = arith.constant 112 : index
    %swap3A_980 = tpu.vector_load %arg6[%swap3A_979] {strides = array<i32>} : memref<1024xf32, #tpu.memory_space<vmem>>, vector<16xf32>,
    tpu.vector_store %arg6[%swap3A_979], %select_n3A_978 {strides = array<i32>} : memref<1024xf32, #tpu.memory_space<vmem>>, vector<16xf32>,
    %get3A_981 = arith.constant 128 : index
    %get3A_982 = tpu.vector_load %arg5[%get3A_981] {strides = array<i32>} : memref<1024xi32, #tpu.memory_space<vmem>>, vector<16xi32>,
    %gt3A_983 = vector.broadcast %scan3A_894 : i32 to vector<16xi32>
    %gt3A_984 = arith.cmpi ugt, %get3A_982, %gt3A_983 : vector<16xi32>
    %jit3A_985 = arith.constant 1.000000e+00 : f32
    %jit3A_986 = arith.constant 0.000000e+00 : f32
    %broadcast_in_dim3A_987 = vector.broadcast %jit3A_985 : f32 to vector<16xf32>
    %broadcast_in_dim3A_988 = vector.broadcast %jit3A_986 : f32 to vector<16xf32>
    %select_n3A_989 = arith.select %gt3A_984, %broadcast_in_dim3A_987, %broadcast_in_dim3A_988 : vector<16xi1>, vector<16xf32>
    %swap3A_990 = arith.constant 128 : index
    %swap3A_991 = tpu.vector_load %arg6[%swap3A_990] {strides = array<i32>} : memref<1024xf32, #tpu.memory_space<vmem>>, vector<16xf32>,
    tpu.vector_store %arg6[%swap3A_990], %select_n3A_989 {strides = array<i32>} : memref<1024xf32, #tpu.memory_space<vmem>>, vector<16xf32>,
    %get3A_992 = arith.constant 144 : index
    %get3A_993 = tpu.vector_load %arg5[%get3A_992] {strides = array<i32>} : memref<1024xi32, #tpu.memory_space<vmem>>, vector<16xi32>,
    %gt3A_994 = vector.broadcast %scan3A_894 : i32 to vector<16xi32>
    %gt3A_995 = arith.cmpi ugt, %get3A_993, %gt3A_994 : vector<16xi32>
    %jit3A_996 = arith.constant 1.000000e+00 : f32
    %jit3A_997 = arith.constant 0.000000e+00 : f32
    %broadcast_in_dim3A_998 = vector.broadcast %jit3A_996 : f32 to vector<16xf32>
    %broadcast_in_dim3A_999 = vector.broadcast %jit3A_997 : f32 to vector<16xf32>
    %select_n3A_1000 = arith.select %gt3A_995, %broadcast_in_dim3A_998, %broadcast_in_dim3A_999 : vector<16xi1>, vector<16xf32>
    %swap3A_1001 = arith.constant 144 : index
    %swap3A_1002 = tpu.vector_load %arg6[%swap3A_1001] {strides = array<i32>} : memref<1024xf32, #tpu.memory_space<vmem>>, vector<16xf32>,
    tpu.vector_store %arg6[%swap3A_1001], %select_n3A_1000 {strides = array<i32>} : memref<1024xf32, #tpu.memory_space<vmem>>, vector<16xf32>,
    %get3A_1003 = arith.constant 160 : index
    %get3A_1004 = tpu.vector_load %arg5[%get3A_1003] {strides = array<i32>} : memref<1024xi32, #tpu.memory_space<vmem>>, vector<16xi32>,
    %gt3A_1005 = vector.broadcast %scan3A_894 : i32 to vector<16xi32>
    %gt3A_1006 = arith.cmpi ugt, %get3A_1004, %gt3A_1005 : vector<16xi32>
    %jit3A_1007 = arith.constant 1.000000e+00 : f32
    %jit3A_1008 = arith.constant 0.000000e+00 : f32
    %broadcast_in_dim3A_1009 = vector.broadcast %jit3A_1007 : f32 to vector<16xf32>
    %broadcast_in_dim3A_1010 = vector.broadcast %jit3A_1008 : f32 to vector<16xf32>
    %select_n3A_1011 = arith.select %gt3A_1006, %broadcast_in_dim3A_1009, %broadcast_in_dim3A_1010 : vector<16xi1>, vector<16xf32>
    %swap3A_1012 = arith.constant 160 : index
    %swap3A_1013 = tpu.vector_load %arg6[%swap3A_1012] {strides = array<i32>} : memref<1024xf32, #tpu.memory_space<vmem>>, vector<16xf32>,
    tpu.vector_store %arg6[%swap3A_1012], %select_n3A_1011 {strides = array<i32>} : memref<1024xf32, #tpu.memory_space<vmem>>, vector<16xf32>,
    %get3A_1014 = arith.constant 176 : index
    %get3A_1015 = tpu.vector_load %arg5[%get3A_1014] {strides = array<i32>} : memref<1024xi32, #tpu.memory_space<vmem>>, vector<16xi32>,
    %gt3A_1016 = vector.broadcast %scan3A_894 : i32 to vector<16xi32>
    %gt3A_1017 = arith.cmpi ugt, %get3A_1015, %gt3A_1016 : vector<16xi32>
    %jit3A_1018 = arith.constant 1.000000e+00 : f32
    %jit3A_1019 = arith.constant 0.000000e+00 : f32
    %broadcast_in_dim3A_1020 = vector.broadcast %jit3A_1018 : f32 to vector<16xf32>
    %broadcast_in_dim3A_1021 = vector.broadcast %jit3A_1019 : f32 to vector<16xf32>
    %select_n3A_1022 = arith.select %gt3A_1017, %broadcast_in_dim3A_1020, %broadcast_in_dim3A_1021 : vector<16xi1>, vector<16xf32>
    %swap3A_1023 = arith.constant 176 : index
    %swap3A_1024 = tpu.vector_load %arg6[%swap3A_1023] {strides = array<i32>} : memref<1024xf32, #tpu.memory_space<vmem>>, vector<16xf32>,
    tpu.vector_store %arg6[%swap3A_1023], %select_n3A_1022 {strides = array<i32>} : memref<1024xf32, #tpu.memory_space<vmem>>, vector<16xf32>,
    %get3A_1025 = arith.constant 192 : index
    %get3A_1026 = tpu.vector_load %arg5[%get3A_1025] {strides = array<i32>} : memref<1024xi32, #tpu.memory_space<vmem>>, vector<16xi32>,
    %gt3A_1027 = vector.broadcast %scan3A_894 : i32 to vector<16xi32>
    %gt3A_1028 = arith.cmpi ugt, %get3A_1026, %gt3A_1027 : vector<16xi32>
    %jit3A_1029 = arith.constant 1.000000e+00 : f32
    %jit3A_1030 = arith.constant 0.000000e+00 : f32
    %broadcast_in_dim3A_1031 = vector.broadcast %jit3A_1029 : f32 to vector<16xf32>
    %broadcast_in_dim3A_1032 = vector.broadcast %jit3A_1030 : f32 to vector<16xf32>
    %select_n3A_1033 = arith.select %gt3A_1028, %broadcast_in_dim3A_1031, %broadcast_in_dim3A_1032 : vector<16xi1>, vector<16xf32>
    %swap3A_1034 = arith.constant 192 : index
    %swap3A_1035 = tpu.vector_load %arg6[%swap3A_1034] {strides = array<i32>} : memref<1024xf32, #tpu.memory_space<vmem>>, vector<16xf32>,
    tpu.vector_store %arg6[%swap3A_1034], %select_n3A_1033 {strides = array<i32>} : memref<1024xf32, #tpu.memory_space<vmem>>, vector<16xf32>,
    %get3A_1036 = arith.constant 208 : index
    %get3A_1037 = tpu.vector_load %arg5[%get3A_1036] {strides = array<i32>} : memref<1024xi32, #tpu.memory_space<vmem>>, vector<16xi32>,
    %gt3A_1038 = vector.broadcast %scan3A_894 : i32 to vector<16xi32>
    %gt3A_1039 = arith.cmpi ugt, %get3A_1037, %gt3A_1038 : vector<16xi32>
    %jit3A_1040 = arith.constant 1.000000e+00 : f32
    %jit3A_1041 = arith.constant 0.000000e+00 : f32
    %broadcast_in_dim3A_1042 = vector.broadcast %jit3A_1040 : f32 to vector<16xf32>
    %broadcast_in_dim3A_1043 = vector.broadcast %jit3A_1041 : f32 to vector<16xf32>
    %select_n3A_1044 = arith.select %gt3A_1039, %broadcast_in_dim3A_1042, %broadcast_in_dim3A_1043 : vector<16xi1>, vector<16xf32>
    %swap3A_1045 = arith.constant 208 : index
    %swap3A_1046 = tpu.vector_load %arg6[%swap3A_1045] {strides = array<i32>} : memref<1024xf32, #tpu.memory_space<vmem>>, vector<16xf32>,
    tpu.vector_store %arg6[%swap3A_1045], %select_n3A_1044 {strides = array<i32>} : memref<1024xf32, #tpu.memory_space<vmem>>, vector<16xf32>,
    %get3A_1047 = arith.constant 224 : index
    %get3A_1048 = tpu.vector_load %arg5[%get3A_1047] {strides = array<i32>} : memref<1024xi32, #tpu.memory_space<vmem>>, vector<16xi32>,
    %gt3A_1049 = vector.broadcast %scan3A_894 : i32 to vector<16xi32>
    %gt3A_1050 = arith.cmpi ugt, %get3A_1048, %gt3A_1049 : vector<16xi32>
    %jit3A_1051 = arith.constant 1.000000e+00 : f32
    %jit3A_1052 = arith.constant 0.000000e+00 : f32
    %broadcast_in_dim3A_1053 = vector.broadcast %jit3A_1051 : f32 to vector<16xf32>
    %broadcast_in_dim3A_1054 = vector.broadcast %jit3A_1052 : f32 to vector<16xf32>
    %select_n3A_1055 = arith.select %gt3A_1050, %broadcast_in_dim3A_1053, %broadcast_in_dim3A_1054 : vector<16xi1>, vector<16xf32>
    %swap3A_1056 = arith.constant 224 : index
    %swap3A_1057 = tpu.vector_load %arg6[%swap3A_1056] {strides = array<i32>} : memref<1024xf32, #tpu.memory_space<vmem>>, vector<16xf32>,
    tpu.vector_store %arg6[%swap3A_1056], %select_n3A_1055 {strides = array<i32>} : memref<1024xf32, #tpu.memory_space<vmem>>, vector<16xf32>,
    %get3A_1058 = arith.constant 240 : index
    %get3A_1059 = tpu.vector_load %arg5[%get3A_1058] {strides = array<i32>} : memref<1024xi32, #tpu.memory_space<vmem>>, vector<16xi32>,
    %gt3A_1060 = vector.broadcast %scan3A_894 : i32 to vector<16xi32>
    %gt3A_1061 = arith.cmpi ugt, %get3A_1059, %gt3A_1060 : vector<16xi32>
    %jit3A_1062 = arith.constant 1.000000e+00 : f32
    %jit3A_1063 = arith.constant 0.000000e+00 : f32
    %broadcast_in_dim3A_1064 = vector.broadcast %jit3A_1062 : f32 to vector<16xf32>
    %broadcast_in_dim3A_1065 = vector.broadcast %jit3A_1063 : f32 to vector<16xf32>
    %select_n3A_1066 = arith.select %gt3A_1061, %broadcast_in_dim3A_1064, %broadcast_in_dim3A_1065 : vector<16xi1>, vector<16xf32>
    %swap3A_1067 = arith.constant 240 : index
    %swap3A_1068 = tpu.vector_load %arg6[%swap3A_1067] {strides = array<i32>} : memref<1024xf32, #tpu.memory_space<vmem>>, vector<16xf32>,
    tpu.vector_store %arg6[%swap3A_1067], %select_n3A_1066 {strides = array<i32>} : memref<1024xf32, #tpu.memory_space<vmem>>, vector<16xf32>,
    %get3A_1069 = arith.constant 256 : index
    %get3A_1070 = tpu.vector_load %arg5[%get3A_1069] {strides = array<i32>} : memref<1024xi32, #tpu.memory_space<vmem>>, vector<16xi32>,
    %gt3A_1071 = vector.broadcast %scan3A_894 : i32 to vector<16xi32>
    %gt3A_1072 = arith.cmpi ugt, %get3A_1070, %gt3A_1071 : vector<16xi32>
    %jit3A_1073 = arith.constant 1.000000e+00 : f32
    %jit3A_1074 = arith.constant 0.000000e+00 : f32
    %broadcast_in_dim3A_1075 = vector.broadcast %jit3A_1073 : f32 to vector<16xf32>
    %broadcast_in_dim3A_1076 = vector.broadcast %jit3A_1074 : f32 to vector<16xf32>
    %select_n3A_1077 = arith.select %gt3A_1072, %broadcast_in_dim3A_1075, %broadcast_in_dim3A_1076 : vector<16xi1>, vector<16xf32>
    %swap3A_1078 = arith.constant 256 : index
    %swap3A_1079 = tpu.vector_load %arg6[%swap3A_1078] {strides = array<i32>} : memref<1024xf32, #tpu.memory_space<vmem>>, vector<16xf32>,
    tpu.vector_store %arg6[%swap3A_1078], %select_n3A_1077 {strides = array<i32>} : memref<1024xf32, #tpu.memory_space<vmem>>, vector<16xf32>,
    %get3A_1080 = arith.constant 272 : index
    %get3A_1081 = tpu.vector_load %arg5[%get3A_1080] {strides = array<i32>} : memref<1024xi32, #tpu.memory_space<vmem>>, vector<16xi32>,
    %gt3A_1082 = vector.broadcast %scan3A_894 : i32 to vector<16xi32>
    %gt3A_1083 = arith.cmpi ugt, %get3A_1081, %gt3A_1082 : vector<16xi32>
    %jit3A_1084 = arith.constant 1.000000e+00 : f32
    %jit3A_1085 = arith.constant 0.000000e+00 : f32
    %broadcast_in_dim3A_1086 = vector.broadcast %jit3A_1084 : f32 to vector<16xf32>
    %broadcast_in_dim3A_1087 = vector.broadcast %jit3A_1085 : f32 to vector<16xf32>
    %select_n3A_1088 = arith.select %gt3A_1083, %broadcast_in_dim3A_1086, %broadcast_in_dim3A_1087 : vector<16xi1>, vector<16xf32>
    %swap3A_1089 = arith.constant 272 : index
    %swap3A_1090 = tpu.vector_load %arg6[%swap3A_1089] {strides = array<i32>} : memref<1024xf32, #tpu.memory_space<vmem>>, vector<16xf32>,
    tpu.vector_store %arg6[%swap3A_1089], %select_n3A_1088 {strides = array<i32>} : memref<1024xf32, #tpu.memory_space<vmem>>, vector<16xf32>,
    %get3A_1091 = arith.constant 288 : index
    %get3A_1092 = tpu.vector_load %arg5[%get3A_1091] {strides = array<i32>} : memref<1024xi32, #tpu.memory_space<vmem>>, vector<16xi32>,
    %gt3A_1093 = vector.broadcast %scan3A_894 : i32 to vector<16xi32>
    %gt3A_1094 = arith.cmpi ugt, %get3A_1092, %gt3A_1093 : vector<16xi32>
    %jit3A_1095 = arith.constant 1.000000e+00 : f32
    %jit3A_1096 = arith.constant 0.000000e+00 : f32
    %broadcast_in_dim3A_1097 = vector.broadcast %jit3A_1095 : f32 to vector<16xf32>
    %broadcast_in_dim3A_1098 = vector.broadcast %jit3A_1096 : f32 to vector<16xf32>
    %select_n3A_1099 = arith.select %gt3A_1094, %broadcast_in_dim3A_1097, %broadcast_in_dim3A_1098 : vector<16xi1>, vector<16xf32>
    %swap3A_1100 = arith.constant 288 : index
    %swap3A_1101 = tpu.vector_load %arg6[%swap3A_1100] {strides = array<i32>} : memref<1024xf32, #tpu.memory_space<vmem>>, vector<16xf32>,
    tpu.vector_store %arg6[%swap3A_1100], %select_n3A_1099 {strides = array<i32>} : memref<1024xf32, #tpu.memory_space<vmem>>, vector<16xf32>,
    %get3A_1102 = arith.constant 304 : index
    %get3A_1103 = tpu.vector_load %arg5[%get3A_1102] {strides = array<i32>} : memref<1024xi32, #tpu.memory_space<vmem>>, vector<16xi32>,
    %gt3A_1104 = vector.broadcast %scan3A_894 : i32 to vector<16xi32>
    %gt3A_1105 = arith.cmpi ugt, %get3A_1103, %gt3A_1104 : vector<16xi32>
    %jit3A_1106 = arith.constant 1.000000e+00 : f32
    %jit3A_1107 = arith.constant 0.000000e+00 : f32
    %broadcast_in_dim3A_1108 = vector.broadcast %jit3A_1106 : f32 to vector<16xf32>
    %broadcast_in_dim3A_1109 = vector.broadcast %jit3A_1107 : f32 to vector<16xf32>
    %select_n3A_1110 = arith.select %gt3A_1105, %broadcast_in_dim3A_1108, %broadcast_in_dim3A_1109 : vector<16xi1>, vector<16xf32>
    %swap3A_1111 = arith.constant 304 : index
    %swap3A_1112 = tpu.vector_load %arg6[%swap3A_1111] {strides = array<i32>} : memref<1024xf32, #tpu.memory_space<vmem>>, vector<16xf32>,
    tpu.vector_store %arg6[%swap3A_1111], %select_n3A_1110 {strides = array<i32>} : memref<1024xf32, #tpu.memory_space<vmem>>, vector<16xf32>,
    %get3A_1113 = arith.constant 320 : index
    %get3A_1114 = tpu.vector_load %arg5[%get3A_1113] {strides = array<i32>} : memref<1024xi32, #tpu.memory_space<vmem>>, vector<16xi32>,
    %gt3A_1115 = vector.broadcast %scan3A_894 : i32 to vector<16xi32>
    %gt3A_1116 = arith.cmpi ugt, %get3A_1114, %gt3A_1115 : vector<16xi32>
    %jit3A_1117 = arith.constant 1.000000e+00 : f32
    %jit3A_1118 = arith.constant 0.000000e+00 : f32
    %broadcast_in_dim3A_1119 = vector.broadcast %jit3A_1117 : f32 to vector<16xf32>
    %broadcast_in_dim3A_1120 = vector.broadcast %jit3A_1118 : f32 to vector<16xf32>
    %select_n3A_1121 = arith.select %gt3A_1116, %broadcast_in_dim3A_1119, %broadcast_in_dim3A_1120 : vector<16xi1>, vector<16xf32>
    %swap3A_1122 = arith.constant 320 : index
    %swap3A_1123 = tpu.vector_load %arg6[%swap3A_1122] {strides = array<i32>} : memref<1024xf32, #tpu.memory_space<vmem>>, vector<16xf32>,
    tpu.vector_store %arg6[%swap3A_1122], %select_n3A_1121 {strides = array<i32>} : memref<1024xf32, #tpu.memory_space<vmem>>, vector<16xf32>,
    %get3A_1124 = arith.constant 336 : index
    %get3A_1125 = tpu.vector_load %arg5[%get3A_1124] {strides = array<i32>} : memref<1024xi32, #tpu.memory_space<vmem>>, vector<16xi32>,
    %gt3A_1126 = vector.broadcast %scan3A_894 : i32 to vector<16xi32>
    %gt3A_1127 = arith.cmpi ugt, %get3A_1125, %gt3A_1126 : vector<16xi32>
    %jit3A_1128 = arith.constant 1.000000e+00 : f32
    %jit3A_1129 = arith.constant 0.000000e+00 : f32
    %broadcast_in_dim3A_1130 = vector.broadcast %jit3A_1128 : f32 to vector<16xf32>
    %broadcast_in_dim3A_1131 = vector.broadcast %jit3A_1129 : f32 to vector<16xf32>
    %select_n3A_1132 = arith.select %gt3A_1127, %broadcast_in_dim3A_1130, %broadcast_in_dim3A_1131 : vector<16xi1>, vector<16xf32>
    %swap3A_1133 = arith.constant 336 : index
    %swap3A_1134 = tpu.vector_load %arg6[%swap3A_1133] {strides = array<i32>} : memref<1024xf32, #tpu.memory_space<vmem>>, vector<16xf32>,
    tpu.vector_store %arg6[%swap3A_1133], %select_n3A_1132 {strides = array<i32>} : memref<1024xf32, #tpu.memory_space<vmem>>, vector<16xf32>,
    %get3A_1135 = arith.constant 352 : index
    %get3A_1136 = tpu.vector_load %arg5[%get3A_1135] {strides = array<i32>} : memref<1024xi32, #tpu.memory_space<vmem>>, vector<16xi32>,
    %gt3A_1137 = vector.broadcast %scan3A_894 : i32 to vector<16xi32>
    %gt3A_1138 = arith.cmpi ugt, %get3A_1136, %gt3A_1137 : vector<16xi32>
    %jit3A_1139 = arith.constant 1.000000e+00 : f32
    %jit3A_1140 = arith.constant 0.000000e+00 : f32
    %broadcast_in_dim3A_1141 = vector.broadcast %jit3A_1139 : f32 to vector<16xf32>
    %broadcast_in_dim3A_1142 = vector.broadcast %jit3A_1140 : f32 to vector<16xf32>
    %select_n3A_1143 = arith.select %gt3A_1138, %broadcast_in_dim3A_1141, %broadcast_in_dim3A_1142 : vector<16xi1>, vector<16xf32>
    %swap3A_1144 = arith.constant 352 : index
    %swap3A_1145 = tpu.vector_load %arg6[%swap3A_1144] {strides = array<i32>} : memref<1024xf32, #tpu.memory_space<vmem>>, vector<16xf32>,
    tpu.vector_store %arg6[%swap3A_1144], %select_n3A_1143 {strides = array<i32>} : memref<1024xf32, #tpu.memory_space<vmem>>, vector<16xf32>,
    %get3A_1146 = arith.constant 368 : index
    %get3A_1147 = tpu.vector_load %arg5[%get3A_1146] {strides = array<i32>} : memref<1024xi32, #tpu.memory_space<vmem>>, vector<16xi32>,
    %gt3A_1148 = vector.broadcast %scan3A_894 : i32 to vector<16xi32>
    %gt3A_1149 = arith.cmpi ugt, %get3A_1147, %gt3A_1148 : vector<16xi32>
    %jit3A_1150 = arith.constant 1.000000e+00 : f32
    %jit3A_1151 = arith.constant 0.000000e+00 : f32
    %broadcast_in_dim3A_1152 = vector.broadcast %jit3A_1150 : f32 to vector<16xf32>
    %broadcast_in_dim3A_1153 = vector.broadcast %jit3A_1151 : f32 to vector<16xf32>
    %select_n3A_1154 = arith.select %gt3A_1149, %broadcast_in_dim3A_1152, %broadcast_in_dim3A_1153 : vector<16xi1>, vector<16xf32>
    %swap3A_1155 = arith.constant 368 : index
    %swap3A_1156 = tpu.vector_load %arg6[%swap3A_1155] {strides = array<i32>} : memref<1024xf32, #tpu.memory_space<vmem>>, vector<16xf32>,
    tpu.vector_store %arg6[%swap3A_1155], %select_n3A_1154 {strides = array<i32>} : memref<1024xf32, #tpu.memory_space<vmem>>, vector<16xf32>,
    %get3A_1157 = arith.constant 384 : index
    %get3A_1158 = tpu.vector_load %arg5[%get3A_1157] {strides = array<i32>} : memref<1024xi32, #tpu.memory_space<vmem>>, vector<16xi32>,
    %gt3A_1159 = vector.broadcast %scan3A_894 : i32 to vector<16xi32>
    %gt3A_1160 = arith.cmpi ugt, %get3A_1158, %gt3A_1159 : vector<16xi32>
    %jit3A_1161 = arith.constant 1.000000e+00 : f32
    %jit3A_1162 = arith.constant 0.000000e+00 : f32
    %broadcast_in_dim3A_1163 = vector.broadcast %jit3A_1161 : f32 to vector<16xf32>
    %broadcast_in_dim3A_1164 = vector.broadcast %jit3A_1162 : f32 to vector<16xf32>
    %select_n3A_1165 = arith.select %gt3A_1160, %broadcast_in_dim3A_1163, %broadcast_in_dim3A_1164 : vector<16xi1>, vector<16xf32>
    %swap3A_1166 = arith.constant 384 : index
    %swap3A_1167 = tpu.vector_load %arg6[%swap3A_1166] {strides = array<i32>} : memref<1024xf32, #tpu.memory_space<vmem>>, vector<16xf32>,
    tpu.vector_store %arg6[%swap3A_1166], %select_n3A_1165 {strides = array<i32>} : memref<1024xf32, #tpu.memory_space<vmem>>, vector<16xf32>,
    %get3A_1168 = arith.constant 400 : index
    %get3A_1169 = tpu.vector_load %arg5[%get3A_1168] {strides = array<i32>} : memref<1024xi32, #tpu.memory_space<vmem>>, vector<16xi32>,
    %gt3A_1170 = vector.broadcast %scan3A_894 : i32 to vector<16xi32>
    %gt3A_1171 = arith.cmpi ugt, %get3A_1169, %gt3A_1170 : vector<16xi32>
    %jit3A_1172 = arith.constant 1.000000e+00 : f32
    %jit3A_1173 = arith.constant 0.000000e+00 : f32
    %broadcast_in_dim3A_1174 = vector.broadcast %jit3A_1172 : f32 to vector<16xf32>
    %broadcast_in_dim3A_1175 = vector.broadcast %jit3A_1173 : f32 to vector<16xf32>
    %select_n3A_1176 = arith.select %gt3A_1171, %broadcast_in_dim3A_1174, %broadcast_in_dim3A_1175 : vector<16xi1>, vector<16xf32>
    %swap3A_1177 = arith.constant 400 : index
    %swap3A_1178 = tpu.vector_load %arg6[%swap3A_1177] {strides = array<i32>} : memref<1024xf32, #tpu.memory_space<vmem>>, vector<16xf32>,
    tpu.vector_store %arg6[%swap3A_1177], %select_n3A_1176 {strides = array<i32>} : memref<1024xf32, #tpu.memory_space<vmem>>, vector<16xf32>,
    %get3A_1179 = arith.constant 416 : index
    %get3A_1180 = tpu.vector_load %arg5[%get3A_1179] {strides = array<i32>} : memref<1024xi32, #tpu.memory_space<vmem>>, vector<16xi32>,
    %gt3A_1181 = vector.broadcast %scan3A_894 : i32 to vector<16xi32>
    %gt3A_1182 = arith.cmpi ugt, %get3A_1180, %gt3A_1181 : vector<16xi32>
    %jit3A_1183 = arith.constant 1.000000e+00 : f32
    %jit3A_1184 = arith.constant 0.000000e+00 : f32
    %broadcast_in_dim3A_1185 = vector.broadcast %jit3A_1183 : f32 to vector<16xf32>
    %broadcast_in_dim3A_1186 = vector.broadcast %jit3A_1184 : f32 to vector<16xf32>
    %select_n3A_1187 = arith.select %gt3A_1182, %broadcast_in_dim3A_1185, %broadcast_in_dim3A_1186 : vector<16xi1>, vector<16xf32>
    %swap3A_1188 = arith.constant 416 : index
    %swap3A_1189 = tpu.vector_load %arg6[%swap3A_1188] {strides = array<i32>} : memref<1024xf32, #tpu.memory_space<vmem>>, vector<16xf32>,
    tpu.vector_store %arg6[%swap3A_1188], %select_n3A_1187 {strides = array<i32>} : memref<1024xf32, #tpu.memory_space<vmem>>, vector<16xf32>,
    %get3A_1190 = arith.constant 432 : index
    %get3A_1191 = tpu.vector_load %arg5[%get3A_1190] {strides = array<i32>} : memref<1024xi32, #tpu.memory_space<vmem>>, vector<16xi32>,
    %gt3A_1192 = vector.broadcast %scan3A_894 : i32 to vector<16xi32>
    %gt3A_1193 = arith.cmpi ugt, %get3A_1191, %gt3A_1192 : vector<16xi32>
    %jit3A_1194 = arith.constant 1.000000e+00 : f32
    %jit3A_1195 = arith.constant 0.000000e+00 : f32
    %broadcast_in_dim3A_1196 = vector.broadcast %jit3A_1194 : f32 to vector<16xf32>
    %broadcast_in_dim3A_1197 = vector.broadcast %jit3A_1195 : f32 to vector<16xf32>
    %select_n3A_1198 = arith.select %gt3A_1193, %broadcast_in_dim3A_1196, %broadcast_in_dim3A_1197 : vector<16xi1>, vector<16xf32>
    %swap3A_1199 = arith.constant 432 : index
    %swap3A_1200 = tpu.vector_load %arg6[%swap3A_1199] {strides = array<i32>} : memref<1024xf32, #tpu.memory_space<vmem>>, vector<16xf32>,
    tpu.vector_store %arg6[%swap3A_1199], %select_n3A_1198 {strides = array<i32>} : memref<1024xf32, #tpu.memory_space<vmem>>, vector<16xf32>,
    %get3A_1201 = arith.constant 448 : index
    %get3A_1202 = tpu.vector_load %arg5[%get3A_1201] {strides = array<i32>} : memref<1024xi32, #tpu.memory_space<vmem>>, vector<16xi32>,
    %gt3A_1203 = vector.broadcast %scan3A_894 : i32 to vector<16xi32>
    %gt3A_1204 = arith.cmpi ugt, %get3A_1202, %gt3A_1203 : vector<16xi32>
    %jit3A_1205 = arith.constant 1.000000e+00 : f32
    %jit3A_1206 = arith.constant 0.000000e+00 : f32
    %broadcast_in_dim3A_1207 = vector.broadcast %jit3A_1205 : f32 to vector<16xf32>
    %broadcast_in_dim3A_1208 = vector.broadcast %jit3A_1206 : f32 to vector<16xf32>
    %select_n3A_1209 = arith.select %gt3A_1204, %broadcast_in_dim3A_1207, %broadcast_in_dim3A_1208 : vector<16xi1>, vector<16xf32>
    %swap3A_1210 = arith.constant 448 : index
    %swap3A_1211 = tpu.vector_load %arg6[%swap3A_1210] {strides = array<i32>} : memref<1024xf32, #tpu.memory_space<vmem>>, vector<16xf32>,
    tpu.vector_store %arg6[%swap3A_1210], %select_n3A_1209 {strides = array<i32>} : memref<1024xf32, #tpu.memory_space<vmem>>, vector<16xf32>,
    %get3A_1212 = arith.constant 464 : index
    %get3A_1213 = tpu.vector_load %arg5[%get3A_1212] {strides = array<i32>} : memref<1024xi32, #tpu.memory_space<vmem>>, vector<16xi32>,
    %gt3A_1214 = vector.broadcast %scan3A_894 : i32 to vector<16xi32>
    %gt3A_1215 = arith.cmpi ugt, %get3A_1213, %gt3A_1214 : vector<16xi32>
    %jit3A_1216 = arith.constant 1.000000e+00 : f32
    %jit3A_1217 = arith.constant 0.000000e+00 : f32
    %broadcast_in_dim3A_1218 = vector.broadcast %jit3A_1216 : f32 to vector<16xf32>
    %broadcast_in_dim3A_1219 = vector.broadcast %jit3A_1217 : f32 to vector<16xf32>
    %select_n3A_1220 = arith.select %gt3A_1215, %broadcast_in_dim3A_1218, %broadcast_in_dim3A_1219 : vector<16xi1>, vector<16xf32>
    %swap3A_1221 = arith.constant 464 : index
    %swap3A_1222 = tpu.vector_load %arg6[%swap3A_1221] {strides = array<i32>} : memref<1024xf32, #tpu.memory_space<vmem>>, vector<16xf32>,
    tpu.vector_store %arg6[%swap3A_1221], %select_n3A_1220 {strides = array<i32>} : memref<1024xf32, #tpu.memory_space<vmem>>, vector<16xf32>,
    %get3A_1223 = arith.constant 480 : index
    %get3A_1224 = tpu.vector_load %arg5[%get3A_1223] {strides = array<i32>} : memref<1024xi32, #tpu.memory_space<vmem>>, vector<16xi32>,
    %gt3A_1225 = vector.broadcast %scan3A_894 : i32 to vector<16xi32>
    %gt3A_1226 = arith.cmpi ugt, %get3A_1224, %gt3A_1225 : vector<16xi32>
    %jit3A_1227 = arith.constant 1.000000e+00 : f32
    %jit3A_1228 = arith.constant 0.000000e+00 : f32
    %broadcast_in_dim3A_1229 = vector.broadcast %jit3A_1227 : f32 to vector<16xf32>
    %broadcast_in_dim3A_1230 = vector.broadcast %jit3A_1228 : f32 to vector<16xf32>
    %select_n3A_1231 = arith.select %gt3A_1226, %broadcast_in_dim3A_1229, %broadcast_in_dim3A_1230 : vector<16xi1>, vector<16xf32>
    %swap3A_1232 = arith.constant 480 : index
    %swap3A_1233 = tpu.vector_load %arg6[%swap3A_1232] {strides = array<i32>} : memref<1024xf32, #tpu.memory_space<vmem>>, vector<16xf32>,
    tpu.vector_store %arg6[%swap3A_1232], %select_n3A_1231 {strides = array<i32>} : memref<1024xf32, #tpu.memory_space<vmem>>, vector<16xf32>,
    %get3A_1234 = arith.constant 496 : index
    %get3A_1235 = tpu.vector_load %arg5[%get3A_1234] {strides = array<i32>} : memref<1024xi32, #tpu.memory_space<vmem>>, vector<16xi32>,
    %gt3A_1236 = vector.broadcast %scan3A_894 : i32 to vector<16xi32>
    %gt3A_1237 = arith.cmpi ugt, %get3A_1235, %gt3A_1236 : vector<16xi32>
    %jit3A_1238 = arith.constant 1.000000e+00 : f32
    %jit3A_1239 = arith.constant 0.000000e+00 : f32
    %broadcast_in_dim3A_1240 = vector.broadcast %jit3A_1238 : f32 to vector<16xf32>
    %broadcast_in_dim3A_1241 = vector.broadcast %jit3A_1239 : f32 to vector<16xf32>
    %select_n3A_1242 = arith.select %gt3A_1237, %broadcast_in_dim3A_1240, %broadcast_in_dim3A_1241 : vector<16xi1>, vector<16xf32>
    %swap3A_1243 = arith.constant 496 : index
    %swap3A_1244 = tpu.vector_load %arg6[%swap3A_1243] {strides = array<i32>} : memref<1024xf32, #tpu.memory_space<vmem>>, vector<16xf32>,
    tpu.vector_store %arg6[%swap3A_1243], %select_n3A_1242 {strides = array<i32>} : memref<1024xf32, #tpu.memory_space<vmem>>, vector<16xf32>,
    %get3A_1245 = arith.constant 512 : index
    %get3A_1246 = tpu.vector_load %arg5[%get3A_1245] {strides = array<i32>} : memref<1024xi32, #tpu.memory_space<vmem>>, vector<16xi32>,
    %gt3A_1247 = vector.broadcast %scan3A_894 : i32 to vector<16xi32>
    %gt3A_1248 = arith.cmpi ugt, %get3A_1246, %gt3A_1247 : vector<16xi32>
    %jit3A_1249 = arith.constant 1.000000e+00 : f32
    %jit3A_1250 = arith.constant 0.000000e+00 : f32
    %broadcast_in_dim3A_1251 = vector.broadcast %jit3A_1249 : f32 to vector<16xf32>
    %broadcast_in_dim3A_1252 = vector.broadcast %jit3A_1250 : f32 to vector<16xf32>
    %select_n3A_1253 = arith.select %gt3A_1248, %broadcast_in_dim3A_1251, %broadcast_in_dim3A_1252 : vector<16xi1>, vector<16xf32>
    %swap3A_1254 = arith.constant 512 : index
    %swap3A_1255 = tpu.vector_load %arg6[%swap3A_1254] {strides = array<i32>} : memref<1024xf32, #tpu.memory_space<vmem>>, vector<16xf32>,
    tpu.vector_store %arg6[%swap3A_1254], %select_n3A_1253 {strides = array<i32>} : memref<1024xf32, #tpu.memory_space<vmem>>, vector<16xf32>,
    %get3A_1256 = arith.constant 528 : index
    %get3A_1257 = tpu.vector_load %arg5[%get3A_1256] {strides = array<i32>} : memref<1024xi32, #tpu.memory_space<vmem>>, vector<16xi32>,
    %gt3A_1258 = vector.broadcast %scan3A_894 : i32 to vector<16xi32>
    %gt3A_1259 = arith.cmpi ugt, %get3A_1257, %gt3A_1258 : vector<16xi32>
    %jit3A_1260 = arith.constant 1.000000e+00 : f32
    %jit3A_1261 = arith.constant 0.000000e+00 : f32
    %broadcast_in_dim3A_1262 = vector.broadcast %jit3A_1260 : f32 to vector<16xf32>
    %broadcast_in_dim3A_1263 = vector.broadcast %jit3A_1261 : f32 to vector<16xf32>
    %select_n3A_1264 = arith.select %gt3A_1259, %broadcast_in_dim3A_1262, %broadcast_in_dim3A_1263 : vector<16xi1>, vector<16xf32>
    %swap3A_1265 = arith.constant 528 : index
    %swap3A_1266 = tpu.vector_load %arg6[%swap3A_1265] {strides = array<i32>} : memref<1024xf32, #tpu.memory_space<vmem>>, vector<16xf32>,
    tpu.vector_store %arg6[%swap3A_1265], %select_n3A_1264 {strides = array<i32>} : memref<1024xf32, #tpu.memory_space<vmem>>, vector<16xf32>,
    %get3A_1267 = arith.constant 544 : index
    %get3A_1268 = tpu.vector_load %arg5[%get3A_1267] {strides = array<i32>} : memref<1024xi32, #tpu.memory_space<vmem>>, vector<16xi32>,
    %gt3A_1269 = vector.broadcast %scan3A_894 : i32 to vector<16xi32>
    %gt3A_1270 = arith.cmpi ugt, %get3A_1268, %gt3A_1269 : vector<16xi32>
    %jit3A_1271 = arith.constant 1.000000e+00 : f32
    %jit3A_1272 = arith.constant 0.000000e+00 : f32
    %broadcast_in_dim3A_1273 = vector.broadcast %jit3A_1271 : f32 to vector<16xf32>
    %broadcast_in_dim3A_1274 = vector.broadcast %jit3A_1272 : f32 to vector<16xf32>
    %select_n3A_1275 = arith.select %gt3A_1270, %broadcast_in_dim3A_1273, %broadcast_in_dim3A_1274 : vector<16xi1>, vector<16xf32>
    %swap3A_1276 = arith.constant 544 : index
    %swap3A_1277 = tpu.vector_load %arg6[%swap3A_1276] {strides = array<i32>} : memref<1024xf32, #tpu.memory_space<vmem>>, vector<16xf32>,
    tpu.vector_store %arg6[%swap3A_1276], %select_n3A_1275 {strides = array<i32>} : memref<1024xf32, #tpu.memory_space<vmem>>, vector<16xf32>,
    %get3A_1278 = arith.constant 560 : index
    %get3A_1279 = tpu.vector_load %arg5[%get3A_1278] {strides = array<i32>} : memref<1024xi32, #tpu.memory_space<vmem>>, vector<16xi32>,
    %gt3A_1280 = vector.broadcast %scan3A_894 : i32 to vector<16xi32>
    %gt3A_1281 = arith.cmpi ugt, %get3A_1279, %gt3A_1280 : vector<16xi32>
    %jit3A_1282 = arith.constant 1.000000e+00 : f32
    %jit3A_1283 = arith.constant 0.000000e+00 : f32
    %broadcast_in_dim3A_1284 = vector.broadcast %jit3A_1282 : f32 to vector<16xf32>
    %broadcast_in_dim3A_1285 = vector.broadcast %jit3A_1283 : f32 to vector<16xf32>
    %select_n3A_1286 = arith.select %gt3A_1281, %broadcast_in_dim3A_1284, %broadcast_in_dim3A_1285 : vector<16xi1>, vector<16xf32>
    %swap3A_1287 = arith.constant 560 : index
    %swap3A_1288 = tpu.vector_load %arg6[%swap3A_1287] {strides = array<i32>} : memref<1024xf32, #tpu.memory_space<vmem>>, vector<16xf32>,
    tpu.vector_store %arg6[%swap3A_1287], %select_n3A_1286 {strides = array<i32>} : memref<1024xf32, #tpu.memory_space<vmem>>, vector<16xf32>,
    %get3A_1289 = arith.constant 576 : index
    %get3A_1290 = tpu.vector_load %arg5[%get3A_1289] {strides = array<i32>} : memref<1024xi32, #tpu.memory_space<vmem>>, vector<16xi32>,
    %gt3A_1291 = vector.broadcast %scan3A_894 : i32 to vector<16xi32>
    %gt3A_1292 = arith.cmpi ugt, %get3A_1290, %gt3A_1291 : vector<16xi32>
    %jit3A_1293 = arith.constant 1.000000e+00 : f32
    %jit3A_1294 = arith.constant 0.000000e+00 : f32
    %broadcast_in_dim3A_1295 = vector.broadcast %jit3A_1293 : f32 to vector<16xf32>
    %broadcast_in_dim3A_1296 = vector.broadcast %jit3A_1294 : f32 to vector<16xf32>
    %select_n3A_1297 = arith.select %gt3A_1292, %broadcast_in_dim3A_1295, %broadcast_in_dim3A_1296 : vector<16xi1>, vector<16xf32>
    %swap3A_1298 = arith.constant 576 : index
    %swap3A_1299 = tpu.vector_load %arg6[%swap3A_1298] {strides = array<i32>} : memref<1024xf32, #tpu.memory_space<vmem>>, vector<16xf32>,
    tpu.vector_store %arg6[%swap3A_1298], %select_n3A_1297 {strides = array<i32>} : memref<1024xf32, #tpu.memory_space<vmem>>, vector<16xf32>,
    %get3A_1300 = arith.constant 592 : index
    %get3A_1301 = tpu.vector_load %arg5[%get3A_1300] {strides = array<i32>} : memref<1024xi32, #tpu.memory_space<vmem>>, vector<16xi32>,
    %gt3A_1302 = vector.broadcast %scan3A_894 : i32 to vector<16xi32>
    %gt3A_1303 = arith.cmpi ugt, %get3A_1301, %gt3A_1302 : vector<16xi32>
    %jit3A_1304 = arith.constant 1.000000e+00 : f32
    %jit3A_1305 = arith.constant 0.000000e+00 : f32
    %broadcast_in_dim3A_1306 = vector.broadcast %jit3A_1304 : f32 to vector<16xf32>
    %broadcast_in_dim3A_1307 = vector.broadcast %jit3A_1305 : f32 to vector<16xf32>
    %select_n3A_1308 = arith.select %gt3A_1303, %broadcast_in_dim3A_1306, %broadcast_in_dim3A_1307 : vector<16xi1>, vector<16xf32>
    %swap3A_1309 = arith.constant 592 : index
    %swap3A_1310 = tpu.vector_load %arg6[%swap3A_1309] {strides = array<i32>} : memref<1024xf32, #tpu.memory_space<vmem>>, vector<16xf32>,
    tpu.vector_store %arg6[%swap3A_1309], %select_n3A_1308 {strides = array<i32>} : memref<1024xf32, #tpu.memory_space<vmem>>, vector<16xf32>,
    %get3A_1311 = arith.constant 608 : index
    %get3A_1312 = tpu.vector_load %arg5[%get3A_1311] {strides = array<i32>} : memref<1024xi32, #tpu.memory_space<vmem>>, vector<16xi32>,
    %gt3A_1313 = vector.broadcast %scan3A_894 : i32 to vector<16xi32>
    %gt3A_1314 = arith.cmpi ugt, %get3A_1312, %gt3A_1313 : vector<16xi32>
    %jit3A_1315 = arith.constant 1.000000e+00 : f32
    %jit3A_1316 = arith.constant 0.000000e+00 : f32
    %broadcast_in_dim3A_1317 = vector.broadcast %jit3A_1315 : f32 to vector<16xf32>
    %broadcast_in_dim3A_1318 = vector.broadcast %jit3A_1316 : f32 to vector<16xf32>
    %select_n3A_1319 = arith.select %gt3A_1314, %broadcast_in_dim3A_1317, %broadcast_in_dim3A_1318 : vector<16xi1>, vector<16xf32>
    %swap3A_1320 = arith.constant 608 : index
    %swap3A_1321 = tpu.vector_load %arg6[%swap3A_1320] {strides = array<i32>} : memref<1024xf32, #tpu.memory_space<vmem>>, vector<16xf32>,
    tpu.vector_store %arg6[%swap3A_1320], %select_n3A_1319 {strides = array<i32>} : memref<1024xf32, #tpu.memory_space<vmem>>, vector<16xf32>,
    %get3A_1322 = arith.constant 624 : index
    %get3A_1323 = tpu.vector_load %arg5[%get3A_1322] {strides = array<i32>} : memref<1024xi32, #tpu.memory_space<vmem>>, vector<16xi32>,
    %gt3A_1324 = vector.broadcast %scan3A_894 : i32 to vector<16xi32>
    %gt3A_1325 = arith.cmpi ugt, %get3A_1323, %gt3A_1324 : vector<16xi32>
    %jit3A_1326 = arith.constant 1.000000e+00 : f32
    %jit3A_1327 = arith.constant 0.000000e+00 : f32
    %broadcast_in_dim3A_1328 = vector.broadcast %jit3A_1326 : f32 to vector<16xf32>
    %broadcast_in_dim3A_1329 = vector.broadcast %jit3A_1327 : f32 to vector<16xf32>
    %select_n3A_1330 = arith.select %gt3A_1325, %broadcast_in_dim3A_1328, %broadcast_in_dim3A_1329 : vector<16xi1>, vector<16xf32>
    %swap3A_1331 = arith.constant 624 : index
    %swap3A_1332 = tpu.vector_load %arg6[%swap3A_1331] {strides = array<i32>} : memref<1024xf32, #tpu.memory_space<vmem>>, vector<16xf32>,
    tpu.vector_store %arg6[%swap3A_1331], %select_n3A_1330 {strides = array<i32>} : memref<1024xf32, #tpu.memory_space<vmem>>, vector<16xf32>,
    %get3A_1333 = arith.constant 640 : index
    %get3A_1334 = tpu.vector_load %arg5[%get3A_1333] {strides = array<i32>} : memref<1024xi32, #tpu.memory_space<vmem>>, vector<16xi32>,
    %gt3A_1335 = vector.broadcast %scan3A_894 : i32 to vector<16xi32>
    %gt3A_1336 = arith.cmpi ugt, %get3A_1334, %gt3A_1335 : vector<16xi32>
    %jit3A_1337 = arith.constant 1.000000e+00 : f32
    %jit3A_1338 = arith.constant 0.000000e+00 : f32
    %broadcast_in_dim3A_1339 = vector.broadcast %jit3A_1337 : f32 to vector<16xf32>
    %broadcast_in_dim3A_1340 = vector.broadcast %jit3A_1338 : f32 to vector<16xf32>
    %select_n3A_1341 = arith.select %gt3A_1336, %broadcast_in_dim3A_1339, %broadcast_in_dim3A_1340 : vector<16xi1>, vector<16xf32>
    %swap3A_1342 = arith.constant 640 : index
    %swap3A_1343 = tpu.vector_load %arg6[%swap3A_1342] {strides = array<i32>} : memref<1024xf32, #tpu.memory_space<vmem>>, vector<16xf32>,
    tpu.vector_store %arg6[%swap3A_1342], %select_n3A_1341 {strides = array<i32>} : memref<1024xf32, #tpu.memory_space<vmem>>, vector<16xf32>,
    %get3A_1344 = arith.constant 656 : index
    %get3A_1345 = tpu.vector_load %arg5[%get3A_1344] {strides = array<i32>} : memref<1024xi32, #tpu.memory_space<vmem>>, vector<16xi32>,
    %gt3A_1346 = vector.broadcast %scan3A_894 : i32 to vector<16xi32>
    %gt3A_1347 = arith.cmpi ugt, %get3A_1345, %gt3A_1346 : vector<16xi32>
    %jit3A_1348 = arith.constant 1.000000e+00 : f32
    %jit3A_1349 = arith.constant 0.000000e+00 : f32
    %broadcast_in_dim3A_1350 = vector.broadcast %jit3A_1348 : f32 to vector<16xf32>
    %broadcast_in_dim3A_1351 = vector.broadcast %jit3A_1349 : f32 to vector<16xf32>
    %select_n3A_1352 = arith.select %gt3A_1347, %broadcast_in_dim3A_1350, %broadcast_in_dim3A_1351 : vector<16xi1>, vector<16xf32>
    %swap3A_1353 = arith.constant 656 : index
    %swap3A_1354 = tpu.vector_load %arg6[%swap3A_1353] {strides = array<i32>} : memref<1024xf32, #tpu.memory_space<vmem>>, vector<16xf32>,
    tpu.vector_store %arg6[%swap3A_1353], %select_n3A_1352 {strides = array<i32>} : memref<1024xf32, #tpu.memory_space<vmem>>, vector<16xf32>,
    %get3A_1355 = arith.constant 672 : index
    %get3A_1356 = tpu.vector_load %arg5[%get3A_1355] {strides = array<i32>} : memref<1024xi32, #tpu.memory_space<vmem>>, vector<16xi32>,
    %gt3A_1357 = vector.broadcast %scan3A_894 : i32 to vector<16xi32>
    %gt3A_1358 = arith.cmpi ugt, %get3A_1356, %gt3A_1357 : vector<16xi32>
    %jit3A_1359 = arith.constant 1.000000e+00 : f32
    %jit3A_1360 = arith.constant 0.000000e+00 : f32
    %broadcast_in_dim3A_1361 = vector.broadcast %jit3A_1359 : f32 to vector<16xf32>
    %broadcast_in_dim3A_1362 = vector.broadcast %jit3A_1360 : f32 to vector<16xf32>
    %select_n3A_1363 = arith.select %gt3A_1358, %broadcast_in_dim3A_1361, %broadcast_in_dim3A_1362 : vector<16xi1>, vector<16xf32>
    %swap3A_1364 = arith.constant 672 : index
    %swap3A_1365 = tpu.vector_load %arg6[%swap3A_1364] {strides = array<i32>} : memref<1024xf32, #tpu.memory_space<vmem>>, vector<16xf32>,
    tpu.vector_store %arg6[%swap3A_1364], %select_n3A_1363 {strides = array<i32>} : memref<1024xf32, #tpu.memory_space<vmem>>, vector<16xf32>,
    %get3A_1366 = arith.constant 688 : index
    %get3A_1367 = tpu.vector_load %arg5[%get3A_1366] {strides = array<i32>} : memref<1024xi32, #tpu.memory_space<vmem>>, vector<16xi32>,
    %gt3A_1368 = vector.broadcast %scan3A_894 : i32 to vector<16xi32>
    %gt3A_1369 = arith.cmpi ugt, %get3A_1367, %gt3A_1368 : vector<16xi32>
    %jit3A_1370 = arith.constant 1.000000e+00 : f32
    %jit3A_1371 = arith.constant 0.000000e+00 : f32
    %broadcast_in_dim3A_1372 = vector.broadcast %jit3A_1370 : f32 to vector<16xf32>
    %broadcast_in_dim3A_1373 = vector.broadcast %jit3A_1371 : f32 to vector<16xf32>
    %select_n3A_1374 = arith.select %gt3A_1369, %broadcast_in_dim3A_1372, %broadcast_in_dim3A_1373 : vector<16xi1>, vector<16xf32>
    %swap3A_1375 = arith.constant 688 : index
    %swap3A_1376 = tpu.vector_load %arg6[%swap3A_1375] {strides = array<i32>} : memref<1024xf32, #tpu.memory_space<vmem>>, vector<16xf32>,
    tpu.vector_store %arg6[%swap3A_1375], %select_n3A_1374 {strides = array<i32>} : memref<1024xf32, #tpu.memory_space<vmem>>, vector<16xf32>,
    %get3A_1377 = arith.constant 704 : index
    %get3A_1378 = tpu.vector_load %arg5[%get3A_1377] {strides = array<i32>} : memref<1024xi32, #tpu.memory_space<vmem>>, vector<16xi32>,
    %gt3A_1379 = vector.broadcast %scan3A_894 : i32 to vector<16xi32>
    %gt3A_1380 = arith.cmpi ugt, %get3A_1378, %gt3A_1379 : vector<16xi32>
    %jit3A_1381 = arith.constant 1.000000e+00 : f32
    %jit3A_1382 = arith.constant 0.000000e+00 : f32
    %broadcast_in_dim3A_1383 = vector.broadcast %jit3A_1381 : f32 to vector<16xf32>
    %broadcast_in_dim3A_1384 = vector.broadcast %jit3A_1382 : f32 to vector<16xf32>
    %select_n3A_1385 = arith.select %gt3A_1380, %broadcast_in_dim3A_1383, %broadcast_in_dim3A_1384 : vector<16xi1>, vector<16xf32>
    %swap3A_1386 = arith.constant 704 : index
    %swap3A_1387 = tpu.vector_load %arg6[%swap3A_1386] {strides = array<i32>} : memref<1024xf32, #tpu.memory_space<vmem>>, vector<16xf32>,
    tpu.vector_store %arg6[%swap3A_1386], %select_n3A_1385 {strides = array<i32>} : memref<1024xf32, #tpu.memory_space<vmem>>, vector<16xf32>,
    %get3A_1388 = arith.constant 720 : index
    %get3A_1389 = tpu.vector_load %arg5[%get3A_1388] {strides = array<i32>} : memref<1024xi32, #tpu.memory_space<vmem>>, vector<16xi32>,
    %gt3A_1390 = vector.broadcast %scan3A_894 : i32 to vector<16xi32>
    %gt3A_1391 = arith.cmpi ugt, %get3A_1389, %gt3A_1390 : vector<16xi32>
    %jit3A_1392 = arith.constant 1.000000e+00 : f32
    %jit3A_1393 = arith.constant 0.000000e+00 : f32
    %broadcast_in_dim3A_1394 = vector.broadcast %jit3A_1392 : f32 to vector<16xf32>
    %broadcast_in_dim3A_1395 = vector.broadcast %jit3A_1393 : f32 to vector<16xf32>
    %select_n3A_1396 = arith.select %gt3A_1391, %broadcast_in_dim3A_1394, %broadcast_in_dim3A_1395 : vector<16xi1>, vector<16xf32>
    %swap3A_1397 = arith.constant 720 : index
    %swap3A_1398 = tpu.vector_load %arg6[%swap3A_1397] {strides = array<i32>} : memref<1024xf32, #tpu.memory_space<vmem>>, vector<16xf32>,
    tpu.vector_store %arg6[%swap3A_1397], %select_n3A_1396 {strides = array<i32>} : memref<1024xf32, #tpu.memory_space<vmem>>, vector<16xf32>,
    %get3A_1399 = arith.constant 736 : index
    %get3A_1400 = tpu.vector_load %arg5[%get3A_1399] {strides = array<i32>} : memref<1024xi32, #tpu.memory_space<vmem>>, vector<16xi32>,
    %gt3A_1401 = vector.broadcast %scan3A_894 : i32 to vector<16xi32>
    %gt3A_1402 = arith.cmpi ugt, %get3A_1400, %gt3A_1401 : vector<16xi32>
    %jit3A_1403 = arith.constant 1.000000e+00 : f32
    %jit3A_1404 = arith.constant 0.000000e+00 : f32
    %broadcast_in_dim3A_1405 = vector.broadcast %jit3A_1403 : f32 to vector<16xf32>
    %broadcast_in_dim3A_1406 = vector.broadcast %jit3A_1404 : f32 to vector<16xf32>
    %select_n3A_1407 = arith.select %gt3A_1402, %broadcast_in_dim3A_1405, %broadcast_in_dim3A_1406 : vector<16xi1>, vector<16xf32>
    %swap3A_1408 = arith.constant 736 : index
    %swap3A_1409 = tpu.vector_load %arg6[%swap3A_1408] {strides = array<i32>} : memref<1024xf32, #tpu.memory_space<vmem>>, vector<16xf32>,
    tpu.vector_store %arg6[%swap3A_1408], %select_n3A_1407 {strides = array<i32>} : memref<1024xf32, #tpu.memory_space<vmem>>, vector<16xf32>,
    %get3A_1410 = arith.constant 752 : index
    %get3A_1411 = tpu.vector_load %arg5[%get3A_1410] {strides = array<i32>} : memref<1024xi32, #tpu.memory_space<vmem>>, vector<16xi32>,
    %gt3A_1412 = vector.broadcast %scan3A_894 : i32 to vector<16xi32>
    %gt3A_1413 = arith.cmpi ugt, %get3A_1411, %gt3A_1412 : vector<16xi32>
    %jit3A_1414 = arith.constant 1.000000e+00 : f32
    %jit3A_1415 = arith.constant 0.000000e+00 : f32
    %broadcast_in_dim3A_1416 = vector.broadcast %jit3A_1414 : f32 to vector<16xf32>
    %broadcast_in_dim3A_1417 = vector.broadcast %jit3A_1415 : f32 to vector<16xf32>
    %select_n3A_1418 = arith.select %gt3A_1413, %broadcast_in_dim3A_1416, %broadcast_in_dim3A_1417 : vector<16xi1>, vector<16xf32>
    %swap3A_1419 = arith.constant 752 : index
    %swap3A_1420 = tpu.vector_load %arg6[%swap3A_1419] {strides = array<i32>} : memref<1024xf32, #tpu.memory_space<vmem>>, vector<16xf32>,
    tpu.vector_store %arg6[%swap3A_1419], %select_n3A_1418 {strides = array<i32>} : memref<1024xf32, #tpu.memory_space<vmem>>, vector<16xf32>,
    %get3A_1421 = arith.constant 768 : index
    %get3A_1422 = tpu.vector_load %arg5[%get3A_1421] {strides = array<i32>} : memref<1024xi32, #tpu.memory_space<vmem>>, vector<16xi32>,
    %gt3A_1423 = vector.broadcast %scan3A_894 : i32 to vector<16xi32>
    %gt3A_1424 = arith.cmpi ugt, %get3A_1422, %gt3A_1423 : vector<16xi32>
    %jit3A_1425 = arith.constant 1.000000e+00 : f32
    %jit3A_1426 = arith.constant 0.000000e+00 : f32
    %broadcast_in_dim3A_1427 = vector.broadcast %jit3A_1425 : f32 to vector<16xf32>
    %broadcast_in_dim3A_1428 = vector.broadcast %jit3A_1426 : f32 to vector<16xf32>
    %select_n3A_1429 = arith.select %gt3A_1424, %broadcast_in_dim3A_1427, %broadcast_in_dim3A_1428 : vector<16xi1>, vector<16xf32>
    %swap3A_1430 = arith.constant 768 : index
    %swap3A_1431 = tpu.vector_load %arg6[%swap3A_1430] {strides = array<i32>} : memref<1024xf32, #tpu.memory_space<vmem>>, vector<16xf32>,
    tpu.vector_store %arg6[%swap3A_1430], %select_n3A_1429 {strides = array<i32>} : memref<1024xf32, #tpu.memory_space<vmem>>, vector<16xf32>,
    %get3A_1432 = arith.constant 784 : index
    %get3A_1433 = tpu.vector_load %arg5[%get3A_1432] {strides = array<i32>} : memref<1024xi32, #tpu.memory_space<vmem>>, vector<16xi32>,
    %gt3A_1434 = vector.broadcast %scan3A_894 : i32 to vector<16xi32>
    %gt3A_1435 = arith.cmpi ugt, %get3A_1433, %gt3A_1434 : vector<16xi32>
    %jit3A_1436 = arith.constant 1.000000e+00 : f32
    %jit3A_1437 = arith.constant 0.000000e+00 : f32
    %broadcast_in_dim3A_1438 = vector.broadcast %jit3A_1436 : f32 to vector<16xf32>
    %broadcast_in_dim3A_1439 = vector.broadcast %jit3A_1437 : f32 to vector<16xf32>
    %select_n3A_1440 = arith.select %gt3A_1435, %broadcast_in_dim3A_1438, %broadcast_in_dim3A_1439 : vector<16xi1>, vector<16xf32>
    %swap3A_1441 = arith.constant 784 : index
    %swap3A_1442 = tpu.vector_load %arg6[%swap3A_1441] {strides = array<i32>} : memref<1024xf32, #tpu.memory_space<vmem>>, vector<16xf32>,
    tpu.vector_store %arg6[%swap3A_1441], %select_n3A_1440 {strides = array<i32>} : memref<1024xf32, #tpu.memory_space<vmem>>, vector<16xf32>,
    %get3A_1443 = arith.constant 800 : index
    %get3A_1444 = tpu.vector_load %arg5[%get3A_1443] {strides = array<i32>} : memref<1024xi32, #tpu.memory_space<vmem>>, vector<16xi32>,
    %gt3A_1445 = vector.broadcast %scan3A_894 : i32 to vector<16xi32>
    %gt3A_1446 = arith.cmpi ugt, %get3A_1444, %gt3A_1445 : vector<16xi32>
    %jit3A_1447 = arith.constant 1.000000e+00 : f32
    %jit3A_1448 = arith.constant 0.000000e+00 : f32
    %broadcast_in_dim3A_1449 = vector.broadcast %jit3A_1447 : f32 to vector<16xf32>
    %broadcast_in_dim3A_1450 = vector.broadcast %jit3A_1448 : f32 to vector<16xf32>
    %select_n3A_1451 = arith.select %gt3A_1446, %broadcast_in_dim3A_1449, %broadcast_in_dim3A_1450 : vector<16xi1>, vector<16xf32>
    %swap3A_1452 = arith.constant 800 : index
    %swap3A_1453 = tpu.vector_load %arg6[%swap3A_1452] {strides = array<i32>} : memref<1024xf32, #tpu.memory_space<vmem>>, vector<16xf32>,
    tpu.vector_store %arg6[%swap3A_1452], %select_n3A_1451 {strides = array<i32>} : memref<1024xf32, #tpu.memory_space<vmem>>, vector<16xf32>,
    %get3A_1454 = arith.constant 816 : index
    %get3A_1455 = tpu.vector_load %arg5[%get3A_1454] {strides = array<i32>} : memref<1024xi32, #tpu.memory_space<vmem>>, vector<16xi32>,
    %gt3A_1456 = vector.broadcast %scan3A_894 : i32 to vector<16xi32>
    %gt3A_1457 = arith.cmpi ugt, %get3A_1455, %gt3A_1456 : vector<16xi32>
    %jit3A_1458 = arith.constant 1.000000e+00 : f32
    %jit3A_1459 = arith.constant 0.000000e+00 : f32
    %broadcast_in_dim3A_1460 = vector.broadcast %jit3A_1458 : f32 to vector<16xf32>
    %broadcast_in_dim3A_1461 = vector.broadcast %jit3A_1459 : f32 to vector<16xf32>
    %select_n3A_1462 = arith.select %gt3A_1457, %broadcast_in_dim3A_1460, %broadcast_in_dim3A_1461 : vector<16xi1>, vector<16xf32>
    %swap3A_1463 = arith.constant 816 : index
    %swap3A_1464 = tpu.vector_load %arg6[%swap3A_1463] {strides = array<i32>} : memref<1024xf32, #tpu.memory_space<vmem>>, vector<16xf32>,
    tpu.vector_store %arg6[%swap3A_1463], %select_n3A_1462 {strides = array<i32>} : memref<1024xf32, #tpu.memory_space<vmem>>, vector<16xf32>,
    %get3A_1465 = arith.constant 832 : index
    %get3A_1466 = tpu.vector_load %arg5[%get3A_1465] {strides = array<i32>} : memref<1024xi32, #tpu.memory_space<vmem>>, vector<16xi32>,
    %gt3A_1467 = vector.broadcast %scan3A_894 : i32 to vector<16xi32>
    %gt3A_1468 = arith.cmpi ugt, %get3A_1466, %gt3A_1467 : vector<16xi32>
    %jit3A_1469 = arith.constant 1.000000e+00 : f32
    %jit3A_1470 = arith.constant 0.000000e+00 : f32
    %broadcast_in_dim3A_1471 = vector.broadcast %jit3A_1469 : f32 to vector<16xf32>
    %broadcast_in_dim3A_1472 = vector.broadcast %jit3A_1470 : f32 to vector<16xf32>
    %select_n3A_1473 = arith.select %gt3A_1468, %broadcast_in_dim3A_1471, %broadcast_in_dim3A_1472 : vector<16xi1>, vector<16xf32>
    %swap3A_1474 = arith.constant 832 : index
    %swap3A_1475 = tpu.vector_load %arg6[%swap3A_1474] {strides = array<i32>} : memref<1024xf32, #tpu.memory_space<vmem>>, vector<16xf32>,
    tpu.vector_store %arg6[%swap3A_1474], %select_n3A_1473 {strides = array<i32>} : memref<1024xf32, #tpu.memory_space<vmem>>, vector<16xf32>,
    %get3A_1476 = arith.constant 848 : index
    %get3A_1477 = tpu.vector_load %arg5[%get3A_1476] {strides = array<i32>} : memref<1024xi32, #tpu.memory_space<vmem>>, vector<16xi32>,
    %gt3A_1478 = vector.broadcast %scan3A_894 : i32 to vector<16xi32>
    %gt3A_1479 = arith.cmpi ugt, %get3A_1477, %gt3A_1478 : vector<16xi32>
    %jit3A_1480 = arith.constant 1.000000e+00 : f32
    %jit3A_1481 = arith.constant 0.000000e+00 : f32
    %broadcast_in_dim3A_1482 = vector.broadcast %jit3A_1480 : f32 to vector<16xf32>
    %broadcast_in_dim3A_1483 = vector.broadcast %jit3A_1481 : f32 to vector<16xf32>
    %select_n3A_1484 = arith.select %gt3A_1479, %broadcast_in_dim3A_1482, %broadcast_in_dim3A_1483 : vector<16xi1>, vector<16xf32>
    %swap3A_1485 = arith.constant 848 : index
    %swap3A_1486 = tpu.vector_load %arg6[%swap3A_1485] {strides = array<i32>} : memref<1024xf32, #tpu.memory_space<vmem>>, vector<16xf32>,
    tpu.vector_store %arg6[%swap3A_1485], %select_n3A_1484 {strides = array<i32>} : memref<1024xf32, #tpu.memory_space<vmem>>, vector<16xf32>,
    %get3A_1487 = arith.constant 864 : index
    %get3A_1488 = tpu.vector_load %arg5[%get3A_1487] {strides = array<i32>} : memref<1024xi32, #tpu.memory_space<vmem>>, vector<16xi32>,
    %gt3A_1489 = vector.broadcast %scan3A_894 : i32 to vector<16xi32>
    %gt3A_1490 = arith.cmpi ugt, %get3A_1488, %gt3A_1489 : vector<16xi32>
    %jit3A_1491 = arith.constant 1.000000e+00 : f32
    %jit3A_1492 = arith.constant 0.000000e+00 : f32
    %broadcast_in_dim3A_1493 = vector.broadcast %jit3A_1491 : f32 to vector<16xf32>
    %broadcast_in_dim3A_1494 = vector.broadcast %jit3A_1492 : f32 to vector<16xf32>
    %select_n3A_1495 = arith.select %gt3A_1490, %broadcast_in_dim3A_1493, %broadcast_in_dim3A_1494 : vector<16xi1>, vector<16xf32>
    %swap3A_1496 = arith.constant 864 : index
    %swap3A_1497 = tpu.vector_load %arg6[%swap3A_1496] {strides = array<i32>} : memref<1024xf32, #tpu.memory_space<vmem>>, vector<16xf32>,
    tpu.vector_store %arg6[%swap3A_1496], %select_n3A_1495 {strides = array<i32>} : memref<1024xf32, #tpu.memory_space<vmem>>, vector<16xf32>,
    %get3A_1498 = arith.constant 880 : index
    %get3A_1499 = tpu.vector_load %arg5[%get3A_1498] {strides = array<i32>} : memref<1024xi32, #tpu.memory_space<vmem>>, vector<16xi32>,
    %gt3A_1500 = vector.broadcast %scan3A_894 : i32 to vector<16xi32>
    %gt3A_1501 = arith.cmpi ugt, %get3A_1499, %gt3A_1500 : vector<16xi32>
    %jit3A_1502 = arith.constant 1.000000e+00 : f32
    %jit3A_1503 = arith.constant 0.000000e+00 : f32
    %broadcast_in_dim3A_1504 = vector.broadcast %jit3A_1502 : f32 to vector<16xf32>
    %broadcast_in_dim3A_1505 = vector.broadcast %jit3A_1503 : f32 to vector<16xf32>
    %select_n3A_1506 = arith.select %gt3A_1501, %broadcast_in_dim3A_1504, %broadcast_in_dim3A_1505 : vector<16xi1>, vector<16xf32>
    %swap3A_1507 = arith.constant 880 : index
    %swap3A_1508 = tpu.vector_load %arg6[%swap3A_1507] {strides = array<i32>} : memref<1024xf32, #tpu.memory_space<vmem>>, vector<16xf32>,
    tpu.vector_store %arg6[%swap3A_1507], %select_n3A_1506 {strides = array<i32>} : memref<1024xf32, #tpu.memory_space<vmem>>, vector<16xf32>,
    %get3A_1509 = arith.constant 896 : index
    %get3A_1510 = tpu.vector_load %arg5[%get3A_1509] {strides = array<i32>} : memref<1024xi32, #tpu.memory_space<vmem>>, vector<16xi32>,
    %gt3A_1511 = vector.broadcast %scan3A_894 : i32 to vector<16xi32>
    %gt3A_1512 = arith.cmpi ugt, %get3A_1510, %gt3A_1511 : vector<16xi32>
    %jit3A_1513 = arith.constant 1.000000e+00 : f32
    %jit3A_1514 = arith.constant 0.000000e+00 : f32
    %broadcast_in_dim3A_1515 = vector.broadcast %jit3A_1513 : f32 to vector<16xf32>
    %broadcast_in_dim3A_1516 = vector.broadcast %jit3A_1514 : f32 to vector<16xf32>
    %select_n3A_1517 = arith.select %gt3A_1512, %broadcast_in_dim3A_1515, %broadcast_in_dim3A_1516 : vector<16xi1>, vector<16xf32>
    %swap3A_1518 = arith.constant 896 : index
    %swap3A_1519 = tpu.vector_load %arg6[%swap3A_1518] {strides = array<i32>} : memref<1024xf32, #tpu.memory_space<vmem>>, vector<16xf32>,
    tpu.vector_store %arg6[%swap3A_1518], %select_n3A_1517 {strides = array<i32>} : memref<1024xf32, #tpu.memory_space<vmem>>, vector<16xf32>,
    %get3A_1520 = arith.constant 912 : index
    %get3A_1521 = tpu.vector_load %arg5[%get3A_1520] {strides = array<i32>} : memref<1024xi32, #tpu.memory_space<vmem>>, vector<16xi32>,
    %gt3A_1522 = vector.broadcast %scan3A_894 : i32 to vector<16xi32>
    %gt3A_1523 = arith.cmpi ugt, %get3A_1521, %gt3A_1522 : vector<16xi32>
    %jit3A_1524 = arith.constant 1.000000e+00 : f32
    %jit3A_1525 = arith.constant 0.000000e+00 : f32
    %broadcast_in_dim3A_1526 = vector.broadcast %jit3A_1524 : f32 to vector<16xf32>
    %broadcast_in_dim3A_1527 = vector.broadcast %jit3A_1525 : f32 to vector<16xf32>
    %select_n3A_1528 = arith.select %gt3A_1523, %broadcast_in_dim3A_1526, %broadcast_in_dim3A_1527 : vector<16xi1>, vector<16xf32>
    %swap3A_1529 = arith.constant 912 : index
    %swap3A_1530 = tpu.vector_load %arg6[%swap3A_1529] {strides = array<i32>} : memref<1024xf32, #tpu.memory_space<vmem>>, vector<16xf32>,
    tpu.vector_store %arg6[%swap3A_1529], %select_n3A_1528 {strides = array<i32>} : memref<1024xf32, #tpu.memory_space<vmem>>, vector<16xf32>,
    %get3A_1531 = arith.constant 928 : index
    %get3A_1532 = tpu.vector_load %arg5[%get3A_1531] {strides = array<i32>} : memref<1024xi32, #tpu.memory_space<vmem>>, vector<16xi32>,
    %gt3A_1533 = vector.broadcast %scan3A_894 : i32 to vector<16xi32>
    %gt3A_1534 = arith.cmpi ugt, %get3A_1532, %gt3A_1533 : vector<16xi32>
    %jit3A_1535 = arith.constant 1.000000e+00 : f32
    %jit3A_1536 = arith.constant 0.000000e+00 : f32
    %broadcast_in_dim3A_1537 = vector.broadcast %jit3A_1535 : f32 to vector<16xf32>
    %broadcast_in_dim3A_1538 = vector.broadcast %jit3A_1536 : f32 to vector<16xf32>
    %select_n3A_1539 = arith.select %gt3A_1534, %broadcast_in_dim3A_1537, %broadcast_in_dim3A_1538 : vector<16xi1>, vector<16xf32>
    %swap3A_1540 = arith.constant 928 : index
    %swap3A_1541 = tpu.vector_load %arg6[%swap3A_1540] {strides = array<i32>} : memref<1024xf32, #tpu.memory_space<vmem>>, vector<16xf32>,
    tpu.vector_store %arg6[%swap3A_1540], %select_n3A_1539 {strides = array<i32>} : memref<1024xf32, #tpu.memory_space<vmem>>, vector<16xf32>,
    %get3A_1542 = arith.constant 944 : index
    %get3A_1543 = tpu.vector_load %arg5[%get3A_1542] {strides = array<i32>} : memref<1024xi32, #tpu.memory_space<vmem>>, vector<16xi32>,
    %gt3A_1544 = vector.broadcast %scan3A_894 : i32 to vector<16xi32>
    %gt3A_1545 = arith.cmpi ugt, %get3A_1543, %gt3A_1544 : vector<16xi32>
    %jit3A_1546 = arith.constant 1.000000e+00 : f32
    %jit3A_1547 = arith.constant 0.000000e+00 : f32
    %broadcast_in_dim3A_1548 = vector.broadcast %jit3A_1546 : f32 to vector<16xf32>
    %broadcast_in_dim3A_1549 = vector.broadcast %jit3A_1547 : f32 to vector<16xf32>
    %select_n3A_1550 = arith.select %gt3A_1545, %broadcast_in_dim3A_1548, %broadcast_in_dim3A_1549 : vector<16xi1>, vector<16xf32>
    %swap3A_1551 = arith.constant 944 : index
    %swap3A_1552 = tpu.vector_load %arg6[%swap3A_1551] {strides = array<i32>} : memref<1024xf32, #tpu.memory_space<vmem>>, vector<16xf32>,
    tpu.vector_store %arg6[%swap3A_1551], %select_n3A_1550 {strides = array<i32>} : memref<1024xf32, #tpu.memory_space<vmem>>, vector<16xf32>,
    %get3A_1553 = arith.constant 960 : index
    %get3A_1554 = tpu.vector_load %arg5[%get3A_1553] {strides = array<i32>} : memref<1024xi32, #tpu.memory_space<vmem>>, vector<16xi32>,
    %gt3A_1555 = vector.broadcast %scan3A_894 : i32 to vector<16xi32>
    %gt3A_1556 = arith.cmpi ugt, %get3A_1554, %gt3A_1555 : vector<16xi32>
    %jit3A_1557 = arith.constant 1.000000e+00 : f32
    %jit3A_1558 = arith.constant 0.000000e+00 : f32
    %broadcast_in_dim3A_1559 = vector.broadcast %jit3A_1557 : f32 to vector<16xf32>
    %broadcast_in_dim3A_1560 = vector.broadcast %jit3A_1558 : f32 to vector<16xf32>
    %select_n3A_1561 = arith.select %gt3A_1556, %broadcast_in_dim3A_1559, %broadcast_in_dim3A_1560 : vector<16xi1>, vector<16xf32>
    %swap3A_1562 = arith.constant 960 : index
    %swap3A_1563 = tpu.vector_load %arg6[%swap3A_1562] {strides = array<i32>} : memref<1024xf32, #tpu.memory_space<vmem>>, vector<16xf32>,
    tpu.vector_store %arg6[%swap3A_1562], %select_n3A_1561 {strides = array<i32>} : memref<1024xf32, #tpu.memory_space<vmem>>, vector<16xf32>,
    %get3A_1564 = arith.constant 976 : index
    %get3A_1565 = tpu.vector_load %arg5[%get3A_1564] {strides = array<i32>} : memref<1024xi32, #tpu.memory_space<vmem>>, vector<16xi32>,
    %gt3A_1566 = vector.broadcast %scan3A_894 : i32 to vector<16xi32>
    %gt3A_1567 = arith.cmpi ugt, %get3A_1565, %gt3A_1566 : vector<16xi32>
    %jit3A_1568 = arith.constant 1.000000e+00 : f32
    %jit3A_1569 = arith.constant 0.000000e+00 : f32
    %broadcast_in_dim3A_1570 = vector.broadcast %jit3A_1568 : f32 to vector<16xf32>
    %broadcast_in_dim3A_1571 = vector.broadcast %jit3A_1569 : f32 to vector<16xf32>
    %select_n3A_1572 = arith.select %gt3A_1567, %broadcast_in_dim3A_1570, %broadcast_in_dim3A_1571 : vector<16xi1>, vector<16xf32>
    %swap3A_1573 = arith.constant 976 : index
    %swap3A_1574 = tpu.vector_load %arg6[%swap3A_1573] {strides = array<i32>} : memref<1024xf32, #tpu.memory_space<vmem>>, vector<16xf32>,
    tpu.vector_store %arg6[%swap3A_1573], %select_n3A_1572 {strides = array<i32>} : memref<1024xf32, #tpu.memory_space<vmem>>, vector<16xf32>,
    %get3A_1575 = arith.constant 992 : index
    %get3A_1576 = tpu.vector_load %arg5[%get3A_1575] {strides = array<i32>} : memref<1024xi32, #tpu.memory_space<vmem>>, vector<16xi32>,
    %gt3A_1577 = vector.broadcast %scan3A_894 : i32 to vector<16xi32>
    %gt3A_1578 = arith.cmpi ugt, %get3A_1576, %gt3A_1577 : vector<16xi32>
    %jit3A_1579 = arith.constant 1.000000e+00 : f32
    %jit3A_1580 = arith.constant 0.000000e+00 : f32
    %broadcast_in_dim3A_1581 = vector.broadcast %jit3A_1579 : f32 to vector<16xf32>
    %broadcast_in_dim3A_1582 = vector.broadcast %jit3A_1580 : f32 to vector<16xf32>
    %select_n3A_1583 = arith.select %gt3A_1578, %broadcast_in_dim3A_1581, %broadcast_in_dim3A_1582 : vector<16xi1>, vector<16xf32>
    %swap3A_1584 = arith.constant 992 : index
    %swap3A_1585 = tpu.vector_load %arg6[%swap3A_1584] {strides = array<i32>} : memref<1024xf32, #tpu.memory_space<vmem>>, vector<16xf32>,
    tpu.vector_store %arg6[%swap3A_1584], %select_n3A_1583 {strides = array<i32>} : memref<1024xf32, #tpu.memory_space<vmem>>, vector<16xf32>,
    %get3A_1586 = arith.constant 1008 : index
    %get3A_1587 = tpu.vector_load %arg5[%get3A_1586] {strides = array<i32>} : memref<1024xi32, #tpu.memory_space<vmem>>, vector<16xi32>,
    %gt3A_1588 = vector.broadcast %scan3A_894 : i32 to vector<16xi32>
    %gt3A_1589 = arith.cmpi ugt, %get3A_1587, %gt3A_1588 : vector<16xi32>
    %jit3A_1590 = arith.constant 1.000000e+00 : f32
    %jit3A_1591 = arith.constant 0.000000e+00 : f32
    %broadcast_in_dim3A_1592 = vector.broadcast %jit3A_1590 : f32 to vector<16xf32>
    %broadcast_in_dim3A_1593 = vector.broadcast %jit3A_1591 : f32 to vector<16xf32>
    %select_n3A_1594 = arith.select %gt3A_1589, %broadcast_in_dim3A_1592, %broadcast_in_dim3A_1593 : vector<16xi1>, vector<16xf32>
    %swap3A_1595 = arith.constant 1008 : index
    %swap3A_1596 = tpu.vector_load %arg6[%swap3A_1595] {strides = array<i32>} : memref<1024xf32, #tpu.memory_space<vmem>>, vector<16xf32>,
    tpu.vector_store %arg6[%swap3A_1595], %select_n3A_1594 {strides = array<i32>} : memref<1024xf32, #tpu.memory_space<vmem>>, vector<16xf32>,
    "tpu.region"() ({
      %run_scoped3A = tpu.sem_alloc : memref<!tpu.dma_semaphore, #tpu.memory_space<semaphore_mem>>
      %dma_start3A = arith.constant 0 : i32
      %dma_start3A_1597 = tpu.memref_slice %arg3[%add3A, %dma_start3A] : memref<32x1024xf32, #tpu.memory_space<hbm>> -> memref<1x1024xf32, #tpu.memory_space<hbm>>
      %dma_start3A_1598 = tpu.memref_squeeze %dma_start3A_1597 : memref<1x1024xf32, #tpu.memory_space<hbm>> -> memref<1024xf32, #tpu.memory_space<hbm>>
      %dma_start3A_1599 = arith.constant 0 : i32
      %dma_start3A_1600 = tpu.memref_slice %arg3[%add3A, %dma_start3A_1599] : memref<32x1024xf32, #tpu.memory_space<hbm>> -> memref<1x1024xf32, #tpu.memory_space<hbm>>
      %dma_start3A_1601 = tpu.memref_squeeze %dma_start3A_1600 : memref<1x1024xf32, #tpu.memory_space<hbm>> -> memref<1024xf32, #tpu.memory_space<hbm>>
      tpu.enqueue_dma source(%arg6 : memref<1024xf32, #tpu.memory_space<vmem>>) target(%dma_start3A_1601 : memref<1024xf32, #tpu.memory_space<hbm>>) target_semaphore(%run_scoped3A : memref<!tpu.dma_semaphore, #tpu.memory_space<semaphore_mem>>)
      %dma_wait3A = arith.constant 0 : i32
      %dma_wait3A_1602 = tpu.memref_slice %arg3[%add3A, %dma_wait3A] : memref<32x1024xf32, #tpu.memory_space<hbm>> -> memref<1x1024xf32, #tpu.memory_space<hbm>>
      %dma_wait3A_1603 = tpu.memref_squeeze %dma_wait3A_1602 : memref<1x1024xf32, #tpu.memory_space<hbm>> -> memref<1024xf32, #tpu.memory_space<hbm>>
      %dma_wait3A_1604 = arith.constant 0 : i32
      %dma_wait3A_1605 = tpu.memref_slice %arg3[%add3A, %dma_wait3A_1604] : memref<32x1024xf32, #tpu.memory_space<hbm>> -> memref<1x1024xf32, #tpu.memory_space<hbm>>
      %dma_wait3A_1606 = tpu.memref_squeeze %dma_wait3A_1605 : memref<1x1024xf32, #tpu.memory_space<hbm>> -> memref<1024xf32, #tpu.memory_space<hbm>>
      tpu.wait_dma2 semaphore(%run_scoped3A : memref<!tpu.dma_semaphore, #tpu.memory_space<semaphore_mem>>) src(%arg6 : memref<1024xf32, #tpu.memory_space<vmem>>) dst(%dma_wait3A_1606 : memref<1024xf32, #tpu.memory_space<hbm>>)
      tpu.yield
    }) : () -> ()
    return
  }
}

module attributes {stable_mosaic.version = 14 : i64} {
  func.func @_stage1_body(%arg0: i32, %arg1: memref<4x1024x768xf32, #tpu.memory_space<vmem>>, %arg2: memref<4x1024x400xf32, #tpu.memory_space<vmem>>, %arg3: memref<768x1xf32, #tpu.memory_space<vmem>>, %arg4: memref<400x1xf32, #tpu.memory_space<vmem>>, %arg5: memref<4x1024x1xf32, #tpu.memory_space<vmem>>, %arg6: memref<4x1x400xf32, #tpu.memory_space<vmem>>) attributes {dimension_semantics = [#tpu.dimension_semantics<arbitrary>], iteration_bounds = array<i64: 8>, scalar_prefetch = 0 : i64, scratch_operands = 0 : i64, tpu.core_type = #tpu.core_type<tc>, window_params = [{transform_indices = @transform_0, window_bounds = array<i64: 4, 1024, 768>}, {transform_indices = @transform_1, window_bounds = array<i64: 4, 1024, 400>}, {pipeline_mode = #tpu.pipeline_mode<synchronous>, transform_indices = @transform_2, window_bounds = array<i64: 768, 1>}, {pipeline_mode = #tpu.pipeline_mode<synchronous>, transform_indices = @transform_3, window_bounds = array<i64: 400, 1>}, {transform_indices = @transform_4, window_bounds = array<i64: 4, 1024, 1>}, {transform_indices = @transform_5, window_bounds = array<i64: 4, 1, 400>}]} {
    %get3A = arith.constant 0 : index
    %get3A_0 = arith.constant 0 : index
    %get3A_1 = vector.load %arg3[%get3A, %get3A_0] : memref<768x1xf32, #tpu.memory_space<vmem>>, vector<768x1xf32>
    %get3A_2 = arith.constant 0 : index
    %get3A_3 = arith.constant 0 : index
    %get3A_4 = vector.load %arg4[%get3A_2, %get3A_3] : memref<400x1xf32, #tpu.memory_space<vmem>>, vector<400x1xf32>
    %get3A_5 = arith.constant 0 : index
    %get3A_6 = arith.constant 0 : index
    %get3A_7 = arith.constant 0 : index
    %get3A_8 = vector.load %arg1[%get3A_5, %get3A_6, %get3A_7] : memref<4x1024x768xf32, #tpu.memory_space<vmem>>, vector<1x1024x768xf32>
    %get3A_9 = vector.shape_cast %get3A_8 : vector<1x1024x768xf32> to vector<1024x768xf32>
    %get3A_10 = arith.constant 0 : index
    %get3A_11 = arith.constant 0 : index
    %get3A_12 = arith.constant 0 : index
    %get3A_13 = vector.load %arg2[%get3A_10, %get3A_11, %get3A_12] : memref<4x1024x400xf32, #tpu.memory_space<vmem>>, vector<1x1024x400xf32>
    %get3A_14 = vector.shape_cast %get3A_13 : vector<1x1024x400xf32> to vector<1024x400xf32>
    %dot_general3A = arith.constant dense<0.000000e+00> : vector<1024x1xf32>
    %dot_general3A_15 = tpu.matmul %get3A_9, %get3A_1, %dot_general3A {dimension_numbers = #tpu.dot_dimension_numbers<[1], [0], [0], [1], [0, 0, 1, 1], [], []>, transpose_lhs_hint = false} : vector<1024x768xf32>, vector<768x1xf32>, vector<1024x1xf32> -> vector<1024x1xf32>
    %swap3A = arith.constant 0 : index
    %swap3A_16 = arith.constant 0 : index
    %swap3A_17 = arith.constant 0 : index
    %swap3A_18 = vector.load %arg5[%swap3A, %swap3A_16, %swap3A_17] : memref<4x1024x1xf32, #tpu.memory_space<vmem>>, vector<1x1024x1xf32>
    %swap3A_19 = vector.shape_cast %swap3A_18 : vector<1x1024x1xf32> to vector<1024x1xf32>
    %swap3A_20 = vector.shape_cast %dot_general3A_15 : vector<1024x1xf32> to vector<1x1024x1xf32>
    tpu.vector_store %arg5[%swap3A, %swap3A_16, %swap3A_17], %swap3A_20 {strides = array<i32>} : memref<4x1024x1xf32, #tpu.memory_space<vmem>>, vector<1x1024x1xf32>,
    %dot_general3A_21 = arith.constant dense<0.000000e+00> : vector<1024x1xf32>
    %dot_general3A_22 = tpu.matmul %get3A_14, %get3A_4, %dot_general3A_21 {dimension_numbers = #tpu.dot_dimension_numbers<[1], [0], [0], [1], [0, 0, 1, 1], [], []>, transpose_lhs_hint = false} : vector<1024x400xf32>, vector<400x1xf32>, vector<1024x1xf32> -> vector<1024x1xf32>
    %reduce_min3A = vector.shape_cast %dot_general3A_22 : vector<1024x1xf32> to vector<1x1024x1xf32>
    %reduce_min3A_23 = arith.constant dense<0x7F800000> : vector<1xf32>
    %reduce_min3A_24 = vector.multi_reduction <minimumf>, %reduce_min3A, %reduce_min3A_23 [1, 2] : vector<1x1024x1xf32> to vector<1xf32>
    %reduce_min3A_25 = vector.shape_cast %reduce_min3A_24 : vector<1xf32> to vector<1x1x1xf32>
    %reduce_min3A_26 = vector.extract %reduce_min3A_25[0, 0, 0] : f32 from vector<1x1x1xf32>
    %gt3A = vector.broadcast %reduce_min3A_26 : f32 to vector<1024x1xf32>
    %gt3A_27 = arith.cmpf ogt, %dot_general3A_22, %gt3A : vector<1024x1xf32>
    %convert_element_type3A = arith.extui %gt3A_27 : vector<1024x1xi1> to vector<1024x1xi32>
    %convert_element_type3A_28 = arith.sitofp %convert_element_type3A : vector<1024x1xi32> to vector<1024x1xf32>
    %mul3A = vector.broadcast %convert_element_type3A_28 : vector<1024x1xf32> to vector<1024x400xf32>
    %mul3A_29 = arith.mulf %get3A_14, %mul3A : vector<1024x400xf32>
    %reduce_sum3A = arith.constant dense<0.000000e+00> : vector<400xf32>
    %reduce_sum3A_30 = vector.multi_reduction <add>, %mul3A_29, %reduce_sum3A [0] : vector<1024x400xf32> to vector<400xf32>
    %broadcast_in_dim3A = vector.shape_cast %reduce_sum3A_30 : vector<400xf32> to vector<1x400xf32>
    %mul3A_31 = arith.constant 9.765625E-4 : f32
    %mul3A_32 = vector.broadcast %mul3A_31 : f32 to vector<1x400xf32>
    %mul3A_33 = arith.mulf %broadcast_in_dim3A, %mul3A_32 : vector<1x400xf32>
    %swap3A_34 = arith.constant 0 : index
    %swap3A_35 = arith.constant 0 : index
    %swap3A_36 = arith.constant 0 : index
    %swap3A_37 = vector.load %arg6[%swap3A_34, %swap3A_35, %swap3A_36] : memref<4x1x400xf32, #tpu.memory_space<vmem>>, vector<1x1x400xf32>
    %swap3A_38 = vector.shape_cast %swap3A_37 : vector<1x1x400xf32> to vector<1x400xf32>
    %swap3A_39 = vector.shape_cast %mul3A_33 : vector<1x400xf32> to vector<1x1x400xf32>
    tpu.vector_store %arg6[%swap3A_34, %swap3A_35, %swap3A_36], %swap3A_39 {strides = array<i32>} : memref<4x1x400xf32, #tpu.memory_space<vmem>>, vector<1x1x400xf32>,
    %get3A_40 = arith.constant 1 : index
    %get3A_41 = arith.constant 0 : index
    %get3A_42 = arith.constant 0 : index
    %get3A_43 = vector.load %arg1[%get3A_40, %get3A_41, %get3A_42] : memref<4x1024x768xf32, #tpu.memory_space<vmem>>, vector<1x1024x768xf32>
    %get3A_44 = vector.shape_cast %get3A_43 : vector<1x1024x768xf32> to vector<1024x768xf32>
    %get3A_45 = arith.constant 1 : index
    %get3A_46 = arith.constant 0 : index
    %get3A_47 = arith.constant 0 : index
    %get3A_48 = vector.load %arg2[%get3A_45, %get3A_46, %get3A_47] : memref<4x1024x400xf32, #tpu.memory_space<vmem>>, vector<1x1024x400xf32>
    %get3A_49 = vector.shape_cast %get3A_48 : vector<1x1024x400xf32> to vector<1024x400xf32>
    %dot_general3A_50 = arith.constant dense<0.000000e+00> : vector<1024x1xf32>
    %dot_general3A_51 = tpu.matmul %get3A_44, %get3A_1, %dot_general3A_50 {dimension_numbers = #tpu.dot_dimension_numbers<[1], [0], [0], [1], [0, 0, 1, 1], [], []>, transpose_lhs_hint = false} : vector<1024x768xf32>, vector<768x1xf32>, vector<1024x1xf32> -> vector<1024x1xf32>
    %swap3A_52 = arith.constant 1 : index
    %swap3A_53 = arith.constant 0 : index
    %swap3A_54 = arith.constant 0 : index
    %swap3A_55 = vector.load %arg5[%swap3A_52, %swap3A_53, %swap3A_54] : memref<4x1024x1xf32, #tpu.memory_space<vmem>>, vector<1x1024x1xf32>
    %swap3A_56 = vector.shape_cast %swap3A_55 : vector<1x1024x1xf32> to vector<1024x1xf32>
    %swap3A_57 = vector.shape_cast %dot_general3A_51 : vector<1024x1xf32> to vector<1x1024x1xf32>
    tpu.vector_store %arg5[%swap3A_52, %swap3A_53, %swap3A_54], %swap3A_57 {strides = array<i32>} : memref<4x1024x1xf32, #tpu.memory_space<vmem>>, vector<1x1024x1xf32>,
    %dot_general3A_58 = arith.constant dense<0.000000e+00> : vector<1024x1xf32>
    %dot_general3A_59 = tpu.matmul %get3A_49, %get3A_4, %dot_general3A_58 {dimension_numbers = #tpu.dot_dimension_numbers<[1], [0], [0], [1], [0, 0, 1, 1], [], []>, transpose_lhs_hint = false} : vector<1024x400xf32>, vector<400x1xf32>, vector<1024x1xf32> -> vector<1024x1xf32>
    %reduce_min3A_60 = vector.shape_cast %dot_general3A_59 : vector<1024x1xf32> to vector<1x1024x1xf32>
    %reduce_min3A_61 = arith.constant dense<0x7F800000> : vector<1xf32>
    %reduce_min3A_62 = vector.multi_reduction <minimumf>, %reduce_min3A_60, %reduce_min3A_61 [1, 2] : vector<1x1024x1xf32> to vector<1xf32>
    %reduce_min3A_63 = vector.shape_cast %reduce_min3A_62 : vector<1xf32> to vector<1x1x1xf32>
    %reduce_min3A_64 = vector.extract %reduce_min3A_63[0, 0, 0] : f32 from vector<1x1x1xf32>
    %gt3A_65 = vector.broadcast %reduce_min3A_64 : f32 to vector<1024x1xf32>
    %gt3A_66 = arith.cmpf ogt, %dot_general3A_59, %gt3A_65 : vector<1024x1xf32>
    %convert_element_type3A_67 = arith.extui %gt3A_66 : vector<1024x1xi1> to vector<1024x1xi32>
    %convert_element_type3A_68 = arith.sitofp %convert_element_type3A_67 : vector<1024x1xi32> to vector<1024x1xf32>
    %mul3A_69 = vector.broadcast %convert_element_type3A_68 : vector<1024x1xf32> to vector<1024x400xf32>
    %mul3A_70 = arith.mulf %get3A_49, %mul3A_69 : vector<1024x400xf32>
    %reduce_sum3A_71 = arith.constant dense<0.000000e+00> : vector<400xf32>
    %reduce_sum3A_72 = vector.multi_reduction <add>, %mul3A_70, %reduce_sum3A_71 [0] : vector<1024x400xf32> to vector<400xf32>
    %broadcast_in_dim3A_73 = vector.shape_cast %reduce_sum3A_72 : vector<400xf32> to vector<1x400xf32>
    %mul3A_74 = arith.constant 9.765625E-4 : f32
    %mul3A_75 = vector.broadcast %mul3A_74 : f32 to vector<1x400xf32>
    %mul3A_76 = arith.mulf %broadcast_in_dim3A_73, %mul3A_75 : vector<1x400xf32>
    %swap3A_77 = arith.constant 1 : index
    %swap3A_78 = arith.constant 0 : index
    %swap3A_79 = arith.constant 0 : index
    %swap3A_80 = vector.load %arg6[%swap3A_77, %swap3A_78, %swap3A_79] : memref<4x1x400xf32, #tpu.memory_space<vmem>>, vector<1x1x400xf32>
    %swap3A_81 = vector.shape_cast %swap3A_80 : vector<1x1x400xf32> to vector<1x400xf32>
    %swap3A_82 = vector.shape_cast %mul3A_76 : vector<1x400xf32> to vector<1x1x400xf32>
    tpu.vector_store %arg6[%swap3A_77, %swap3A_78, %swap3A_79], %swap3A_82 {strides = array<i32>} : memref<4x1x400xf32, #tpu.memory_space<vmem>>, vector<1x1x400xf32>,
    %get3A_83 = arith.constant 2 : index
    %get3A_84 = arith.constant 0 : index
    %get3A_85 = arith.constant 0 : index
    %get3A_86 = vector.load %arg1[%get3A_83, %get3A_84, %get3A_85] : memref<4x1024x768xf32, #tpu.memory_space<vmem>>, vector<1x1024x768xf32>
    %get3A_87 = vector.shape_cast %get3A_86 : vector<1x1024x768xf32> to vector<1024x768xf32>
    %get3A_88 = arith.constant 2 : index
    %get3A_89 = arith.constant 0 : index
    %get3A_90 = arith.constant 0 : index
    %get3A_91 = vector.load %arg2[%get3A_88, %get3A_89, %get3A_90] : memref<4x1024x400xf32, #tpu.memory_space<vmem>>, vector<1x1024x400xf32>
    %get3A_92 = vector.shape_cast %get3A_91 : vector<1x1024x400xf32> to vector<1024x400xf32>
    %dot_general3A_93 = arith.constant dense<0.000000e+00> : vector<1024x1xf32>
    %dot_general3A_94 = tpu.matmul %get3A_87, %get3A_1, %dot_general3A_93 {dimension_numbers = #tpu.dot_dimension_numbers<[1], [0], [0], [1], [0, 0, 1, 1], [], []>, transpose_lhs_hint = false} : vector<1024x768xf32>, vector<768x1xf32>, vector<1024x1xf32> -> vector<1024x1xf32>
    %swap3A_95 = arith.constant 2 : index
    %swap3A_96 = arith.constant 0 : index
    %swap3A_97 = arith.constant 0 : index
    %swap3A_98 = vector.load %arg5[%swap3A_95, %swap3A_96, %swap3A_97] : memref<4x1024x1xf32, #tpu.memory_space<vmem>>, vector<1x1024x1xf32>
    %swap3A_99 = vector.shape_cast %swap3A_98 : vector<1x1024x1xf32> to vector<1024x1xf32>
    %swap3A_100 = vector.shape_cast %dot_general3A_94 : vector<1024x1xf32> to vector<1x1024x1xf32>
    tpu.vector_store %arg5[%swap3A_95, %swap3A_96, %swap3A_97], %swap3A_100 {strides = array<i32>} : memref<4x1024x1xf32, #tpu.memory_space<vmem>>, vector<1x1024x1xf32>,
    %dot_general3A_101 = arith.constant dense<0.000000e+00> : vector<1024x1xf32>
    %dot_general3A_102 = tpu.matmul %get3A_92, %get3A_4, %dot_general3A_101 {dimension_numbers = #tpu.dot_dimension_numbers<[1], [0], [0], [1], [0, 0, 1, 1], [], []>, transpose_lhs_hint = false} : vector<1024x400xf32>, vector<400x1xf32>, vector<1024x1xf32> -> vector<1024x1xf32>
    %reduce_min3A_103 = vector.shape_cast %dot_general3A_102 : vector<1024x1xf32> to vector<1x1024x1xf32>
    %reduce_min3A_104 = arith.constant dense<0x7F800000> : vector<1xf32>
    %reduce_min3A_105 = vector.multi_reduction <minimumf>, %reduce_min3A_103, %reduce_min3A_104 [1, 2] : vector<1x1024x1xf32> to vector<1xf32>
    %reduce_min3A_106 = vector.shape_cast %reduce_min3A_105 : vector<1xf32> to vector<1x1x1xf32>
    %reduce_min3A_107 = vector.extract %reduce_min3A_106[0, 0, 0] : f32 from vector<1x1x1xf32>
    %gt3A_108 = vector.broadcast %reduce_min3A_107 : f32 to vector<1024x1xf32>
    %gt3A_109 = arith.cmpf ogt, %dot_general3A_102, %gt3A_108 : vector<1024x1xf32>
    %convert_element_type3A_110 = arith.extui %gt3A_109 : vector<1024x1xi1> to vector<1024x1xi32>
    %convert_element_type3A_111 = arith.sitofp %convert_element_type3A_110 : vector<1024x1xi32> to vector<1024x1xf32>
    %mul3A_112 = vector.broadcast %convert_element_type3A_111 : vector<1024x1xf32> to vector<1024x400xf32>
    %mul3A_113 = arith.mulf %get3A_92, %mul3A_112 : vector<1024x400xf32>
    %reduce_sum3A_114 = arith.constant dense<0.000000e+00> : vector<400xf32>
    %reduce_sum3A_115 = vector.multi_reduction <add>, %mul3A_113, %reduce_sum3A_114 [0] : vector<1024x400xf32> to vector<400xf32>
    %broadcast_in_dim3A_116 = vector.shape_cast %reduce_sum3A_115 : vector<400xf32> to vector<1x400xf32>
    %mul3A_117 = arith.constant 9.765625E-4 : f32
    %mul3A_118 = vector.broadcast %mul3A_117 : f32 to vector<1x400xf32>
    %mul3A_119 = arith.mulf %broadcast_in_dim3A_116, %mul3A_118 : vector<1x400xf32>
    %swap3A_120 = arith.constant 2 : index
    %swap3A_121 = arith.constant 0 : index
    %swap3A_122 = arith.constant 0 : index
    %swap3A_123 = vector.load %arg6[%swap3A_120, %swap3A_121, %swap3A_122] : memref<4x1x400xf32, #tpu.memory_space<vmem>>, vector<1x1x400xf32>
    %swap3A_124 = vector.shape_cast %swap3A_123 : vector<1x1x400xf32> to vector<1x400xf32>
    %swap3A_125 = vector.shape_cast %mul3A_119 : vector<1x400xf32> to vector<1x1x400xf32>
    tpu.vector_store %arg6[%swap3A_120, %swap3A_121, %swap3A_122], %swap3A_125 {strides = array<i32>} : memref<4x1x400xf32, #tpu.memory_space<vmem>>, vector<1x1x400xf32>,
    %get3A_126 = arith.constant 3 : index
    %get3A_127 = arith.constant 0 : index
    %get3A_128 = arith.constant 0 : index
    %get3A_129 = vector.load %arg1[%get3A_126, %get3A_127, %get3A_128] : memref<4x1024x768xf32, #tpu.memory_space<vmem>>, vector<1x1024x768xf32>
    %get3A_130 = vector.shape_cast %get3A_129 : vector<1x1024x768xf32> to vector<1024x768xf32>
    %get3A_131 = arith.constant 3 : index
    %get3A_132 = arith.constant 0 : index
    %get3A_133 = arith.constant 0 : index
    %get3A_134 = vector.load %arg2[%get3A_131, %get3A_132, %get3A_133] : memref<4x1024x400xf32, #tpu.memory_space<vmem>>, vector<1x1024x400xf32>
    %get3A_135 = vector.shape_cast %get3A_134 : vector<1x1024x400xf32> to vector<1024x400xf32>
    %dot_general3A_136 = arith.constant dense<0.000000e+00> : vector<1024x1xf32>
    %dot_general3A_137 = tpu.matmul %get3A_130, %get3A_1, %dot_general3A_136 {dimension_numbers = #tpu.dot_dimension_numbers<[1], [0], [0], [1], [0, 0, 1, 1], [], []>, transpose_lhs_hint = false} : vector<1024x768xf32>, vector<768x1xf32>, vector<1024x1xf32> -> vector<1024x1xf32>
    %swap3A_138 = arith.constant 3 : index
    %swap3A_139 = arith.constant 0 : index
    %swap3A_140 = arith.constant 0 : index
    %swap3A_141 = vector.load %arg5[%swap3A_138, %swap3A_139, %swap3A_140] : memref<4x1024x1xf32, #tpu.memory_space<vmem>>, vector<1x1024x1xf32>
    %swap3A_142 = vector.shape_cast %swap3A_141 : vector<1x1024x1xf32> to vector<1024x1xf32>
    %swap3A_143 = vector.shape_cast %dot_general3A_137 : vector<1024x1xf32> to vector<1x1024x1xf32>
    tpu.vector_store %arg5[%swap3A_138, %swap3A_139, %swap3A_140], %swap3A_143 {strides = array<i32>} : memref<4x1024x1xf32, #tpu.memory_space<vmem>>, vector<1x1024x1xf32>,
    %dot_general3A_144 = arith.constant dense<0.000000e+00> : vector<1024x1xf32>
    %dot_general3A_145 = tpu.matmul %get3A_135, %get3A_4, %dot_general3A_144 {dimension_numbers = #tpu.dot_dimension_numbers<[1], [0], [0], [1], [0, 0, 1, 1], [], []>, transpose_lhs_hint = false} : vector<1024x400xf32>, vector<400x1xf32>, vector<1024x1xf32> -> vector<1024x1xf32>
    %reduce_min3A_146 = vector.shape_cast %dot_general3A_145 : vector<1024x1xf32> to vector<1x1024x1xf32>
    %reduce_min3A_147 = arith.constant dense<0x7F800000> : vector<1xf32>
    %reduce_min3A_148 = vector.multi_reduction <minimumf>, %reduce_min3A_146, %reduce_min3A_147 [1, 2] : vector<1x1024x1xf32> to vector<1xf32>
    %reduce_min3A_149 = vector.shape_cast %reduce_min3A_148 : vector<1xf32> to vector<1x1x1xf32>
    %reduce_min3A_150 = vector.extract %reduce_min3A_149[0, 0, 0] : f32 from vector<1x1x1xf32>
    %gt3A_151 = vector.broadcast %reduce_min3A_150 : f32 to vector<1024x1xf32>
    %gt3A_152 = arith.cmpf ogt, %dot_general3A_145, %gt3A_151 : vector<1024x1xf32>
    %convert_element_type3A_153 = arith.extui %gt3A_152 : vector<1024x1xi1> to vector<1024x1xi32>
    %convert_element_type3A_154 = arith.sitofp %convert_element_type3A_153 : vector<1024x1xi32> to vector<1024x1xf32>
    %mul3A_155 = vector.broadcast %convert_element_type3A_154 : vector<1024x1xf32> to vector<1024x400xf32>
    %mul3A_156 = arith.mulf %get3A_135, %mul3A_155 : vector<1024x400xf32>
    %reduce_sum3A_157 = arith.constant dense<0.000000e+00> : vector<400xf32>
    %reduce_sum3A_158 = vector.multi_reduction <add>, %mul3A_156, %reduce_sum3A_157 [0] : vector<1024x400xf32> to vector<400xf32>
    %broadcast_in_dim3A_159 = vector.shape_cast %reduce_sum3A_158 : vector<400xf32> to vector<1x400xf32>
    %mul3A_160 = arith.constant 9.765625E-4 : f32
    %mul3A_161 = vector.broadcast %mul3A_160 : f32 to vector<1x400xf32>
    %mul3A_162 = arith.mulf %broadcast_in_dim3A_159, %mul3A_161 : vector<1x400xf32>
    %swap3A_163 = arith.constant 3 : index
    %swap3A_164 = arith.constant 0 : index
    %swap3A_165 = arith.constant 0 : index
    %swap3A_166 = vector.load %arg6[%swap3A_163, %swap3A_164, %swap3A_165] : memref<4x1x400xf32, #tpu.memory_space<vmem>>, vector<1x1x400xf32>
    %swap3A_167 = vector.shape_cast %swap3A_166 : vector<1x1x400xf32> to vector<1x400xf32>
    %swap3A_168 = vector.shape_cast %mul3A_162 : vector<1x400xf32> to vector<1x1x400xf32>
    tpu.vector_store %arg6[%swap3A_163, %swap3A_164, %swap3A_165], %swap3A_168 {strides = array<i32>} : memref<4x1x400xf32, #tpu.memory_space<vmem>>, vector<1x1x400xf32>,
    return
  }
  func.func @transform_0(%arg0: i32) -> (i32, i32, i32) {
    %c0_i32 = arith.constant 0 : i32
    %c0_i32_0 = arith.constant 0 : i32
    %c0_i32_1 = arith.constant 0 : i32
    return %arg0, %c0_i32, %c0_i32_0 : i32, i32, i32
  }
  func.func @transform_1(%arg0: i32) -> (i32, i32, i32) {
    %c0_i32 = arith.constant 0 : i32
    %c0_i32_0 = arith.constant 0 : i32
    %c0_i32_1 = arith.constant 0 : i32
    return %arg0, %c0_i32, %c0_i32_0 : i32, i32, i32
  }
  func.func @transform_2(%arg0: i32) -> (i32, i32) {
    %c0_i32 = arith.constant 0 : i32
    %c0_i32_0 = arith.constant 0 : i32
    %c0_i32_1 = arith.constant 0 : i32
    return %c0_i32, %c0_i32_0 : i32, i32
  }
  func.func @transform_3(%arg0: i32) -> (i32, i32) {
    %c0_i32 = arith.constant 0 : i32
    %c0_i32_0 = arith.constant 0 : i32
    %c0_i32_1 = arith.constant 0 : i32
    return %c0_i32, %c0_i32_0 : i32, i32
  }
  func.func @transform_4(%arg0: i32) -> (i32, i32, i32) {
    %c0_i32 = arith.constant 0 : i32
    %c0_i32_0 = arith.constant 0 : i32
    %c0_i32_1 = arith.constant 0 : i32
    return %arg0, %c0_i32, %c0_i32_0 : i32, i32, i32
  }
  func.func @transform_5(%arg0: i32) -> (i32, i32, i32) {
    %c0_i32 = arith.constant 0 : i32
    %c0_i32_0 = arith.constant 0 : i32
    %c0_i32_1 = arith.constant 0 : i32
    return %arg0, %c0_i32, %c0_i32_0 : i32, i32, i32
  }
}

module attributes {stable_mosaic.version = 14 : i64} {
  func.func @_stage3_body(%arg0: i32, %arg1: memref<4x1024x768xf32, #tpu.memory_space<vmem>>, %arg2: memref<1x4x1024xf32, #tpu.memory_space<vmem>>, %arg3: memref<4x1x400xf32, #tpu.memory_space<vmem>>, %arg4: memref<768x768xf32, #tpu.memory_space<vmem>>, %arg5: memref<1x768xf32, #tpu.memory_space<vmem>>, %arg6: memref<400x400xf32, #tpu.memory_space<vmem>>, %arg7: memref<1x400xf32, #tpu.memory_space<vmem>>, %arg8: memref<768x1936xf32, #tpu.memory_space<vmem>>, %arg9: memref<1x768xf32, #tpu.memory_space<vmem>>, %arg10: memref<1x768xf32, #tpu.memory_space<vmem>>, %arg11: memref<4x1024x768xf32, #tpu.memory_space<vmem>>) attributes {dimension_semantics = [#tpu.dimension_semantics<arbitrary>], iteration_bounds = array<i64: 8>, scalar_prefetch = 0 : i64, scratch_operands = 0 : i64, tpu.core_type = #tpu.core_type<tc>, window_params = [{transform_indices = @transform_0, window_bounds = array<i64: 4, 1024, 768>}, {transform_indices = @transform_1, window_bounds = array<i64: 1, 4, 1024>}, {transform_indices = @transform_2, window_bounds = array<i64: 4, 1, 400>}, {pipeline_mode = #tpu.pipeline_mode<synchronous>, transform_indices = @transform_3, window_bounds = array<i64: 768, 768>}, {pipeline_mode = #tpu.pipeline_mode<synchronous>, transform_indices = @transform_4, window_bounds = array<i64: 1, 768>}, {pipeline_mode = #tpu.pipeline_mode<synchronous>, transform_indices = @transform_5, window_bounds = array<i64: 400, 400>}, {pipeline_mode = #tpu.pipeline_mode<synchronous>, transform_indices = @transform_6, window_bounds = array<i64: 1, 400>}, {pipeline_mode = #tpu.pipeline_mode<synchronous>, transform_indices = @transform_7, window_bounds = array<i64: 768, 1936>}, {pipeline_mode = #tpu.pipeline_mode<synchronous>, transform_indices = @transform_8, window_bounds = array<i64: 1, 768>}, {pipeline_mode = #tpu.pipeline_mode<synchronous>, transform_indices = @transform_9, window_bounds = array<i64: 1, 768>}, {transform_indices = @transform_10, window_bounds = array<i64: 4, 1024, 768>}]} {
    %get3A = arith.constant 0 : index
    %get3A_0 = arith.constant 0 : index
    %get3A_1 = arith.constant 0 : index
    %get3A_2 = vector.load %arg2[%get3A, %get3A_0, %get3A_1] : memref<1x4x1024xf32, #tpu.memory_space<vmem>>, vector<1x1x1024xf32>
    %get3A_3 = vector.shape_cast %get3A_2 : vector<1x1x1024xf32> to vector<1x1024xf32>
    %get3A_4 = arith.constant 0 : index
    %get3A_5 = arith.constant 0 : index
    %get3A_6 = arith.constant 0 : index
    %get3A_7 = vector.load %arg1[%get3A_4, %get3A_5, %get3A_6] : memref<4x1024x768xf32, #tpu.memory_space<vmem>>, vector<1x1024x768xf32>
    %get3A_8 = vector.shape_cast %get3A_7 : vector<1x1024x768xf32> to vector<1024x768xf32>
    %dot_general3A = arith.constant dense<0.000000e+00> : vector<1x768xf32>
    %dot_general3A_9 = tpu.matmul %get3A_3, %get3A_8, %dot_general3A {dimension_numbers = #tpu.dot_dimension_numbers<[1], [0], [0], [1], [0, 0, 1, 1], [], []>, transpose_lhs_hint = false} : vector<1x1024xf32>, vector<1024x768xf32>, vector<1x768xf32> -> vector<1x768xf32>
    %mul3A = arith.constant 9.765625E-4 : f32
    %mul3A_10 = vector.broadcast %mul3A : f32 to vector<1x768xf32>
    %mul3A_11 = arith.mulf %dot_general3A_9, %mul3A_10 : vector<1x768xf32>
    %get3A_12 = arith.constant 0 : index
    %get3A_13 = arith.constant 1 : index
    %get3A_14 = arith.constant 0 : index
    %get3A_15 = vector.load %arg2[%get3A_12, %get3A_13, %get3A_14] : memref<1x4x1024xf32, #tpu.memory_space<vmem>>, vector<1x1x1024xf32>
    %get3A_16 = vector.shape_cast %get3A_15 : vector<1x1x1024xf32> to vector<1x1024xf32>
    %get3A_17 = arith.constant 1 : index
    %get3A_18 = arith.constant 0 : index
    %get3A_19 = arith.constant 0 : index
    %get3A_20 = vector.load %arg1[%get3A_17, %get3A_18, %get3A_19] : memref<4x1024x768xf32, #tpu.memory_space<vmem>>, vector<1x1024x768xf32>
    %get3A_21 = vector.shape_cast %get3A_20 : vector<1x1024x768xf32> to vector<1024x768xf32>
    %dot_general3A_22 = arith.constant dense<0.000000e+00> : vector<1x768xf32>
    %dot_general3A_23 = tpu.matmul %get3A_16, %get3A_21, %dot_general3A_22 {dimension_numbers = #tpu.dot_dimension_numbers<[1], [0], [0], [1], [0, 0, 1, 1], [], []>, transpose_lhs_hint = false} : vector<1x1024xf32>, vector<1024x768xf32>, vector<1x768xf32> -> vector<1x768xf32>
    %mul3A_24 = arith.constant 9.765625E-4 : f32
    %mul3A_25 = vector.broadcast %mul3A_24 : f32 to vector<1x768xf32>
    %mul3A_26 = arith.mulf %dot_general3A_23, %mul3A_25 : vector<1x768xf32>
    %get3A_27 = arith.constant 0 : index
    %get3A_28 = arith.constant 2 : index
    %get3A_29 = arith.constant 0 : index
    %get3A_30 = vector.load %arg2[%get3A_27, %get3A_28, %get3A_29] : memref<1x4x1024xf32, #tpu.memory_space<vmem>>, vector<1x1x1024xf32>
    %get3A_31 = vector.shape_cast %get3A_30 : vector<1x1x1024xf32> to vector<1x1024xf32>
    %get3A_32 = arith.constant 2 : index
    %get3A_33 = arith.constant 0 : index
    %get3A_34 = arith.constant 0 : index
    %get3A_35 = vector.load %arg1[%get3A_32, %get3A_33, %get3A_34] : memref<4x1024x768xf32, #tpu.memory_space<vmem>>, vector<1x1024x768xf32>
    %get3A_36 = vector.shape_cast %get3A_35 : vector<1x1024x768xf32> to vector<1024x768xf32>
    %dot_general3A_37 = arith.constant dense<0.000000e+00> : vector<1x768xf32>
    %dot_general3A_38 = tpu.matmul %get3A_31, %get3A_36, %dot_general3A_37 {dimension_numbers = #tpu.dot_dimension_numbers<[1], [0], [0], [1], [0, 0, 1, 1], [], []>, transpose_lhs_hint = false} : vector<1x1024xf32>, vector<1024x768xf32>, vector<1x768xf32> -> vector<1x768xf32>
    %mul3A_39 = arith.constant 9.765625E-4 : f32
    %mul3A_40 = vector.broadcast %mul3A_39 : f32 to vector<1x768xf32>
    %mul3A_41 = arith.mulf %dot_general3A_38, %mul3A_40 : vector<1x768xf32>
    %get3A_42 = arith.constant 0 : index
    %get3A_43 = arith.constant 3 : index
    %get3A_44 = arith.constant 0 : index
    %get3A_45 = vector.load %arg2[%get3A_42, %get3A_43, %get3A_44] : memref<1x4x1024xf32, #tpu.memory_space<vmem>>, vector<1x1x1024xf32>
    %get3A_46 = vector.shape_cast %get3A_45 : vector<1x1x1024xf32> to vector<1x1024xf32>
    %get3A_47 = arith.constant 3 : index
    %get3A_48 = arith.constant 0 : index
    %get3A_49 = arith.constant 0 : index
    %get3A_50 = vector.load %arg1[%get3A_47, %get3A_48, %get3A_49] : memref<4x1024x768xf32, #tpu.memory_space<vmem>>, vector<1x1024x768xf32>
    %get3A_51 = vector.shape_cast %get3A_50 : vector<1x1024x768xf32> to vector<1024x768xf32>
    %dot_general3A_52 = arith.constant dense<0.000000e+00> : vector<1x768xf32>
    %dot_general3A_53 = tpu.matmul %get3A_46, %get3A_51, %dot_general3A_52 {dimension_numbers = #tpu.dot_dimension_numbers<[1], [0], [0], [1], [0, 0, 1, 1], [], []>, transpose_lhs_hint = false} : vector<1x1024xf32>, vector<1024x768xf32>, vector<1x768xf32> -> vector<1x768xf32>
    %mul3A_54 = arith.constant 9.765625E-4 : f32
    %mul3A_55 = vector.broadcast %mul3A_54 : f32 to vector<1x768xf32>
    %mul3A_56 = arith.mulf %dot_general3A_53, %mul3A_55 : vector<1x768xf32>
    %concatenate3A = tpu.concatenate %mul3A_11, %mul3A_26, %mul3A_41, %mul3A_56 in 0 : vector<1x768xf32>, vector<1x768xf32>, vector<1x768xf32>, vector<1x768xf32> -> vector<4x768xf32>
    %get3A_57 = arith.constant 0 : index
    %get3A_58 = arith.constant 0 : index
    %get3A_59 = arith.constant 0 : index
    %get3A_60 = vector.load %arg3[%get3A_57, %get3A_58, %get3A_59] : memref<4x1x400xf32, #tpu.memory_space<vmem>>, vector<4x1x400xf32>
    %reshape3A = vector.shape_cast %get3A_60 : vector<4x1x400xf32> to vector<4x400xf32>
    %get3A_61 = arith.constant 0 : index
    %get3A_62 = arith.constant 0 : index
    %get3A_63 = vector.load %arg4[%get3A_61, %get3A_62] : memref<768x768xf32, #tpu.memory_space<vmem>>, vector<768x768xf32>
    %dot_general3A_64 = arith.constant dense<0.000000e+00> : vector<4x768xf32>
    %dot_general3A_65 = tpu.matmul %concatenate3A, %get3A_63, %dot_general3A_64 {dimension_numbers = #tpu.dot_dimension_numbers<[1], [1], [0], [0], [0, 0, 1, 0], [], []>, transpose_lhs_hint = false} : vector<4x768xf32>, vector<768x768xf32>, vector<4x768xf32> -> vector<4x768xf32>
    %get3A_66 = arith.constant 0 : index
    %get3A_67 = arith.constant 0 : index
    %get3A_68 = vector.load %arg5[%get3A_66, %get3A_67] : memref<1x768xf32, #tpu.memory_space<vmem>>, vector<1x768xf32>
    %add3A = vector.broadcast %get3A_68 : vector<1x768xf32> to vector<4x768xf32>
    %add3A_69 = arith.addf %dot_general3A_65, %add3A : vector<4x768xf32>
    %get3A_70 = arith.constant 0 : index
    %get3A_71 = arith.constant 0 : index
    %get3A_72 = vector.load %arg6[%get3A_70, %get3A_71] : memref<400x400xf32, #tpu.memory_space<vmem>>, vector<400x400xf32>
    %dot_general3A_73 = arith.constant dense<0.000000e+00> : vector<4x400xf32>
    %dot_general3A_74 = tpu.matmul %reshape3A, %get3A_72, %dot_general3A_73 {dimension_numbers = #tpu.dot_dimension_numbers<[1], [1], [0], [0], [0, 0, 1, 0], [], []>, transpose_lhs_hint = false} : vector<4x400xf32>, vector<400x400xf32>, vector<4x400xf32> -> vector<4x400xf32>
    %get3A_75 = arith.constant 0 : index
    %get3A_76 = arith.constant 0 : index
    %get3A_77 = vector.load %arg7[%get3A_75, %get3A_76] : memref<1x400xf32, #tpu.memory_space<vmem>>, vector<1x400xf32>
    %add3A_78 = vector.broadcast %get3A_77 : vector<1x400xf32> to vector<4x400xf32>
    %add3A_79 = arith.addf %dot_general3A_74, %add3A_78 : vector<4x400xf32>
    %get3A_80 = arith.constant 0 : index
    %get3A_81 = arith.constant 0 : index
    %get3A_82 = vector.load %arg10[%get3A_80, %get3A_81] : memref<1x768xf32, #tpu.memory_space<vmem>>, vector<1x768xf32>
    %broadcast_in_dim3A = vector.shape_cast %get3A_82 : vector<1x768xf32> to vector<1x768xf32>
    %broadcast_in_dim3A_83 = vector.broadcast %broadcast_in_dim3A : vector<1x768xf32> to vector<4x768xf32>
    %concatenate3A_84 = tpu.concatenate %add3A_69, %broadcast_in_dim3A_83, %add3A_79 in 1 : vector<4x768xf32>, vector<4x768xf32>, vector<4x400xf32> -> vector<4x1936xf32>
    %get3A_85 = arith.constant 0 : index
    %get3A_86 = arith.constant 0 : index
    %get3A_87 = vector.load %arg8[%get3A_85, %get3A_86] : memref<768x1936xf32, #tpu.memory_space<vmem>>, vector<768x1936xf32>
    %dot_general3A_88 = arith.constant dense<0.000000e+00> : vector<4x768xf32>
    %dot_general3A_89 = tpu.matmul %concatenate3A_84, %get3A_87, %dot_general3A_88 {dimension_numbers = #tpu.dot_dimension_numbers<[1], [1], [0], [0], [0, 0, 1, 0], [], []>, transpose_lhs_hint = false} : vector<4x1936xf32>, vector<768x1936xf32>, vector<4x768xf32> -> vector<4x768xf32>
    %get3A_90 = arith.constant 0 : index
    %get3A_91 = arith.constant 0 : index
    %get3A_92 = vector.load %arg9[%get3A_90, %get3A_91] : memref<1x768xf32, #tpu.memory_space<vmem>>, vector<1x768xf32>
    %add3A_93 = vector.broadcast %get3A_92 : vector<1x768xf32> to vector<4x768xf32>
    %add3A_94 = arith.addf %dot_general3A_89, %add3A_93 : vector<4x768xf32>
    %tanh3A = math.tanh %add3A_94 : vector<4x768xf32>
    %add3A_95 = arith.constant 1.000000e+00 : f32
    %add3A_96 = vector.broadcast %add3A_95 : f32 to vector<4x768xf32>
    %add3A_97 = arith.addf %add3A_96, %tanh3A : vector<4x768xf32>
    %get3A_98 = arith.constant 0 : index
    %get3A_99 = arith.constant 0 : index
    %get3A_100 = arith.constant 0 : index
    %get3A_101 = vector.load %arg1[%get3A_98, %get3A_99, %get3A_100] : memref<4x1024x768xf32, #tpu.memory_space<vmem>>, vector<1x1024x768xf32>
    %get3A_102 = vector.shape_cast %get3A_101 : vector<1x1024x768xf32> to vector<1024x768xf32>
    %slice3A = vector.extract_strided_slice %add3A_97 {offsets = [0, 0], sizes = [1, 768], strides = [1, 1]} : vector<4x768xf32> to vector<1x768xf32>
    %mul3A_103 = vector.broadcast %slice3A : vector<1x768xf32> to vector<1024x768xf32>
    %mul3A_104 = arith.mulf %get3A_102, %mul3A_103 : vector<1024x768xf32>
    %swap3A = arith.constant 0 : index
    %swap3A_105 = arith.constant 0 : index
    %swap3A_106 = arith.constant 0 : index
    %swap3A_107 = vector.load %arg11[%swap3A, %swap3A_105, %swap3A_106] : memref<4x1024x768xf32, #tpu.memory_space<vmem>>, vector<1x1024x768xf32>
    %swap3A_108 = vector.shape_cast %swap3A_107 : vector<1x1024x768xf32> to vector<1024x768xf32>
    %swap3A_109 = vector.shape_cast %mul3A_104 : vector<1024x768xf32> to vector<1x1024x768xf32>
    tpu.vector_store %arg11[%swap3A, %swap3A_105, %swap3A_106], %swap3A_109 {strides = array<i32>} : memref<4x1024x768xf32, #tpu.memory_space<vmem>>, vector<1x1024x768xf32>,
    %get3A_110 = arith.constant 1 : index
    %get3A_111 = arith.constant 0 : index
    %get3A_112 = arith.constant 0 : index
    %get3A_113 = vector.load %arg1[%get3A_110, %get3A_111, %get3A_112] : memref<4x1024x768xf32, #tpu.memory_space<vmem>>, vector<1x1024x768xf32>
    %get3A_114 = vector.shape_cast %get3A_113 : vector<1x1024x768xf32> to vector<1024x768xf32>
    %slice3A_115 = vector.extract_strided_slice %add3A_97 {offsets = [1, 0], sizes = [1, 768], strides = [1, 1]} : vector<4x768xf32> to vector<1x768xf32>
    %mul3A_116 = vector.broadcast %slice3A_115 : vector<1x768xf32> to vector<1024x768xf32>
    %mul3A_117 = arith.mulf %get3A_114, %mul3A_116 : vector<1024x768xf32>
    %swap3A_118 = arith.constant 1 : index
    %swap3A_119 = arith.constant 0 : index
    %swap3A_120 = arith.constant 0 : index
    %swap3A_121 = vector.load %arg11[%swap3A_118, %swap3A_119, %swap3A_120] : memref<4x1024x768xf32, #tpu.memory_space<vmem>>, vector<1x1024x768xf32>
    %swap3A_122 = vector.shape_cast %swap3A_121 : vector<1x1024x768xf32> to vector<1024x768xf32>
    %swap3A_123 = vector.shape_cast %mul3A_117 : vector<1024x768xf32> to vector<1x1024x768xf32>
    tpu.vector_store %arg11[%swap3A_118, %swap3A_119, %swap3A_120], %swap3A_123 {strides = array<i32>} : memref<4x1024x768xf32, #tpu.memory_space<vmem>>, vector<1x1024x768xf32>,
    %get3A_124 = arith.constant 2 : index
    %get3A_125 = arith.constant 0 : index
    %get3A_126 = arith.constant 0 : index
    %get3A_127 = vector.load %arg1[%get3A_124, %get3A_125, %get3A_126] : memref<4x1024x768xf32, #tpu.memory_space<vmem>>, vector<1x1024x768xf32>
    %get3A_128 = vector.shape_cast %get3A_127 : vector<1x1024x768xf32> to vector<1024x768xf32>
    %slice3A_129 = vector.extract_strided_slice %add3A_97 {offsets = [2, 0], sizes = [1, 768], strides = [1, 1]} : vector<4x768xf32> to vector<1x768xf32>
    %mul3A_130 = vector.broadcast %slice3A_129 : vector<1x768xf32> to vector<1024x768xf32>
    %mul3A_131 = arith.mulf %get3A_128, %mul3A_130 : vector<1024x768xf32>
    %swap3A_132 = arith.constant 2 : index
    %swap3A_133 = arith.constant 0 : index
    %swap3A_134 = arith.constant 0 : index
    %swap3A_135 = vector.load %arg11[%swap3A_132, %swap3A_133, %swap3A_134] : memref<4x1024x768xf32, #tpu.memory_space<vmem>>, vector<1x1024x768xf32>
    %swap3A_136 = vector.shape_cast %swap3A_135 : vector<1x1024x768xf32> to vector<1024x768xf32>
    %swap3A_137 = vector.shape_cast %mul3A_131 : vector<1024x768xf32> to vector<1x1024x768xf32>
    tpu.vector_store %arg11[%swap3A_132, %swap3A_133, %swap3A_134], %swap3A_137 {strides = array<i32>} : memref<4x1024x768xf32, #tpu.memory_space<vmem>>, vector<1x1024x768xf32>,
    %get3A_138 = arith.constant 3 : index
    %get3A_139 = arith.constant 0 : index
    %get3A_140 = arith.constant 0 : index
    %get3A_141 = vector.load %arg1[%get3A_138, %get3A_139, %get3A_140] : memref<4x1024x768xf32, #tpu.memory_space<vmem>>, vector<1x1024x768xf32>
    %get3A_142 = vector.shape_cast %get3A_141 : vector<1x1024x768xf32> to vector<1024x768xf32>
    %slice3A_143 = vector.extract_strided_slice %add3A_97 {offsets = [3, 0], sizes = [1, 768], strides = [1, 1]} : vector<4x768xf32> to vector<1x768xf32>
    %mul3A_144 = vector.broadcast %slice3A_143 : vector<1x768xf32> to vector<1024x768xf32>
    %mul3A_145 = arith.mulf %get3A_142, %mul3A_144 : vector<1024x768xf32>
    %swap3A_146 = arith.constant 3 : index
    %swap3A_147 = arith.constant 0 : index
    %swap3A_148 = arith.constant 0 : index
    %swap3A_149 = vector.load %arg11[%swap3A_146, %swap3A_147, %swap3A_148] : memref<4x1024x768xf32, #tpu.memory_space<vmem>>, vector<1x1024x768xf32>
    %swap3A_150 = vector.shape_cast %swap3A_149 : vector<1x1024x768xf32> to vector<1024x768xf32>
    %swap3A_151 = vector.shape_cast %mul3A_145 : vector<1024x768xf32> to vector<1x1024x768xf32>
    tpu.vector_store %arg11[%swap3A_146, %swap3A_147, %swap3A_148], %swap3A_151 {strides = array<i32>} : memref<4x1024x768xf32, #tpu.memory_space<vmem>>, vector<1x1024x768xf32>,
    return
  }
  func.func @transform_0(%arg0: i32) -> (i32, i32, i32) {
    %c0_i32 = arith.constant 0 : i32
    %c0_i32_0 = arith.constant 0 : i32
    %c0_i32_1 = arith.constant 0 : i32
    return %arg0, %c0_i32, %c0_i32_0 : i32, i32, i32
  }
  func.func @transform_1(%arg0: i32) -> (i32, i32, i32) {
    %c0_i32 = arith.constant 0 : i32
    %c0_i32_0 = arith.constant 0 : i32
    %c0_i32_1 = arith.constant 0 : i32
    return %arg0, %c0_i32, %c0_i32_0 : i32, i32, i32
  }
  func.func @transform_2(%arg0: i32) -> (i32, i32, i32) {
    %c0_i32 = arith.constant 0 : i32
    %c0_i32_0 = arith.constant 0 : i32
    %c0_i32_1 = arith.constant 0 : i32
    return %arg0, %c0_i32, %c0_i32_0 : i32, i32, i32
  }
  func.func @transform_3(%arg0: i32) -> (i32, i32) {
    %c0_i32 = arith.constant 0 : i32
    %c0_i32_0 = arith.constant 0 : i32
    %c0_i32_1 = arith.constant 0 : i32
    return %c0_i32, %c0_i32_0 : i32, i32
  }
  func.func @transform_4(%arg0: i32) -> (i32, i32) {
    %c0_i32 = arith.constant 0 : i32
    %c0_i32_0 = arith.constant 0 : i32
    %c0_i32_1 = arith.constant 0 : i32
    return %c0_i32, %c0_i32_0 : i32, i32
  }
  func.func @transform_5(%arg0: i32) -> (i32, i32) {
    %c0_i32 = arith.constant 0 : i32
    %c0_i32_0 = arith.constant 0 : i32
    %c0_i32_1 = arith.constant 0 : i32
    return %c0_i32, %c0_i32_0 : i32, i32
  }
  func.func @transform_6(%arg0: i32) -> (i32, i32) {
    %c0_i32 = arith.constant 0 : i32
    %c0_i32_0 = arith.constant 0 : i32
    %c0_i32_1 = arith.constant 0 : i32
    return %c0_i32, %c0_i32_0 : i32, i32
  }
  func.func @transform_7(%arg0: i32) -> (i32, i32) {
    %c0_i32 = arith.constant 0 : i32
    %c0_i32_0 = arith.constant 0 : i32
    %c0_i32_1 = arith.constant 0 : i32
    return %c0_i32, %c0_i32_0 : i32, i32
  }
  func.func @transform_8(%arg0: i32) -> (i32, i32) {
    %c0_i32 = arith.constant 0 : i32
    %c0_i32_0 = arith.constant 0 : i32
    %c0_i32_1 = arith.constant 0 : i32
    return %c0_i32, %c0_i32_0 : i32, i32
  }
  func.func @transform_9(%arg0: i32) -> (i32, i32) {
    %c0_i32 = arith.constant 0 : i32
    %c0_i32_0 = arith.constant 0 : i32
    %c0_i32_1 = arith.constant 0 : i32
    return %c0_i32, %c0_i32_0 : i32, i32
  }
  func.func @transform_10(%arg0: i32) -> (i32, i32, i32) {
    %c0_i32 = arith.constant 0 : i32
    %c0_i32_0 = arith.constant 0 : i32
    %c0_i32_1 = arith.constant 0 : i32
    return %arg0, %c0_i32, %c0_i32_0 : i32, i32, i32
  }
}

</mosaic_0001>

<sc_bundles>
// kernel: kernel.5.cloned.1.call-start
scs
__scs_entry_jumppad:
0x0: {  	(pc) =	sbr.rel $0x88, $3  }
0x1: {  	(tag) =	ssettag $0x0;
	lr =	simm.s32 $0x1  }
0x2: {  	[smem:$0x3F96] =	sst lr;
	_ =	strace $0xD0000000  }
0x3: {  	_ = 	snop  }
0x4: {  	_ = 	snop  }
0x5: {  	_ = 	snop  }
0x6: {  	_ = 	snop  }
0x7: {  	_ = 	snop  }
__scs_overlays_trampoline_lowered:
0x8: {  	[smem:$0x3FA5] =	sst s0  }
0x9: {  	[smem:$0x3FA6] =	sst s1  }
0xa: {  	[smem:$0x3FA7] =	sst s2  }
0xb: {  	[smem:$0x3FA8] =	sst s3  }
0xc: {  	[smem:$0x3FA9] =	sst s4  }
0xd: {  	[smem:$0x3FAA] =	sst s5  }
0xe: {  	[smem:$0x3FAB] =	sst s6  }
0xf: {  	[smem:$0x3FAC] =	sst s7  }
0x10: {  	[smem:$0x3FAD] =	sst s8  }
0x11: {  	[smem:$0x3FAE] =	sst s9;
	s0 =	simm.s32 @!p0 $0x0  }
0x12: {  	s1 =	sld [smem:$0x3F94];
	s0 =	simm.s32 @p0 $0x1  }
0x13: {  	[smem:$0x3FAF] =	sst s0;
	s0 =	simm.s32 @!p1 $0x0  }
0x14: {  	s2 =	sld [smem:$0x3F93];
	s0 =	simm.s32 @p1 $0x1  }
0x15: {  	[smem:$0x3FB0] =	sst s0;
	s0 =	simm.s32 @!p2 $0x0  }
0x16: {  	s3 =	sld [smem:$0x3FDB];
	s0 =	simm.s32 @p2 $0x1  }
0x17: {  	s4 =	simm.s32 $0x1BF5;
	[smem:$0x3FB2] =	sst s0  }
0x18: {  	s0 =	sld [smem:$0x3F95];
	_ =	swait.ge [sflag:s4], $0x0  }
0x19: {  	s7 =	sld [smem:$0x3F96]  }
0x1a: {  	s8 =	sadd.s32 $0xFFFFE003, lr  }
0x1b: {  	s9 =	sadd.s32 $0xFFFFFEF7, lr;
	s5 =	simm.s32 $0xFFFFFFFF;
	p2 =	slt.u32 s8, $0xFFFFF086  }
0x1c: {  	p1 =	slt.u32 s9, $0xF7A;
	s5 =	simm.s32 @!p2 $0x0  }
0x1d: {  	s5 =	simm.s32 @p1 $0x1;
	p0 =	seq.s32 s7, s2  }
0x1e: {  	s7 =	smul.u32 @!p0 $0xF7A, s2;
	p2 =	seq.s32 @!p0 s5, $0x0  }
0x1f: {  	s9 =	smul.u32 $0xF7A, s1;
	s8 =	simm.s32 @!p0 $0x1BF5;
	p2 =	por !p2, p0  }
0x20: {  	[sflag:s8] =	ssyncset.s32 @!p0 $0xFFFFF086;
	s6 =	sadd.s32 @!p0 s3, s7;
	s7 =	simm.s32 @!p0 $0x108  }
0x21: {  	s3 =	sadd.s32 s3, s9;
	s6 =	sadd.s32 @!p0 $0x88, s6;
	s7 =	simm.s32 @p2 $0x1082  }
0x22: {  	[simem:s7], [sflag:s8] =	dma.local @!p0 [hbm:s6], $0xF7A  }
0x23: {  	s9 =	sor.u32 $0xD0000000, s2;
	s6 =	simm.s32 $0x108;
	_ =	swait.ge @!p0 [sflag:s8], $0x0  }
0x24: {  	s3 =	sadd.s32 $0x88, s3;
	s6 =	simm.s32 @!p1 $0x1082;
	[sflag:s4] =	ssyncset.s32 $0xFFFFF086  }
0x25: {  	[simem:s6], [sflag:s4] =	dma.local [hbm:s3], $0xF7A  }
0x26: {  	[smem:$0x3F96] =	sst s1;
	(tag) =	ssettag s2;
	_ =	strace s9  }
0x27: {  	s1 =	sld [smem:$0x3FA6]  }
0x28: {  	s2 =	sld [smem:$0x3FA7]  }
0x29: {  	s4 =	sld [smem:$0x3FA9]  }
0x2a: {  	p0 =	seq.s32 s5, $0x0;
	s5 =	sld [smem:$0x3FAA]  }
0x2b: {  	s6 =	sld [smem:$0x3FAB]  }
0x2c: {  	s7 =	sld [smem:$0x3FAC]  }
0x2d: {  	s3 =	simm.s32 $0x108;
	s8 =	sld [smem:$0x3FAD]  }
0x2e: {  	s3 =	simm.s32 @!p0 $0x1082;
	s9 =	sld [smem:$0x3FAE]  }
0x2f: {  	lr =	sadd.s32 s0, s3;
	s0 =	sld [smem:$0x3FA5]  }
0x30: {  	s3 =	sld [smem:$0x3FA8]  }
0x31: {  	[smem:$0x3FB1] =	sst s10  }
0x32: {  	s10 =	sld [smem:$0x3FAF];
	_ =	sdelay $0x3  }
0x33: {  	p0 =	seq.s32 s10, $0x1;
	s10 =	sld [smem:$0x3FB1];
	_ =	sdelay $0x3  }
0x34: {  	[smem:$0x3FB1] =	sst s10  }
0x35: {  	s10 =	sld [smem:$0x3FB0];
	_ =	sdelay $0x3  }
0x36: {  	p1 =	seq.s32 s10, $0x1;
	s10 =	sld [smem:$0x3FB1];
	_ =	sdelay $0x3  }
0x37: {  	[smem:$0x3FB1] =	sst s10  }
0x38: {  	s10 =	sld [smem:$0x3FB2]  }
0x39: {  	_ = 	snop;
	(pc) =	sbr.ind lr, $3  }
0x3a: {  	_ = 	snop  }
0x3b: {  	_ = 	snop  }
0x3c: {  	p2 =	seq.s32 s10, $0x1;
	s10 =	sld [smem:$0x3FB1]  }
0x3d: {  	_ =	shalt  }
0x3e: {  	_ =	shalt  }
0x3f: {  	_ =	shalt  }
0x40: {  	_ =	shalt  }
0x41: {  	_ =	shalt  }
0x42: {  	_ =	shalt  }
0x43: {  	_ =	shalt  }
0x44: {  	_ =	shalt  }
0x45: {  	_ =	shalt  }
0x46: {  	_ =	shalt  }
0x47: {  	_ =	shalt  }
0x48: {  	_ =	shalt  }
0x49: {  	_ =	shalt  }
0x4a: {  	_ =	shalt  }
0x4b: {  	_ =	shalt  }
0x4c: {  	_ =	shalt  }
0x4d: {  	_ =	shalt  }
0x4e: {  	_ =	shalt  }
0x4f: {  	_ =	shalt  }
0x50: {  	_ =	shalt  }
0x51: {  	_ =	shalt  }
0x52: {  	_ =	shalt  }
0x53: {  	_ =	shalt  }
0x54: {  	_ =	shalt  }
0x55: {  	_ =	shalt  }
0x56: {  	_ =	shalt  }
0x57: {  	_ =	shalt  }
0x58: {  	_ =	shalt  }
0x59: {  	_ =	shalt  }
0x5a: {  	_ =	shalt  }
0x5b: {  	_ =	shalt  }
0x5c: {  	_ =	shalt  }
0x5d: {  	_ =	shalt  }
0x5e: {  	_ =	shalt  }
0x5f: {  	_ =	shalt  }
0x60: {  	_ =	shalt  }
0x61: {  	_ =	shalt  }
0x62: {  	_ =	shalt  }
0x63: {  	_ =	shalt  }
0x64: {  	_ =	shalt  }
0x65: {  	_ =	shalt  }
0x66: {  	_ =	shalt  }
0x67: {  	_ =	shalt  }
0x68: {  	_ =	shalt  }
0x69: {  	_ =	shalt  }
0x6a: {  	_ =	shalt  }
0x6b: {  	_ =	shalt  }
0x6c: {  	_ =	shalt  }
0x6d: {  	_ =	shalt  }
0x6e: {  	_ =	shalt  }
0x6f: {  	_ =	shalt  }
0x70: {  	_ =	shalt  }
0x71: {  	_ =	shalt  }
0x72: {  	_ =	shalt  }
0x73: {  	_ =	shalt  }
0x74: {  	_ =	shalt  }
0x75: {  	_ =	shalt  }
0x76: {  	_ =	shalt  }
0x77: {  	_ =	shalt  }
0x78: {  	_ =	shalt  }
0x79: {  	_ =	shalt  }
0x7a: {  	_ =	shalt  }
0x7b: {  	_ =	shalt  }
0x7c: {  	_ =	shalt  }
0x7d: {  	_ =	shalt  }
0x7e: {  	_ =	shalt  }
0x7f: {  	_ =	shalt  }
0x80: {  	_ =	shalt  }
0x81: {  	_ =	shalt  }
0x82: {  	_ =	shalt  }
0x83: {  	_ =	shalt  }
0x84: {  	_ =	shalt  }
0x85: {  	_ =	shalt  }
0x86: {  	_ =	shalt  }
0x87: {  	_ =	shalt  }
.Lfunc_end0:
.L_simem_size_0:
called_computation_lowered:
.L_overlay_start_0:
0x88: {  	s2 =	sld [smem:$0x3FD9]  }
0x89: {  	s3 =	sld [smem:$0x3FFE];
	_ =	sdelay $0x1  }
0x8a: {  	s1 =	srdreg.scid  }
0x8b: {  	s0 =	sand.u32 $0x1, s1  }
0x8c: {  	s17 =	sshll.u32 s0, $0xA;
	s2 =	sadd.s32 s3, s2  }
0x8d: {  	s2 =	sadd.s32 s2, s17  }
0x8e: {  	[smem:$0x3FBD] =	sst s2  }
0x8f: {  	_ = 	snop  }
0x90: {  	s2 =	sld [smem:$0x3FD0];
	(tm) =	ssettm $0x1  }
0x91: {  	s18 =	sld [smem:$0x3FFB];
	_ =	sdelay $0x3  }
0x92: {  	_ =	strace s18  }
0x93: {  	s3 =	sld [smem:$0x3FFC];
	_ =	sdelay $0x3  }
0x94: {  	_ =	strace s3  }
0x95: {  	s3 =	sld [smem:$0x3FFD];
	_ =	sdelay $0x3  }
0x96: {  	_ =	strace s3  }
0x97: {  	_ =	strace $0x8FFFFFFF  }
0x98: {  	s19 =	sld [smem:$0x3FDB];
	_ =	sdelay $0x1  }
0x99: {  	s4 =	simm.s32 $_scs_section_size  }
0x9a: {  	s5 =	simm.s32 $_size__tile_overlayer_lowered;
	s6 =	simm.s32 $_tile_overlayer_lowered  }
0x9b: {  	s22 =	simm.s32 $0x1BFF;
	s21 =	sshll.u32 s6, $0x1;
	s3 =	sadd.s32 s4, s19  }
0x9c: {  	s7 =	simm.s32 $0x0;
	s20 =	sshll.u32 s5, $0x1;
	s5 =	sadd.s32 s21, s3  }
0x9d: {  	[timem:s7], [sflag:s22] =	dma.local [hbm:s5], s20  }
0x9e: {  	_ =	swait.ge [sflag:s22], s20  }
0x9f: {  	s4 =	ssub.s32 $0x0, s20;
	[sflag:s22] =	ssyncset.done $0x0  }
0xa0: {  	[sflag:s22] =	ssyncadd.s32 s4;
	_ =	sdelay $0x1  }
0xa1: {  	s23 =	simm.s32 $0x1B8B  }
0xa2: {  	_ =	swait.ge [sflag:s23], $0x1  }
0xa3: {  	[sflag:s23] =	ssyncset.done $0x0  }
0xa4: {  	s25 =	simm.s32 $0x1B8E;
	s24 =	sld [smem:$0x3FFE];
	[sflag:s23] =	ssyncadd.s32 $0xFFFFFFFF  }
0xa5: {  	s26 =	simm.s32 $execute0_lowered;
	[smem:$0x3FD2] =	sst s25  }
0xa6: {  	s5 =	sshll.u32 s26, $0x1;
	_ =	strace $0x80000046;
	[dreg:$0x1] =	wrdreg $0xFFFFFFFF  }
0xa7: {  	s28 =	simm.s32 $_size_execute0_lowered;
	s3 =	sadd.s32 s3, s5;
	[dreg:$0x0] =	wrdreg $0x0  }
0xa8: {  	s5 =	sshll.u32 s28, $0x1;
	[dreg:$0x2] =	wrdreg s3  }
0xa9: {  	[dreg:$0x3] =	wrdreg s5  }
0xaa: {  	[dreg:$0x4] =	wrdreg $0xC0  }
0xab: {  	_ =	task [dreg:s7], $0x5FFFF  }
0xac: {  	[dreg:$0x1] =	wrdreg $0xFFFFFFFF  }
0xad: {  	[dreg:$0x0] =	wrdreg $0x60  }
0xae: {  	[dreg:$0x2] =	wrdreg s24  }
0xaf: {  	[dreg:$0x3] =	wrdreg s2  }
0xb0: {  	[dreg:$0x4] =	wrdreg $0x9  }
0xb1: {  	_ =	task.clear_ibuf [dreg:s7], $0x5FFFF;
	_ =	strace $0x90000046  }
0xb2: {  	s29 =	simm.s32 $0x9;
	_ =	strace $0x80000048  }
0xb3: {  	_ =	swait.ge [sflag:s29], $0x1  }
0xb4: {  	[sflag:s29] =	ssyncadd.s32 $0xFFFFFFFF  }
0xb5: {  	_ =	strace $0x90000048  }
0xb6: {  	_ =	sfence  }
0xb7: {  	s30 =	sld [smem:$0x0];
	_ =	sdelay $0x2  }
0xb8: {  	s31 =	sshll.u32 s1, $0xD;
	s1 =	sshrl.u32 s1, $0x2  }
0xb9: {  	s3 =	sand.u32 $0x4000, s31;
	s1 =	sadd.s32 s1, s30  }
0xba: {  	s0 =	sor.u32 s3, s0;
	s1 =	sshll.u32 s1, $0x11  }
0xbb: {  	s0 =	sor.u32 s1, s0  }
0xbc: {  	s0 =	sadd.s32 $0x8F2B, s0  }
0xbd: {  	[sflag:s0] =	ssyncadd.remote.s32 $0x1  }
0xbe: {  	_ =	sfence.sel $0xFFFF  }
0xbf: {  	[dreg:$0x0] =	wrdreg $0xFFFFFFFF;
	(pc) =	sbr.abs _section_cstart, $3  }
0xc0: {  	[dreg:$0x1] =	wrdreg $0xFFFFFFFF  }
0xc1: {  	_ =	task.clear_ibuf [dreg:s7], $0x2FFFF;
	_ =	strace $0x9FFFFFFF  }
0xc2: {  	(tm) =	ssettm $0x7FFFFFFF  }
0xc3: {  	_ =	shalt  }
tec
execute0_lowered:
.L_overlay_start_1:
0x0: {  	(tag) =	ssettag $0x1  }
0x1: {  	s3 =	rddreg [dreg:$0x0]  }
0x2: {  	s4 =	rddreg [dreg:$0x1]  }
0x3: {  	s0 =	rddreg [dreg:$0x2]  }
0x4: {  	s5 =	srdreg.scid;
	s1 =	stileid.u32  }
0x5: {  	s2 =	simm.s32 $0x0;
	s9 =	simm.s32 $0x80000000;
	s10 =	simm.s32 $0x800  }
0x6: {  	s11 =	simm.s32 $0x0;
	s5 =	sand.u32 $0x1, s5;
	s6 =	sshll.u32 s1, $0x5  }
0x7: {  	s7 =	sshll.u32 s1, $0x8;
	[smem:$0x7FF] =	sst s2;
	s8 =	sshll.u32 s5, $0x4  }
0x8: {  	s6 =	sand.u32 $0x60, s6;
	s7 =	sand.u32 $0xC00, s7;
	s5 =	ssub.s32 $0x2, s5  }
0x9: {  	_ =	strace $0x80000047;
	s6 =	sor.u32 s8, s6;
	s31 =	sshrl.u32 s5, $0x1  }
0xa: {  	s8 =	simm.s32 $0x1;
	s6 =	sor.u32 s7, s6;
	s5 =	ssub.s32 s5, s31  }
0xb: {  	s7 =	simm.s32 $0x400;
	s3 =	sadd.s32 s6, s3;
	s4 =	sadd.s32 s4, s6  }
0xc: {  	v0 =	vimm.s32 $0x0;
	s5 =	smax.u32 s5, $0x1;
	s6 =	simm.s32 $0x80;
	s3 =	sadd.s32 $0x1000, s3  }
.LBB2_1:
0xd: {  	[tilespmem:s2], [sflag:$0x1] =	stream.strided.gather [hbm4b:s3+s6], $0x400, s7, s6, $0x38;
	[tilespmem:$0xC00] =	vst v63  }
0xe: {  	_ =	swait.ge [sflag:s8], $0x400  }
0xf: {  	[sflag:s8] =	ssyncset.done $0x0  }
0x10: {  	[sflag:s8] =	ssyncadd.s32 $0xFFFFFC00  }
0x11: {  	v1 =	vld [tilespmem:$0x0]  }
0x12: {  	v2 =	vld [tilespmem:$0x10]  }
0x13: {  	v3 =	vld [tilespmem:$0x20]  }
0x14: {  	v4 =	vld [tilespmem:$0x30]  }
0x15: {  	v6 =	vld [tilespmem:$0x50]  }
0x16: {  	v8 =	vld [tilespmem:$0x60]  }
0x17: {  	v11 =	vld [tilespmem:$0x90]  }
0x18: {  	v14 =	vld [tilespmem:$0xC0]  }
0x19: {  	v17 =	vld [tilespmem:$0xF0]  }
0x1a: {  	v20 =	vld [tilespmem:$0x120];
	vm0 =	vlt.s32 v1, $0x0;
	v5 =	vxor.u32 $0xFFFFFFFF, v1  }
0x1b: {  	v23 =	vld [tilespmem:$0x150];
	v1 =	vor.u32 $0x80000000, v1;
	vm15 =	vlt.s32 v2, $0x0;
	vm1 =	vlt.s32 v3, $0x0  }
0x1c: {  	v53 =	vld [tilespmem:$0x1E0];
	v7 =	vxor.u32 $0xFFFFFFFF, v3;
	v3 =	vor.u32 $0x80000000, v3;
	vm2 =	vlt.s32 v4, $0x0  }
0x1d: {  	v56 =	vld [tilespmem:$0x200];
	v9 =	vxor.u32 $0xFFFFFFFF, v4;
	v10 =	vor.u32 $0x80000000, v4;
	vm5 =	vlt.s32 v6, $0x0  }
0x1e: {  	v58 =	vld [tilespmem:$0x210];
	vm6 =	vlt.s32 v8, $0x0;
	v12 =	vxor.u32 $0xFFFFFFFF, v8;
	v13 =	vor.u32 $0x80000000, v8  }
0x1f: {  	vm9 =	vlt.s32 v11, $0x0;
	v15 =	vxor.u32 $0xFFFFFFFF, v11;
	v16 =	vor.u32 $0x80000000, v11  }
0x20: {  	vm12 =	vlt.s32 v14, $0x0;
	v18 =	vxor.u32 $0xFFFFFFFF, v14;
	v19 =	vor.u32 $0x80000000, v14  }
0x21: {  	v21 =	vxor.u32 $0xFFFFFFFF, v17;
	v22 =	vor.u32 $0x80000000, v17;
	v25 =	vor.u32 $0x80000000, v20  }
0x22: {  	v28 =	vor.u32 $0x80000000, v23;
	v59 =	vxor.u32 $0xFFFFFFFF, v53;
	v60 =	vor.u32 $0x80000000, v53  }
0x23: {  	v63 =	vxor.u32 $0xFFFFFFFF, v56;
	v52 =	vxor.u32 $0xFFFFFFFF, v58;
	v24 =	vsel vm0, v5, v1  }
0x24: {  	v5 =	vxor.u32 $0xFFFFFFFF, v2;
	v2 =	vor.u32 $0x80000000, v2;
	v4 =	vsel vm1, v7, v3  }
0x25: {  	v1 =	vld [tilespmem:$0x40];
	v3 =	vsel vm2, v9, v10;
	v10 =	vxor.u32 $0xFFFFFFFF, v6;
	v6 =	vor.u32 $0x80000000, v6  }
0x26: {  	v9 =	vld [tilespmem:$0x80];
	v29 =	vsel vm6, v12, v13;
	v32 =	vsel vm9, v15, v16;
	v34 =	vsel vm12, v18, v19  }
0x27: {  	v12 =	vld [tilespmem:$0xB0];
	vm6 =	vlt.s32 v20, $0x0;
	vm9 =	vlt.s32 v23, $0x0;
	v26 =	vsel vm15, v5, v2;
	[tilespmem:$0x1FFB0] =	vst v24  }
0x28: {  	v15 =	vld [tilespmem:$0xE0];
	v30 =	vsel vm5, v10, v6;
	vm15 =	vlt.s32 v17, $0x0;
	[tilespmem:$0x400] =	vst v24;
	v24 =	vxor.u32 $0xFFFFFFFF, v20  }
0x29: {  	v18 =	vld [tilespmem:$0x110];
	v37 =	vsel vm15, v21, v22;
	v40 =	vsel vm6, v24, v25;
	vm6 =	vlt.s32 v53, $0x0  }
0x2a: {  	v53 =	vor.u32 $0x80000000, v58;
	v50 =	vsel vm6, v59, v60;
	vm4 =	vlt.s32 v1, $0x0  }
0x2b: {  	v2 =	vld [tilespmem:$0x70];
	v7 =	vxor.u32 $0xFFFFFFFF, v1;
	v1 =	vor.u32 $0x80000000, v1;
	vm8 =	vlt.s32 v9, $0x0  }
0x2c: {  	v13 =	vxor.u32 $0xFFFFFFFF, v9;
	v9 =	vor.u32 $0x80000000, v9;
	vm11 =	vlt.s32 v12, $0x0  }
0x2d: {  	v21 =	vld [tilespmem:$0x140];
	v16 =	vxor.u32 $0xFFFFFFFF, v12;
	v12 =	vor.u32 $0x80000000, v12;
	vm14 =	vlt.s32 v15, $0x0  }
0x2e: {  	[tilespmem:$0x1FFC0] =	vst v26;
	v24 =	vld [tilespmem:$0x170];
	v19 =	vxor.u32 $0xFFFFFFFF, v15;
	v15 =	vor.u32 $0x80000000, v15;
	vm5 =	vlt.s32 v18, $0x0  }
0x2f: {  	[tilespmem:$0x410] =	vst v26;
	v26 =	vld [tilespmem:$0x180];
	v22 =	vxor.u32 $0xFFFFFFFF, v18;
	v18 =	vor.u32 $0x80000000, v18;
	v27 =	vsel vm4, v7, v1  }
0x30: {  	vm7 =	vlt.s32 v2, $0x0;
	v10 =	vxor.u32 $0xFFFFFFFF, v2;
	v2 =	vor.u32 $0x80000000, v2  }
0x31: {  	[tilespmem:$0x1FFD0] =	vst v4;
	v31 =	vsel vm8, v13, v9;
	v35 =	vsel vm11, v16, v12;
	v38 =	vsel vm14, v19, v15  }
0x32: {  	[tilespmem:$0x420] =	vst v4;
	v1 =	vld [tilespmem:$0xA0];
	v41 =	vsel vm5, v22, v18;
	v33 =	vsel vm7, v10, v2;
	vm8 =	vlt.s32 v21, $0x0  }
0x33: {  	v62 =	vld [tilespmem:$0x230];
	v25 =	vxor.u32 $0xFFFFFFFF, v21;
	v21 =	vor.u32 $0x80000000, v21;
	v11 =	vmovc v27;
	[tilespmem:$0x440] =	vst v27;
	v27 =	vxor.u32 $0xFFFFFFFF, v23  }
0x34: {  	[tilespmem:$0x1FFE0] =	vst v3;
	v2 =	vld [tilespmem:$0xD0];
	vm11 =	vlt.s32 v24, $0x0;
	vm12 =	vlt.s32 v26, $0x0;
	v4 =	vsel vm8, v25, v21  }
0x35: {  	[tilespmem:$0x430] =	vst v3;
	v3 =	vsel vm9, v27, v28;
	v28 =	vxor.u32 $0xFFFFFFFF, v24;
	v24 =	vor.u32 $0x80000000, v24  }
0x36: {  	v27 =	vld [tilespmem:$0x1A0];
	v14 =	vmovc v33;
	[tilespmem:$0x470] =	vst v33;
	vm8 =	vlt.s32 v56, $0x0;
	v33 =	vor.u32 $0x80000000, v56;
	vm9 =	vlt.s32 v58, $0x0  }
0x37: {  	[tilespmem:$0x460] =	vst v29;
	v9 =	vmovc v29;
	v29 =	vld [tilespmem:$0x1B0];
	vm10 =	vlt.s32 v1, $0x0;
	v13 =	vxor.u32 $0xFFFFFFFF, v1;
	v1 =	vor.u32 $0x80000000, v1  }
0x38: {  	[tilespmem:$0x450] =	vst v30;
	v56 =	vxor.u32 $0xFFFFFFFF, v62;
	v10 =	vmovc v30;
	v30 =	vxor.u32 $0xFFFFFFFF, v26;
	v36 =	vsel vm10, v13, v1;
	v1 =	vld [tilespmem:$0x100]  }
0x39: {  	[tilespmem:$0x490] =	vst v32;
	vm13 =	vlt.s32 v2, $0x0;
	v16 =	vxor.u32 $0xFFFFFFFF, v2;
	v2 =	vor.u32 $0x80000000, v2  }
0x3a: {  	[tilespmem:$0x480] =	vst v31;
	v12 =	vmovc v32;
	v45 =	vsel vm11, v28, v24;
	vm11 =	vlt.s32 v62, $0x0;
	v39 =	vsel vm13, v16, v2;
	v2 =	vld [tilespmem:$0x130]  }
0x3b: {  	v32 =	vld [tilespmem:$0x240];
	[tilespmem:$0x550] =	vst v3;
	v24 =	vmovc v3;
	v3 =	vsel vm9, v52, v53;
	vm14 =	vlt.s32 v27, $0x0;
	v13 =	vmovc v31;
	v31 =	vor.u32 $0x80000000, v26  }
0x3c: {  	vm15 =	vlt.s32 v29, $0x0;
	v54 =	vxor.u32 $0xFFFFFFFF, v29;
	v44 =	vsel vm12, v30, v31  }
0x3d: {  	v30 =	vld [tilespmem:$0x1D0];
	vm4 =	vlt.s32 v1, $0x0;
	v19 =	vxor.u32 $0xFFFFFFFF, v1;
	v1 =	vor.u32 $0x80000000, v1  }
0x3e: {  	v17 =	vmovc v36;
	[tilespmem:$0x4A0] =	vst v36;
	v55 =	vor.u32 $0x80000000, v29;
	v36 =	vor.u32 $0x80000000, v62;
	v42 =	vsel vm4, v19, v1;
	v1 =	vld [tilespmem:$0x160]  }
0x3f: {  	[tilespmem:$0x4C0] =	vst v34;
	vm7 =	vlt.s32 v2, $0x0;
	v22 =	vxor.u32 $0xFFFFFFFF, v2;
	v2 =	vor.u32 $0x80000000, v2  }
0x40: {  	[tilespmem:$0x4F0] =	vst v37;
	v58 =	vxor.u32 $0xFFFFFFFF, v32;
	v59 =	vor.u32 $0x80000000, v32;
	v43 =	vsel vm7, v22, v2;
	v2 =	vld [tilespmem:$0x190]  }
0x41: {  	[tilespmem:$0x520] =	vst v40;
	v18 =	vmovc v37;
	v47 =	vsel vm15, v54, v55;
	v37 =	vsel vm11, v56, v36;
	v31 =	vxor.u32 $0xFFFFFFFF, v27  }
0x42: {  	[tilespmem:$0x5E0] =	vst v50;
	v55 =	vld [tilespmem:$0x260];
	vm5 =	vlt.s32 v30, $0x0;
	v57 =	vxor.u32 $0xFFFFFFFF, v30;
	v30 =	vor.u32 $0x80000000, v30  }
0x43: {  	[tilespmem:$0x4B0] =	vst v35;
	v56 =	vld [tilespmem:$0x2D0];
	vm10 =	vlt.s32 v1, $0x0;
	v25 =	vxor.u32 $0xFFFFFFFF, v1;
	v1 =	vor.u32 $0x80000000, v1  }
0x44: {  	[tilespmem:$0x4E0] =	vst v38;
	v27 =	vor.u32 $0x80000000, v27;
	v51 =	vsel vm5, v57, v30;
	v46 =	vsel vm10, v25, v1;
	v1 =	vld [tilespmem:$0x1C0]  }
0x45: {  	[tilespmem:$0x510] =	vst v41;
	v57 =	vld [tilespmem:$0x270];
	vm13 =	vlt.s32 v2, $0x0;
	v28 =	vxor.u32 $0xFFFFFFFF, v2;
	v2 =	vor.u32 $0x80000000, v2  }
0x46: {  	[tilespmem:$0x540] =	vst v4;
	vm12 =	vlt.s32 v32, $0x0;
	v48 =	vsel vm14, v31, v27;
	v49 =	vsel vm13, v28, v2;
	v2 =	vld [tilespmem:$0x1F0]  }
0x47: {  	[tilespmem:$0x570] =	vst v45;
	v36 =	vsel vm12, v58, v59;
	vm14 =	vlt.s32 v55, $0x0;
	v62 =	vxor.u32 $0xFFFFFFFF, v55  }
0x48: {  	v20 =	vmovc v39;
	[tilespmem:$0x4D0] =	vst v39;
	v39 =	vor.u32 $0x80000000, v55;
	vm9 =	vlt.s32 v56, $0x0;
	v25 =	vmovc v4;
	v4 =	vsel vm8, v63, v33  }
0x49: {  	[tilespmem:$0x610] =	vst v3;
	v63 =	vld [tilespmem:$0x2A0];
	vm4 =	vlt.s32 v1, $0x0;
	v31 =	vxor.u32 $0xFFFFFFFF, v1;
	v1 =	vor.u32 $0x80000000, v1  }
0x4a: {  	v21 =	vmovc v40;
	[tilespmem:$0x5B0] =	vst v47;
	v40 =	vsel vm14, v62, v39;
	vm15 =	vlt.s32 v57, $0x0;
	v5 =	vsel vm4, v31, v1;
	v1 =	vld [tilespmem:$0x220]  }
0x4b: {  	[tilespmem:$0x630] =	vst v37;
	vm7 =	vlt.s32 v2, $0x0;
	v61 =	vxor.u32 $0xFFFFFFFF, v2;
	v2 =	vor.u32 $0x80000000, v2  }
0x4c: {  	v32 =	vmovc v49;
	[tilespmem:$0x590] =	vst v49;
	v49 =	vxor.u32 $0xFFFFFFFF, v57;
	v52 =	vor.u32 $0x80000000, v57;
	v6 =	vsel vm7, v61, v2;
	v2 =	vld [tilespmem:$0x250]  }
0x4d: {  	[tilespmem:$0x580] =	vst v44;
	v57 =	vxor.u32 $0xFFFFFFFF, v56;
	v39 =	vsel vm15, v49, v52;
	v52 =	vor.u32 $0x80000000, v56;
	v61 =	vld [tilespmem:$0x290]  }
0x4e: {  	[tilespmem:$0x5A0] =	vst v48;
	vm6 =	vlt.s32 v63, $0x0;
	v58 =	vxor.u32 $0xFFFFFFFF, v63;
	v59 =	vor.u32 $0x80000000, v63;
	v63 =	vld [tilespmem:$0x300]  }
0x4f: {  	[tilespmem:$0x640] =	vst v36;
	v56 =	vld [tilespmem:$0x360];
	vm10 =	vlt.s32 v1, $0x0;
	v54 =	vxor.u32 $0xFFFFFFFF, v1;
	v1 =	vor.u32 $0x80000000, v1  }
0x50: {  	[tilespmem:$0x500] =	vst v42;
	v19 =	vmov v38;
	v38 =	vsel vm10, v54, v1;
	v1 =	vld [tilespmem:$0x280]  }
0x51: {  	[tilespmem:$0x530] =	vst v43;
	vm13 =	vlt.s32 v2, $0x0;
	v60 =	vxor.u32 $0xFFFFFFFF, v2;
	v2 =	vor.u32 $0x80000000, v2;
	v54 =	vld [tilespmem:$0x2C0]  }
0x52: {  	v23 =	vmovc v42;
	[tilespmem:$0x660] =	vst v40;
	vm5 =	vlt.s32 v61, $0x0;
	v55 =	vxor.u32 $0xFFFFFFFF, v61;
	v42 =	vor.u32 $0x80000000, v61;
	v61 =	vld [tilespmem:$0x2F0]  }
0x53: {  	v22 =	vmov v41;
	[tilespmem:$0x5D0] =	vst v51;
	vm12 =	vlt.s32 v63, $0x0;
	v41 =	vsel vm13, v60, v2;
	v2 =	vld [tilespmem:$0x2B0]  }
0x54: {  	v26 =	vmovc v43;
	[tilespmem:$0x560] =	vst v46;
	v43 =	vsel vm5, v55, v42;
	v42 =	vsel vm6, v58, v59;
	v55 =	vor.u32 $0x80000000, v63  }
0x55: {  	[tilespmem:$0x600] =	vst v4;
	v59 =	vld [tilespmem:$0x320];
	vm6 =	vlt.s32 v56, $0x0;
	vm4 =	vlt.s32 v1, $0x0;
	v53 =	vxor.u32 $0xFFFFFFFF, v1  }
0x56: {  	[tilespmem:$0x670] =	vst v39;
	v1 =	vor.u32 $0x80000000, v1;
	vm8 =	vlt.s32 v54, $0x0;
	v62 =	vxor.u32 $0xFFFFFFFF, v54  }
0x57: {  	v28 =	vmovc v45;
	[tilespmem:$0x5C0] =	vst v5;
	v31 =	vmovc v48;
	v45 =	vor.u32 $0x80000000, v54;
	vm11 =	vlt.s32 v61, $0x0;
	v48 =	vor.u32 $0x80000000, v61  }
0x58: {  	v27 =	vmovc v44;
	[tilespmem:$0x5F0] =	vst v6;
	v54 =	vxor.u32 $0xFFFFFFFF, v63;
	v44 =	vsel vm4, v53, v1;
	v1 =	vld [tilespmem:$0x2E0];
	vm7 =	vlt.s32 v2, $0x0  }
0x59: {  	v29 =	vmovc v46;
	[tilespmem:$0x620] =	vst v38;
	v60 =	vxor.u32 $0xFFFFFFFF, v2;
	v2 =	vor.u32 $0x80000000, v2;
	v46 =	vsel vm8, v62, v45;
	v53 =	vld [tilespmem:$0x330]  }
0x5a: {  	v30 =	vmovc v47;
	[tilespmem:$0x650] =	vst v41;
	v45 =	vsel vm9, v57, v52;
	vm14 =	vlt.s32 v59, $0x0;
	v47 =	vsel vm7, v60, v2;
	v2 =	vld [tilespmem:$0x310]  }
0x5b: {  	v8 =	vmovc v5;
	v5 =	vmovc v51;
	[tilespmem:$0x690] =	vst v43;
	v63 =	vxor.u32 $0xFFFFFFFF, v59;
	v51 =	vor.u32 $0x80000000, v59;
	v60 =	vxor.u32 $0xFFFFFFFF, v61  }
0x5c: {  	[tilespmem:$0x6A0] =	vst v42;
	v62 =	vld [tilespmem:$0x350];
	v52 =	vsel vm14, v63, v51;
	v49 =	vsel vm11, v60, v48;
	v48 =	vsel vm12, v54, v55  }
0x5d: {  	v59 =	vld [tilespmem:$0x390];
	[tilespmem:$0x680] =	vst v44;
	vm10 =	vlt.s32 v1, $0x0;
	v58 =	vxor.u32 $0xFFFFFFFF, v1;
	v1 =	vor.u32 $0x80000000, v1  }
0x5e: {  	v33 =	vmovc v50;
	[tilespmem:$0x6C0] =	vst v46;
	v60 =	vxor.u32 $0xFFFFFFFF, v56;
	vm15 =	vlt.s32 v53, $0x0;
	v50 =	vsel vm10, v58, v1;
	v1 =	vld [tilespmem:$0x340]  }
0x5f: {  	[tilespmem:$0x6D0] =	vst v45;
	vm13 =	vlt.s32 v2, $0x0;
	v61 =	vxor.u32 $0xFFFFFFFF, v2;
	v2 =	vor.u32 $0x80000000, v2  }
0x60: {  	[tilespmem:$0x6B0] =	vst v47;
	v57 =	vxor.u32 $0xFFFFFFFF, v53;
	v58 =	vor.u32 $0x80000000, v53;
	v53 =	vsel vm13, v61, v2;
	v2 =	vld [tilespmem:$0x370]  }
0x61: {  	[tilespmem:$0x720] =	vst v52;
	vm5 =	vlt.s32 v62, $0x0;
	v54 =	vor.u32 $0x80000000, v62;
	v51 =	vsel vm15, v57, v58;
	v57 =	vld [tilespmem:$0x380]  }
0x62: {  	[tilespmem:$0x6F0] =	vst v49;
	vm9 =	vlt.s32 v59, $0x0;
	v58 =	vxor.u32 $0xFFFFFFFF, v62;
	v61 =	vor.u32 $0x80000000, v56;
	v62 =	vld [tilespmem:$0x3C0]  }
0x63: {  	[tilespmem:$0x700] =	vst v48;
	vm4 =	vlt.s32 v1, $0x0;
	v55 =	vxor.u32 $0xFFFFFFFF, v1;
	v1 =	vor.u32 $0x80000000, v1  }
0x64: {  	[tilespmem:$0x6E0] =	vst v50;
	v56 =	vsel vm4, v55, v1;
	v55 =	vsel vm5, v58, v54;
	v54 =	vsel vm6, v60, v61;
	v61 =	vld [tilespmem:$0x3A0]  }
0x65: {  	v15 =	vmovc v34;
	v34 =	vmovc v3;
	v63 =	vxor.u32 $0xFFFFFFFF, v59;
	[tilespmem:$0x710] =	vst v53;
	vm7 =	vlt.s32 v2, $0x0;
	v3 =	vxor.u32 $0xFFFFFFFF, v2;
	v60 =	vld [tilespmem:$0x3B0]  }
0x66: {  	[tilespmem:$0x730] =	vst v51;
	v58 =	vor.u32 $0x80000000, v2;
	vm8 =	vlt.s32 v57, $0x0;
	v1 =	vxor.u32 $0xFFFFFFFF, v57  }
0x67: {  	v57 =	vor.u32 $0x80000000, v57;
	v2 =	vor.u32 $0x80000000, v59;
	vm12 =	vlt.s32 v62, $0x0;
	[tilespmem:$0x740] =	vst v56  }
0x68: {  	[tilespmem:$0x750] =	vst v55;
	v59 =	vsel vm7, v3, v58;
	v58 =	vsel vm8, v1, v57;
	v57 =	vsel vm9, v63, v2;
	v1 =	vld [tilespmem:$0x3D0]  }
0x69: {  	v16 =	vmovc v35;
	[tilespmem:$0x760] =	vst v54;
	v63 =	vld [tilespmem:$0x3E0];
	v2 =	vxor.u32 $0xFFFFFFFF, v62;
	vm10 =	vlt.s32 v61, $0x0;
	v3 =	vxor.u32 $0xFFFFFFFF, v61  }
0x6a: {  	v35 =	vmovc v4;
	v7 =	vmovc v6;
	[tilespmem:$0x1FFF0] =	vst v2;
	v2 =	vld [tilespmem:$0x3F0];
	v4 =	vor.u32 $0x80000000, v61;
	vm11 =	vlt.s32 v60, $0x0;
	v6 =	vxor.u32 $0xFFFFFFFF, v60  }
0x6b: {  	[tilespmem:$0x770] =	vst v59;
	v61 =	vor.u32 $0x80000000, v60;
	v60 =	vor.u32 $0x80000000, v62;
	v62 =	vsel vm10, v3, v4;
	v3 =	vld [tilespmem:$0x1FFF0]  }
0x6c: {  	[tilespmem:$0x780] =	vst v58  }
0x6d: {  	[tilespmem:$0x790] =	vst v57;
	v61 =	vsel vm11, v6, v61  }
0x6e: {  	vm14 =	vlt.s32 v63, $0x0;
	v4 =	vxor.u32 $0xFFFFFFFF, v63;
	v63 =	vor.u32 $0x80000000, v63;
	[tilespmem:$0x7A0] =	vst v62  }
0x6f: {  	vm13 =	vlt.s32 v1, $0x0;
	[tilespmem:$0x7B0] =	vst v61;
	v63 =	vsel vm14, v4, v63;
	vm15 =	vlt.s32 v2, $0x0  }
0x70: {  	[tilespmem:$0x7E0] =	vst v63;
	v60 =	vsel vm12, v3, v60;
	v3 =	vxor.u32 $0xFFFFFFFF, v1;
	v1 =	vor.u32 $0x80000000, v1  }
0x71: {  	v1 =	vsel vm13, v3, v1;
	[tilespmem:$0x7C0] =	vst v60;
	v3 =	vxor.u32 $0xFFFFFFFF, v2;
	v2 =	vor.u32 $0x80000000, v2  }
0x72: {  	[tilespmem:$0x7D0] =	vst v1;
	v2 =	vsel vm15, v3, v2  }
0x73: {  	s15 =	simm.s32 $0x80000000;
	s13 =	simm.s32 $0x1;
	s12 =	simm.s32 $0x0;
	[tilespmem:$0x7F0] =	vst v2  }
.LBB2_2:
0x74: {  	v3 =	vld [tilespmem:$0x1FFB0];
	_ =	sdelay $0x1  }
0x75: {  	v6 =	vld [tilespmem:$0x1FFD0];
	_ =	sdelay $0x1  }
0x76: {  	s14 =	sor.u32 s15, s12  }
0x77: {  	vm0 =	vge.u32 v3, s14;
	v3 =	vld [tilespmem:$0x1FFC0];
	_ =	sdelay $0x1  }
0x78: {  	vm14 =	vge.u32 v6, s14;
	v6 =	vld [tilespmem:$0x1FFE0];
	_ =	sdelay $0x2  }
0x79: {  	vm1 =	vge.u32 v3, s14  }
0x7a: {  	v3 =	vsel vm0, $0x1, v0;
	v4 =	vsel vm1, $0x1, v0  }
0x7b: {  	vm15 =	vge.u32 v6, s14;
	v3 =	vadd.s32 v4, v3;
	v4 =	vsel vm14, $0x1, v0  }
0x7c: {  	vm4 =	vge.u32 v11, s14;
	v3 =	vadd.s32 v4, v3;
	v4 =	vsel vm15, $0x1, v0  }
0x7d: {  	vm5 =	vge.u32 v10, s14;
	v3 =	vadd.s32 v4, v3;
	v4 =	vsel vm4, $0x1, v0  }
0x7e: {  	vm6 =	vge.u32 v9, s14;
	v3 =	vadd.s32 v4, v3;
	v4 =	vsel vm5, $0x1, v0  }
0x7f: {  	vm7 =	vge.u32 v14, s14;
	v3 =	vadd.s32 v4, v3;
	v4 =	vsel vm6, $0x1, v0  }
0x80: {  	vm8 =	vge.u32 v13, s14;
	v3 =	vadd.s32 v4, v3;
	v4 =	vsel vm7, $0x1, v0  }
0x81: {  	vm9 =	vge.u32 v12, s14;
	v3 =	vadd.s32 v4, v3;
	v4 =	vsel vm8, $0x1, v0  }
0x82: {  	vm10 =	vge.u32 v17, s14;
	v3 =	vadd.s32 v4, v3;
	v4 =	vsel vm9, $0x1, v0  }
0x83: {  	vm11 =	vge.u32 v16, s14;
	v3 =	vadd.s32 v4, v3;
	v4 =	vsel vm10, $0x1, v0  }
0x84: {  	vm12 =	vge.u32 v15, s14;
	v3 =	vadd.s32 v4, v3;
	v4 =	vsel vm11, $0x1, v0  }
0x85: {  	vm13 =	vge.u32 v20, s14;
	v3 =	vadd.s32 v4, v3;
	v4 =	vsel vm12, $0x1, v0  }
0x86: {  	vm14 =	vge.u32 v19, s14;
	v3 =	vadd.s32 v4, v3;
	v4 =	vsel vm13, $0x1, v0  }
0x87: {  	vm15 =	vge.u32 v18, s14;
	v3 =	vadd.s32 v4, v3;
	v4 =	vsel vm14, $0x1, v0  }
0x88: {  	vm4 =	vge.u32 v23, s14;
	v3 =	vadd.s32 v4, v3;
	v4 =	vsel vm15, $0x1, v0  }
0x89: {  	vm5 =	vge.u32 v22, s14;
	v3 =	vadd.s32 v4, v3;
	v4 =	vsel vm4, $0x1, v0  }
0x8a: {  	vm6 =	vge.u32 v21, s14;
	v3 =	vadd.s32 v4, v3;
	v4 =	vsel vm5, $0x1, v0  }
0x8b: {  	vm7 =	vge.u32 v26, s14;
	v3 =	vadd.s32 v4, v3;
	v4 =	vsel vm6, $0x1, v0  }
0x8c: {  	vm8 =	vge.u32 v25, s14;
	v3 =	vadd.s32 v4, v3;
	v4 =	vsel vm7, $0x1, v0  }
0x8d: {  	vm9 =	vge.u32 v24, s14;
	v3 =	vadd.s32 v4, v3;
	v4 =	vsel vm8, $0x1, v0  }
0x8e: {  	vm10 =	vge.u32 v29, s14;
	v3 =	vadd.s32 v4, v3;
	v4 =	vsel vm9, $0x1, v0  }
0x8f: {  	vm11 =	vge.u32 v28, s14;
	v3 =	vadd.s32 v4, v3;
	v4 =	vsel vm10, $0x1, v0  }
0x90: {  	vm12 =	vge.u32 v27, s14;
	v3 =	vadd.s32 v4, v3;
	v4 =	vsel vm11, $0x1, v0  }
0x91: {  	vm13 =	vge.u32 v32, s14;
	v3 =	vadd.s32 v4, v3;
	v4 =	vsel vm12, $0x1, v0  }
0x92: {  	vm14 =	vge.u32 v31, s14;
	v3 =	vadd.s32 v4, v3;
	v4 =	vsel vm13, $0x1, v0  }
0x93: {  	vm15 =	vge.u32 v30, s14;
	v3 =	vadd.s32 v4, v3;
	v4 =	vsel vm14, $0x1, v0  }
0x94: {  	vm4 =	vge.u32 v8, s14;
	v3 =	vadd.s32 v4, v3;
	v4 =	vsel vm15, $0x1, v0  }
0x95: {  	vm5 =	vge.u32 v5, s14;
	v3 =	vadd.s32 v4, v3;
	v4 =	vsel vm4, $0x1, v0  }
0x96: {  	vm6 =	vge.u32 v33, s14;
	v3 =	vadd.s32 v4, v3;
	v4 =	vsel vm5, $0x1, v0  }
0x97: {  	vm7 =	vge.u32 v7, s14;
	v3 =	vadd.s32 v4, v3;
	v4 =	vsel vm6, $0x1, v0  }
0x98: {  	vm8 =	vge.u32 v35, s14;
	v3 =	vadd.s32 v4, v3;
	v4 =	vsel vm7, $0x1, v0  }
0x99: {  	vm9 =	vge.u32 v34, s14;
	v3 =	vadd.s32 v4, v3;
	v4 =	vsel vm8, $0x1, v0  }
0x9a: {  	vm10 =	vge.u32 v38, s14;
	v3 =	vadd.s32 v4, v3;
	v4 =	vsel vm9, $0x1, v0  }
0x9b: {  	vm11 =	vge.u32 v37, s14;
	v3 =	vadd.s32 v4, v3;
	v4 =	vsel vm10, $0x1, v0  }
0x9c: {  	vm12 =	vge.u32 v36, s14;
	v3 =	vadd.s32 v4, v3;
	v4 =	vsel vm11, $0x1, v0  }
0x9d: {  	vm13 =	vge.u32 v41, s14;
	v3 =	vadd.s32 v4, v3;
	v4 =	vsel vm12, $0x1, v0  }
0x9e: {  	vm14 =	vge.u32 v40, s14;
	v3 =	vadd.s32 v4, v3;
	v4 =	vsel vm13, $0x1, v0  }
0x9f: {  	vm15 =	vge.u32 v39, s14;
	v3 =	vadd.s32 v4, v3;
	v4 =	vsel vm14, $0x1, v0  }
0xa0: {  	vm4 =	vge.u32 v44, s14;
	v3 =	vadd.s32 v4, v3;
	v4 =	vsel vm15, $0x1, v0  }
0xa1: {  	vm5 =	vge.u32 v43, s14;
	v3 =	vadd.s32 v4, v3;
	v4 =	vsel vm4, $0x1, v0  }
0xa2: {  	vm6 =	vge.u32 v42, s14;
	v3 =	vadd.s32 v4, v3;
	v4 =	vsel vm5, $0x1, v0  }
0xa3: {  	vm7 =	vge.u32 v47, s14;
	v3 =	vadd.s32 v4, v3;
	v4 =	vsel vm6, $0x1, v0  }
0xa4: {  	vm8 =	vge.u32 v46, s14;
	v3 =	vadd.s32 v4, v3;
	v4 =	vsel vm7, $0x1, v0  }
0xa5: {  	vm9 =	vge.u32 v45, s14;
	v3 =	vadd.s32 v4, v3;
	v4 =	vsel vm8, $0x1, v0  }
0xa6: {  	vm10 =	vge.u32 v50, s14;
	v3 =	vadd.s32 v4, v3;
	v4 =	vsel vm9, $0x1, v0  }
0xa7: {  	vm11 =	vge.u32 v49, s14;
	v3 =	vadd.s32 v4, v3;
	v4 =	vsel vm10, $0x1, v0  }
0xa8: {  	vm12 =	vge.u32 v48, s14;
	v3 =	vadd.s32 v4, v3;
	v4 =	vsel vm11, $0x1, v0  }
0xa9: {  	vm13 =	vge.u32 v53, s14;
	v3 =	vadd.s32 v4, v3;
	v4 =	vsel vm12, $0x1, v0  }
0xaa: {  	vm14 =	vge.u32 v52, s14;
	v3 =	vadd.s32 v4, v3;
	v4 =	vsel vm13, $0x1, v0  }
0xab: {  	vm15 =	vge.u32 v51, s14;
	v3 =	vadd.s32 v4, v3;
	v4 =	vsel vm14, $0x1, v0  }
0xac: {  	vm4 =	vge.u32 v56, s14;
	v3 =	vadd.s32 v4, v3;
	v4 =	vsel vm15, $0x1, v0  }
0xad: {  	vm5 =	vge.u32 v55, s14;
	v3 =	vadd.s32 v4, v3;
	v4 =	vsel vm4, $0x1, v0  }
0xae: {  	vm6 =	vge.u32 v54, s14;
	v3 =	vadd.s32 v4, v3;
	v4 =	vsel vm5, $0x1, v0  }
0xaf: {  	vm7 =	vge.u32 v59, s14;
	v3 =	vadd.s32 v4, v3;
	v4 =	vsel vm6, $0x1, v0  }
0xb0: {  	vm8 =	vge.u32 v58, s14;
	v3 =	vadd.s32 v4, v3;
	v4 =	vsel vm7, $0x1, v0  }
0xb1: {  	vm9 =	vge.u32 v57, s14;
	v3 =	vadd.s32 v4, v3;
	v4 =	vsel vm8, $0x1, v0  }
0xb2: {  	vm10 =	vge.u32 v62, s14;
	v3 =	vadd.s32 v4, v3;
	v4 =	vsel vm9, $0x1, v0  }
0xb3: {  	vm11 =	vge.u32 v61, s14;
	v3 =	vadd.s32 v4, v3;
	v4 =	vsel vm10, $0x1, v0  }
0xb4: {  	vm12 =	vge.u32 v60, s14;
	v3 =	vadd.s32 v4, v3;
	v4 =	vsel vm11, $0x1, v0  }
0xb5: {  	vm13 =	vge.u32 v1, s14;
	v3 =	vadd.s32 v4, v3;
	v4 =	vsel vm12, $0x1, v0  }
0xb6: {  	vm14 =	vge.u32 v63, s14;
	v3 =	vadd.s32 v4, v3;
	v4 =	vsel vm13, $0x1, v0  }
0xb7: {  	vm15 =	vge.u32 v2, s14;
	v3 =	vadd.s32 v4, v3;
	v4 =	vsel vm14, $0x1, v0  }
0xb8: {  	v3 =	vadd.s32 v4, v3;
	v4 =	vsel vm15, $0x1, v0  }
0xb9: {  	v3 =	vadd.s32 v4, v3  }
0xba: {  	(xrf0) =	vadd.scan.msk.s32 $0xffff, v3;
	_ =	sdelay $0x5  }
0xbb: {  	v3, _, _ =	vpop (xrf0)  }
0xbc: {  	(v2sf) =	vpush v3, $0xF;
	_ =	sdelay $0xb  }
0xbd: {  	p0 =	sne.s32 s13, $0x1F  }
.Ltmp0:
0xbe: {  	_ = 	snop;
	(pc) =	sbr.rel @p0 .LBB2_2-.Ltmp0, $4  }
0xbf: {  	_ = 	snop  }
0xc0: {  	s31 =	spop (v2sf)  }
0xc1: {  	p1 =	sgt.s32 s31, $0x132  }
0xc2: {  	s15 =	sshrl.u32 s9, s13;
	s13 =	sadd.s32 $0x1, s13;
	s12 =	smov.u32 @p1 s14  }
0xc3: {  	v6 =	vld [tilespmem:$0x1FFB0]  }
0xc4: {  	v3 =	vld [tilespmem:$0x1FFC0]  }
0xc5: {  	v4 =	vld [tilespmem:$0x1FFD0];
	_ =	sdelay $0x2  }
0xc6: {  	s13 =	sor.u32 s15, s12  }
0xc7: {  	vm0 =	vge.u32 v6, s13;
	vm1 =	vge.u32 v3, s13  }
0xc8: {  	vm10 =	vge.u32 v4, s13;
	v3 =	vsel vm0, $0x1, v0;
	v4 =	vsel vm1, $0x1, v0  }
0xc9: {  	v3 =	vadd.s32 v4, v3;
	v4 =	vld [tilespmem:$0x1FFE0];
	_ =	sdelay $0x4  }
0xca: {  	vm11 =	vge.u32 v4, s13;
	v4 =	vsel vm10, $0x1, v0  }
0xcb: {  	vm12 =	vge.u32 v11, s13;
	v3 =	vadd.s32 v4, v3;
	v11 =	vsel vm11, $0x1, v0  }
0xcc: {  	vm13 =	vge.u32 v10, s13;
	v10 =	vsel vm12, $0x1, v0;
	v3 =	vadd.s32 v11, v3  }
0xcd: {  	vm14 =	vge.u32 v9, s13;
	v11 =	vsel vm13, $0x1, v0;
	v3 =	vadd.s32 v10, v3  }
0xce: {  	vm15 =	vge.u32 v14, s13;
	v14 =	vsel vm14, $0x1, v0;
	v3 =	vadd.s32 v11, v3  }
0xcf: {  	vm4 =	vge.u32 v13, s13;
	v9 =	vsel vm15, $0x1, v0;
	v3 =	vadd.s32 v14, v3  }
0xd0: {  	vm5 =	vge.u32 v12, s13;
	v10 =	vsel vm4, $0x1, v0;
	v3 =	vadd.s32 v9, v3  }
0xd1: {  	vm6 =	vge.u32 v17, s13;
	v11 =	vsel vm5, $0x1, v0;
	v3 =	vadd.s32 v10, v3  }
0xd2: {  	vm7 =	vge.u32 v16, s13;
	v12 =	vsel vm6, $0x1, v0;
	v3 =	vadd.s32 v11, v3  }
0xd3: {  	vm8 =	vge.u32 v15, s13;
	v13 =	vsel vm7, $0x1, v0;
	v3 =	vadd.s32 v12, v3  }
0xd4: {  	vm9 =	vge.u32 v20, s13;
	v14 =	vsel vm8, $0x1, v0;
	v3 =	vadd.s32 v13, v3  }
0xd5: {  	v15 =	vsel vm9, $0x1, v0;
	vm10 =	vge.u32 v19, s13;
	v3 =	vadd.s32 v14, v3  }
0xd6: {  	vm11 =	vge.u32 v18, s13;
	v16 =	vsel vm10, $0x1, v0;
	v3 =	vadd.s32 v15, v3  }
0xd7: {  	vm12 =	vge.u32 v23, s13;
	v17 =	vsel vm11, $0x1, v0;
	v3 =	vadd.s32 v16, v3  }
0xd8: {  	v18 =	vsel vm12, $0x1, v0;
	vm13 =	vge.u32 v22, s13;
	v3 =	vadd.s32 v17, v3  }
0xd9: {  	vm14 =	vge.u32 v21, s13;
	v19 =	vsel vm13, $0x1, v0;
	v3 =	vadd.s32 v18, v3  }
0xda: {  	vm15 =	vge.u32 v26, s13;
	v20 =	vsel vm14, $0x1, v0;
	v3 =	vadd.s32 v19, v3  }
0xdb: {  	v21 =	vsel vm15, $0x1, v0;
	vm4 =	vge.u32 v25, s13;
	v3 =	vadd.s32 v20, v3  }
0xdc: {  	vm5 =	vge.u32 v24, s13;
	v22 =	vsel vm4, $0x1, v0;
	v3 =	vadd.s32 v21, v3  }
0xdd: {  	vm6 =	vge.u32 v29, s13;
	v23 =	vsel vm5, $0x1, v0;
	v3 =	vadd.s32 v22, v3  }
0xde: {  	vm7 =	vge.u32 v28, s13;
	v24 =	vsel vm6, $0x1, v0;
	v3 =	vadd.s32 v23, v3  }
0xdf: {  	v25 =	vsel vm7, $0x1, v0;
	vm8 =	vge.u32 v27, s13;
	v3 =	vadd.s32 v24, v3  }
0xe0: {  	vm9 =	vge.u32 v32, s13;
	v26 =	vsel vm8, $0x1, v0;
	v3 =	vadd.s32 v25, v3  }
0xe1: {  	vm10 =	vge.u32 v31, s13;
	v27 =	vsel vm9, $0x1, v0;
	v3 =	vadd.s32 v26, v3  }
0xe2: {  	vm11 =	vge.u32 v30, s13;
	v28 =	vsel vm10, $0x1, v0;
	v3 =	vadd.s32 v27, v3  }
0xe3: {  	vm12 =	vge.u32 v8, s13;
	v29 =	vsel vm11, $0x1, v0;
	v3 =	vadd.s32 v28, v3  }
0xe4: {  	v30 =	vsel vm12, $0x1, v0;
	vm13 =	vge.u32 v5, s13;
	v3 =	vadd.s32 v29, v3  }
0xe5: {  	vm14 =	vge.u32 v33, s13;
	v31 =	vsel vm13, $0x1, v0;
	v3 =	vadd.s32 v30, v3  }
0xe6: {  	vm15 =	vge.u32 v7, s13;
	v32 =	vsel vm14, $0x1, v0;
	v3 =	vadd.s32 v31, v3  }
0xe7: {  	v33 =	vsel vm15, $0x1, v0;
	vm4 =	vge.u32 v35, s13;
	v3 =	vadd.s32 v32, v3  }
0xe8: {  	vm5 =	vge.u32 v34, s13;
	v35 =	vsel vm4, $0x1, v0;
	v3 =	vadd.s32 v33, v3  }
0xe9: {  	vm6 =	vge.u32 v38, s13;
	v8 =	vsel vm5, $0x1, v0;
	v3 =	vadd.s32 v35, v3  }
0xea: {  	vm7 =	vge.u32 v37, s13;
	v9 =	vsel vm6, $0x1, v0;
	v3 =	vadd.s32 v8, v3  }
0xeb: {  	vm8 =	vge.u32 v36, s13;
	v10 =	vsel vm7, $0x1, v0;
	v3 =	vadd.s32 v9, v3  }
0xec: {  	vm9 =	vge.u32 v41, s13;
	v11 =	vsel vm8, $0x1, v0;
	v3 =	vadd.s32 v10, v3  }
0xed: {  	vm10 =	vge.u32 v40, s13;
	v12 =	vsel vm9, $0x1, v0;
	v3 =	vadd.s32 v11, v3  }
0xee: {  	vm11 =	vge.u32 v39, s13;
	v13 =	vsel vm10, $0x1, v0;
	v3 =	vadd.s32 v12, v3  }
0xef: {  	vm12 =	vge.u32 v44, s13;
	v14 =	vsel vm11, $0x1, v0;
	v3 =	vadd.s32 v13, v3  }
0xf0: {  	vm13 =	vge.u32 v43, s13;
	v15 =	vsel vm12, $0x1, v0;
	v3 =	vadd.s32 v14, v3  }
0xf1: {  	vm14 =	vge.u32 v42, s13;
	v16 =	vsel vm13, $0x1, v0;
	v3 =	vadd.s32 v15, v3  }
0xf2: {  	vm15 =	vge.u32 v47, s13;
	v17 =	vsel vm14, $0x1, v0;
	v3 =	vadd.s32 v16, v3  }
0xf3: {  	vm4 =	vge.u32 v46, s13;
	v18 =	vsel vm15, $0x1, v0;
	v3 =	vadd.s32 v17, v3  }
0xf4: {  	vm5 =	vge.u32 v45, s13;
	v19 =	vsel vm4, $0x1, v0;
	v3 =	vadd.s32 v18, v3  }
0xf5: {  	vm6 =	vge.u32 v50, s13;
	v20 =	vsel vm5, $0x1, v0;
	v3 =	vadd.s32 v19, v3  }
0xf6: {  	vm7 =	vge.u32 v49, s13;
	v21 =	vsel vm6, $0x1, v0;
	v3 =	vadd.s32 v20, v3  }
0xf7: {  	vm8 =	vge.u32 v48, s13;
	v22 =	vsel vm7, $0x1, v0;
	v3 =	vadd.s32 v21, v3  }
0xf8: {  	vm9 =	vge.u32 v53, s13;
	v23 =	vsel vm8, $0x1, v0;
	v3 =	vadd.s32 v22, v3  }
0xf9: {  	vm10 =	vge.u32 v52, s13;
	v24 =	vsel vm9, $0x1, v0;
	v3 =	vadd.s32 v23, v3  }
0xfa: {  	vm11 =	vge.u32 v51, s13;
	v25 =	vsel vm10, $0x1, v0;
	v3 =	vadd.s32 v24, v3  }
0xfb: {  	vm12 =	vge.u32 v56, s13;
	v26 =	vsel vm11, $0x1, v0;
	v3 =	vadd.s32 v25, v3  }
0xfc: {  	vm13 =	vge.u32 v55, s13;
	v27 =	vsel vm12, $0x1, v0;
	v3 =	vadd.s32 v26, v3  }
0xfd: {  	vm14 =	vge.u32 v54, s13;
	v28 =	vsel vm13, $0x1, v0;
	v3 =	vadd.s32 v27, v3  }
0xfe: {  	vm15 =	vge.u32 v59, s13;
	v29 =	vsel vm14, $0x1, v0;
	v3 =	vadd.s32 v28, v3  }
0xff: {  	vm4 =	vge.u32 v58, s13;
	v30 =	vsel vm15, $0x1, v0;
	v3 =	vadd.s32 v29, v3  }
0x100: {  	vm5 =	vge.u32 v57, s13;
	v31 =	vsel vm4, $0x1, v0;
	v3 =	vadd.s32 v30, v3  }
0x101: {  	vm6 =	vge.u32 v62, s13;
	v32 =	vsel vm5, $0x1, v0;
	v3 =	vadd.s32 v31, v3  }
0x102: {  	vm7 =	vge.u32 v61, s13;
	v33 =	vsel vm6, $0x1, v0;
	v3 =	vadd.s32 v32, v3  }
0x103: {  	vm8 =	vge.u32 v60, s13;
	v34 =	vsel vm7, $0x1, v0;
	v3 =	vadd.s32 v33, v3  }
0x104: {  	vm9 =	vge.u32 v1, s13;
	v35 =	vsel vm8, $0x1, v0;
	v3 =	vadd.s32 v34, v3  }
0x105: {  	vm10 =	vge.u32 v63, s13;
	v1 =	vadd.s32 v35, v3;
	v3 =	vsel vm9, $0x1, v0  }
0x106: {  	vm11 =	vge.u32 v2, s13;
	v1 =	vadd.s32 v3, v1;
	v3 =	vsel vm10, $0x1, v0  }
0x107: {  	v2 =	vsel vm11, $0x1, v0;
	v1 =	vadd.s32 v3, v1  }
0x108: {  	v1 =	vadd.s32 v2, v1  }
0x109: {  	(xrf0) =	vadd.scan.msk.s32 $0xffff, v1;
	_ =	sdelay $0x5  }
0x10a: {  	v1, _, _ =	vpop (xrf0)  }
0x10b: {  	(v2sf) =	vpush v1, $0xF;
	_ =	sdelay $0xa  }
0x10c: {  	v37 =	vld [tilespmem:$0x450]  }
0x10d: {  	v43 =	vld [tilespmem:$0x4A0]  }
0x10e: {  	v41 =	vld [tilespmem:$0x490]  }
0x10f: {  	v1 =	vld [tilespmem:$0x410]  }
0x110: {  	v2 =	vld [tilespmem:$0x420];
	s14 =	spop (v2sf)  }
0x111: {  	v3 =	vld [tilespmem:$0x430];
	p0 =	sgt.s32 s14, $0x132  }
0x112: {  	v36 =	vld [tilespmem:$0x440];
	s12 =	smov.u32 @p0 s13  }
0x113: {  	v7 =	vimm.f32 $0.0e+00;
	v48 =	vld [tilespmem:$0x4E0];
	vm12 =	vgt.u32 v6, s12  }
0x114: {  	vm13 =	vgt.u32 v1, s12;
	v1 =	vld [tilespmem:$0x460];
	v6 =	vsel vm12, $0x3F800000, v7  }
0x115: {  	vm14 =	vgt.u32 v2, s12;
	v2 =	vld [tilespmem:$0x470];
	v38 =	vsel vm13, $0x3F800000, v7;
	[tilespmem:$0x800] =	vst v6  }
0x116: {  	vm15 =	vgt.u32 v3, s12;
	v3 =	vld [tilespmem:$0x480];
	v39 =	vsel vm14, $0x3F800000, v7;
	[tilespmem:$0x810] =	vst v38  }
0x117: {  	v50 =	vld [tilespmem:$0x4F0];
	vm4 =	vgt.u32 v36, s12;
	v40 =	vsel vm15, $0x3F800000, v7;
	[tilespmem:$0x820] =	vst v39  }
0x118: {  	v55 =	vld [tilespmem:$0x530];
	vm5 =	vgt.u32 v37, s12;
	v42 =	vsel vm4, $0x3F800000, v7;
	[tilespmem:$0x830] =	vst v40  }
0x119: {  	vm9 =	vgt.u32 v41, s12;
	v44 =	vsel vm5, $0x3F800000, v7;
	[tilespmem:$0x840] =	vst v42;
	vm6 =	vgt.u32 v1, s12;
	v1 =	vld [tilespmem:$0x4B0]  }
0x11a: {  	vm10 =	vgt.u32 v43, s12;
	v49 =	vsel vm9, $0x3F800000, v7;
	[tilespmem:$0x850] =	vst v44;
	vm7 =	vgt.u32 v2, s12;
	v2 =	vld [tilespmem:$0x4C0]  }
0x11b: {  	v51 =	vsel vm10, $0x3F800000, v7;
	vm14 =	vgt.u32 v48, s12;
	[tilespmem:$0x890] =	vst v49;
	vm8 =	vgt.u32 v3, s12;
	v3 =	vld [tilespmem:$0x4D0]  }
0x11c: {  	v57 =	vld [tilespmem:$0x540];
	vm15 =	vgt.u32 v50, s12;
	[tilespmem:$0x8A0] =	vst v51;
	v56 =	vsel vm14, $0x3F800000, v7  }
0x11d: {  	v62 =	vld [tilespmem:$0x580];
	v58 =	vsel vm15, $0x3F800000, v7;
	[tilespmem:$0x8E0] =	vst v56  }
0x11e: {  	[tilespmem:$0x8F0] =	vst v58;
	v45 =	vsel vm6, $0x3F800000, v7;
	vm11 =	vgt.u32 v1, s12;
	v1 =	vld [tilespmem:$0x500]  }
0x11f: {  	v46 =	vsel vm7, $0x3F800000, v7;
	[tilespmem:$0x860] =	vst v45;
	vm12 =	vgt.u32 v2, s12;
	v2 =	vld [tilespmem:$0x510]  }
0x120: {  	v47 =	vsel vm8, $0x3F800000, v7;
	vm7 =	vgt.u32 v55, s12;
	[tilespmem:$0x870] =	vst v46;
	vm13 =	vgt.u32 v3, s12;
	v3 =	vld [tilespmem:$0x520]  }
0x121: {  	v9 =	vld [tilespmem:$0x590];
	vm8 =	vgt.u32 v57, s12;
	[tilespmem:$0x880] =	vst v47;
	v63 =	vsel vm7, $0x3F800000, v7  }
0x122: {  	v14 =	vld [tilespmem:$0x5D0];
	v10 =	vsel vm8, $0x3F800000, v7;
	[tilespmem:$0x930] =	vst v63  }
0x123: {  	[tilespmem:$0x940] =	vst v10;
	v52 =	vsel vm11, $0x3F800000, v7;
	vm4 =	vgt.u32 v1, s12;
	v1 =	vld [tilespmem:$0x550]  }
0x124: {  	v53 =	vsel vm12, $0x3F800000, v7;
	[tilespmem:$0x8B0] =	vst v52;
	vm5 =	vgt.u32 v2, s12;
	v2 =	vld [tilespmem:$0x560]  }
0x125: {  	v54 =	vsel vm13, $0x3F800000, v7;
	vm12 =	vgt.u32 v62, s12;
	[tilespmem:$0x8C0] =	vst v53;
	vm6 =	vgt.u32 v3, s12;
	v3 =	vld [tilespmem:$0x570]  }
0x126: {  	v16 =	vld [tilespmem:$0x5E0];
	vm13 =	vgt.u32 v9, s12;
	[tilespmem:$0x8D0] =	vst v54;
	v15 =	vsel vm12, $0x3F800000, v7  }
0x127: {  	v21 =	vld [tilespmem:$0x620];
	v17 =	vsel vm13, $0x3F800000, v7;
	[tilespmem:$0x980] =	vst v15  }
0x128: {  	[tilespmem:$0x990] =	vst v17;
	v59 =	vsel vm4, $0x3F800000, v7;
	vm9 =	vgt.u32 v1, s12;
	v1 =	vld [tilespmem:$0x5A0]  }
0x129: {  	v60 =	vsel vm5, $0x3F800000, v7;
	[tilespmem:$0x900] =	vst v59;
	vm10 =	vgt.u32 v2, s12;
	v2 =	vld [tilespmem:$0x5B0]  }
0x12a: {  	v61 =	vsel vm6, $0x3F800000, v7;
	vm5 =	vgt.u32 v14, s12;
	[tilespmem:$0x910] =	vst v60;
	vm11 =	vgt.u32 v3, s12;
	v3 =	vld [tilespmem:$0x5C0]  }
0x12b: {  	v23 =	vld [tilespmem:$0x630];
	vm6 =	vgt.u32 v16, s12;
	[tilespmem:$0x920] =	vst v61;
	v22 =	vsel vm5, $0x3F800000, v7  }
0x12c: {  	v28 =	vld [tilespmem:$0x670];
	v24 =	vsel vm6, $0x3F800000, v7;
	[tilespmem:$0x9D0] =	vst v22  }
0x12d: {  	[tilespmem:$0x9E0] =	vst v24;
	v11 =	vsel vm9, $0x3F800000, v7;
	vm14 =	vgt.u32 v1, s12;
	v1 =	vld [tilespmem:$0x5F0]  }
0x12e: {  	v12 =	vsel vm10, $0x3F800000, v7;
	[tilespmem:$0x950] =	vst v11;
	vm15 =	vgt.u32 v2, s12;
	v2 =	vld [tilespmem:$0x600]  }
0x12f: {  	v13 =	vsel vm11, $0x3F800000, v7;
	vm10 =	vgt.u32 v21, s12;
	[tilespmem:$0x960] =	vst v12;
	vm4 =	vgt.u32 v3, s12;
	v3 =	vld [tilespmem:$0x610]  }
0x130: {  	v30 =	vld [tilespmem:$0x680];
	vm11 =	vgt.u32 v23, s12;
	[tilespmem:$0x970] =	vst v13;
	v29 =	vsel vm10, $0x3F800000, v7  }
0x131: {  	v35 =	vld [tilespmem:$0x6C0];
	v31 =	vsel vm11, $0x3F800000, v7;
	[tilespmem:$0xA20] =	vst v29  }
0x132: {  	[tilespmem:$0xA30] =	vst v31;
	v18 =	vsel vm14, $0x3F800000, v7;
	vm7 =	vgt.u32 v1, s12;
	v1 =	vld [tilespmem:$0x640]  }
0x133: {  	v19 =	vsel vm15, $0x3F800000, v7;
	[tilespmem:$0x9A0] =	vst v18;
	vm8 =	vgt.u32 v2, s12;
	v2 =	vld [tilespmem:$0x650]  }
0x134: {  	v20 =	vsel vm4, $0x3F800000, v7;
	vm15 =	vgt.u32 v28, s12;
	[tilespmem:$0x9B0] =	vst v19;
	vm9 =	vgt.u32 v3, s12;
	v3 =	vld [tilespmem:$0x660]  }
0x135: {  	v37 =	vld [tilespmem:$0x6D0];
	vm4 =	vgt.u32 v30, s12;
	[tilespmem:$0x9C0] =	vst v20;
	v36 =	vsel vm15, $0x3F800000, v7  }
0x136: {  	v42 =	vld [tilespmem:$0x710];
	v38 =	vsel vm4, $0x3F800000, v7;
	[tilespmem:$0xA70] =	vst v36  }
0x137: {  	[tilespmem:$0xA80] =	vst v38;
	v25 =	vsel vm7, $0x3F800000, v7;
	vm12 =	vgt.u32 v1, s12;
	v1 =	vld [tilespmem:$0x690]  }
0x138: {  	v26 =	vsel vm8, $0x3F800000, v7;
	[tilespmem:$0x9F0] =	vst v25;
	vm13 =	vgt.u32 v2, s12;
	v2 =	vld [tilespmem:$0x6A0]  }
0x139: {  	v27 =	vsel vm9, $0x3F800000, v7;
	vm8 =	vgt.u32 v35, s12;
	[tilespmem:$0xA00] =	vst v26;
	vm14 =	vgt.u32 v3, s12;
	v3 =	vld [tilespmem:$0x6B0]  }
0x13a: {  	v44 =	vld [tilespmem:$0x720];
	vm9 =	vgt.u32 v37, s12;
	[tilespmem:$0xA10] =	vst v27;
	v43 =	vsel vm8, $0x3F800000, v7  }
0x13b: {  	v49 =	vld [tilespmem:$0x760];
	v45 =	vsel vm9, $0x3F800000, v7;
	[tilespmem:$0xAC0] =	vst v43  }
0x13c: {  	[tilespmem:$0xAD0] =	vst v45;
	v32 =	vsel vm12, $0x3F800000, v7;
	vm5 =	vgt.u32 v1, s12;
	v1 =	vld [tilespmem:$0x6E0]  }
0x13d: {  	v33 =	vsel vm13, $0x3F800000, v7;
	[tilespmem:$0xA40] =	vst v32;
	vm6 =	vgt.u32 v2, s12;
	v2 =	vld [tilespmem:$0x6F0]  }
0x13e: {  	v34 =	vsel vm14, $0x3F800000, v7;
	vm13 =	vgt.u32 v42, s12;
	[tilespmem:$0xA50] =	vst v33;
	vm7 =	vgt.u32 v3, s12;
	v3 =	vld [tilespmem:$0x700]  }
0x13f: {  	v51 =	vld [tilespmem:$0x770];
	vm14 =	vgt.u32 v44, s12;
	[tilespmem:$0xA60] =	vst v34;
	v50 =	vsel vm13, $0x3F800000, v7  }
0x140: {  	v56 =	vld [tilespmem:$0x7B0];
	v52 =	vsel vm14, $0x3F800000, v7;
	[tilespmem:$0xB10] =	vst v50  }
0x141: {  	[tilespmem:$0xB20] =	vst v52;
	v39 =	vsel vm5, $0x3F800000, v7;
	vm10 =	vgt.u32 v1, s12;
	v1 =	vld [tilespmem:$0x730]  }
0x142: {  	v40 =	vsel vm6, $0x3F800000, v7;
	[tilespmem:$0xA90] =	vst v39;
	vm11 =	vgt.u32 v2, s12;
	v2 =	vld [tilespmem:$0x740]  }
0x143: {  	v41 =	vsel vm7, $0x3F800000, v7;
	vm6 =	vgt.u32 v49, s12;
	[tilespmem:$0xAA0] =	vst v40;
	vm12 =	vgt.u32 v3, s12;
	v3 =	vld [tilespmem:$0x750]  }
0x144: {  	vm7 =	vgt.u32 v51, s12;
	[tilespmem:$0xAB0] =	vst v41;
	v57 =	vsel vm6, $0x3F800000, v7  }
0x145: {  	v59 =	vsel vm7, $0x3F800000, v7;
	[tilespmem:$0xB60] =	vst v57  }
0x146: {  	[tilespmem:$0xB70] =	vst v59;
	v46 =	vsel vm10, $0x3F800000, v7;
	vm15 =	vgt.u32 v1, s12;
	v1 =	vld [tilespmem:$0x780]  }
0x147: {  	v47 =	vsel vm11, $0x3F800000, v7;
	[tilespmem:$0xAE0] =	vst v46;
	vm4 =	vgt.u32 v2, s12;
	v2 =	vld [tilespmem:$0x790]  }
0x148: {  	v48 =	vsel vm12, $0x3F800000, v7;
	vm11 =	vgt.u32 v56, s12;
	[tilespmem:$0xAF0] =	vst v47;
	vm5 =	vgt.u32 v3, s12;
	v3 =	vld [tilespmem:$0x7A0]  }
0x149: {  	[tilespmem:$0xB00] =	vst v48;
	v63 =	vsel vm11, $0x3F800000, v7  }
0x14a: {  	v58 =	vld [tilespmem:$0x7C0];
	[tilespmem:$0xBB0] =	vst v63;
	v53 =	vsel vm15, $0x3F800000, v7  }
0x14b: {  	v54 =	vsel vm4, $0x3F800000, v7;
	[tilespmem:$0xB30] =	vst v53;
	vm8 =	vgt.u32 v1, s12;
	v1 =	vld [tilespmem:$0x7D0]  }
0x14c: {  	v55 =	vsel vm5, $0x3F800000, v7;
	[tilespmem:$0xB40] =	vst v54;
	vm9 =	vgt.u32 v2, s12;
	v2 =	vld [tilespmem:$0x7E0]  }
0x14d: {  	[tilespmem:$0xB50] =	vst v55;
	vm10 =	vgt.u32 v3, s12;
	v3 =	vld [tilespmem:$0x7F0];
	v60 =	vsel vm8, $0x3F800000, v7  }
0x14e: {  	v61 =	vsel vm9, $0x3F800000, v7;
	[tilespmem:$0xB80] =	vst v60  }
0x14f: {  	vm12 =	vgt.u32 v58, s12;
	v62 =	vsel vm10, $0x3F800000, v7;
	[tilespmem:$0xB90] =	vst v61  }
0x150: {  	[tilespmem:$0xBA0] =	vst v62;
	vm13 =	vgt.u32 v1, s12;
	v1 =	vsel vm12, $0x3F800000, v7  }
0x151: {  	vm14 =	vgt.u32 v2, s12;
	[tilespmem:$0xBC0] =	vst v1;
	v1 =	vsel vm13, $0x3F800000, v7  }
0x152: {  	s11 =	sadd.s32 $0x1, s11;
	vm15 =	vgt.u32 v3, s12;
	[tilespmem:$0xBD0] =	vst v1;
	v1 =	vsel vm14, $0x3F800000, v7  }
0x153: {  	p0 =	sne.s32 s11, s5;
	[tilespmem:$0xBE0] =	vst v1;
	v1 =	vsel vm15, $0x3F800000, v7  }
.Ltmp1:
0x154: {  	[tilespmem:$0xBF0] =	vst v1;
	(pc) =	sbr.rel @p0 .LBB2_1-.Ltmp1, $4  }
0x155: {  	[hbm4b:s4+s6] =	stream.strided.scatter [tilespmem:s10], [sflag:$0x1], $0x400, s7, s6, $0x38;
	[tilespmem:$0xC00] =	vst v63  }
0x156: {  	_ =	swait.ge [sflag:s8], $0x400  }
0x157: {  	[sflag:s8] =	ssyncset.done $0x0  }
0x158: {  	[sflag:s8] =	ssyncadd.s32 $0xFFFFFC00  }
0x159: {  	_ =	sfence.sel $0x180000  }
0x15a: {  	[bflag:$0x0] =	sbarrier.arrive $0xFFFF  }
0x15b: {  	p0 =	sne.s32 s1, $0x0;
	_ =	strace $0x90000047  }
0x15c: {  	s0 =	sadd.s32 @!p0 $0x100000, s0;
	[bflag:$0x2] =	sbarrier.arrive $0xFFFF  }
0x15d: {  	[sflag:s0] =	ssyncadd.tile.s32 @!p0 $0x1;
	_ =	shalt  }
.Lfunc_end2:
_tile_overlayer_lowered:
.L_overlay_start_2:
0x15e: {  	(tag) =	ssettag $0x2  }
0x15f: {  	s0 =	rddreg [dreg:$0x0];
	s2 =	stileid.u32  }
0x160: {  	s1 =	rddreg [dreg:$0x1];
	p0 =	sne.s32 s2, $0x0  }
0x161: {  	s3 =	rddreg [dreg:$0x2];
	[bflag:$0x3] =	sbarrier.arrive $0xFFFF;
	s2 =	simm.s32 @!p0 $0x1C01  }
0x162: {  	[timem:s3], [sflag:s2] =	dma.local @!p0 [hbm:s0], s1  }
0x163: {  	s0 =	simm.s32 @!p0 $0x1  }
0x164: {  	_ =	swait.ge @!p0 [sflag:s0], s1  }
0x165: {  	s1 =	ssub.s32 @!p0 $0x0, s1;
	[sflag:s0] =	ssyncset.done @!p0 $0x0  }
0x166: {  	[sflag:s0] =	ssyncadd.s32 @!p0 s1  }
0x167: {  	[bflag:$0x3] =	sbarrier.arrive $0xFFFF  }
0x168: {  	_ =	shalt  }

</sc_bundles>
